<compile_context>
chip_gen: v7x
topology: tpu7x:2x2x1
jax: 0.10.2.dev20260603
libtpu: 0.0.44.dev20260713+nightly
codegen_flags: <defaults>
</compile_context>

<pallas_src>
import functools

import jax
import jax.numpy as jnp
from jax import lax
from jax.experimental import pallas as pl
from jax.experimental.pallas import tpu as pltpu
from jax.experimental.pallas import tpu_sc as plsc

ROWS = 16384
COLS = 26
DIM = 16
VOCAB = 2600000
ESTRIDE = 2600064
FIELD = 100000
NC = 2
NS = 16
NW = NC * NS
RPW = ROWS // NW
LANES = 16

CH = 4096
NFULL = VOCAB // CH
TAILV = NFULL * CH
TAILCH = 3072
NITEM = 2 * NFULL
NITER = (NITEM + NW - 1) // NW


def _detile_body(tt_hbm, tail_hbm, tlin_hbm, scr, tscr, isem, osem):
    wid = lax.axis_index("s") * NC + lax.axis_index("c")

    def item(k):
        k = lax.rem(k, NITEM)
        g = k // NFULL
        v0 = pl.multiple_of((k % NFULL) * CH, 128)
        g8 = pl.multiple_of(g * 8, 8)
        return g, g8, v0

    def fire_in(k, p):
        _, g8, v0 = item(k)
        pltpu.async_copy(tt_hbm.at[pl.ds(g8, 8), pl.ds(v0, CH)],
                         scr.at[p], isem)

    fire_in(wid, 0)

    def do_item(j, carry):
        p = lax.rem(j, 2)
        pltpu.make_async_copy(
            tt_hbm.at[pl.ds(0, 8), pl.ds(0, CH)], scr.at[p], isem).wait()
        fire_in(wid + NW * (j + 1), 1 - p)
        g, _, v0 = item(wid + NW * j)
        outs = [
            pltpu.async_copy(
                scr.at[p, r],
                tlin_hbm.at[pl.ds((g * 8 + r) * ESTRIDE + v0, CH)], osem)
            for r in range(8)
        ]
        for cp in outs:
            cp.wait()
        return carry

    lax.fori_loop(0, NITER, do_item, 0)
    pltpu.make_async_copy(
        tt_hbm.at[pl.ds(0, 8), pl.ds(0, CH)],
        scr.at[NITER % 2], isem).wait()

    @pl.when(wid < 2)
    def _tail_block():
        g8 = pl.multiple_of(wid * 8, 8)
        pltpu.sync_copy(
            tt_hbm.at[pl.ds(g8, 8), pl.ds(TAILV, TAILCH)],
            scr.at[0, :, pl.ds(0, TAILCH)],
        )
        for r in range(8):
            pltpu.sync_copy(
                scr.at[0, r, pl.ds(0, TAILCH)],
                tlin_hbm.at[pl.ds((wid * 8 + r) * ESTRIDE + TAILV, TAILCH)],
            )

    @pl.when(wid >= NW - DIM)
    def _tail64():
        e = wid - (NW - DIM)
        pltpu.sync_copy(tail_hbm.at[pl.ds(e * 64, 64)], tscr)
        pltpu.sync_copy(
            tscr,
            tlin_hbm.at[pl.ds(e * ESTRIDE + (VOCAB - 64), 64)],
        )


_detile_call = pl.kernel(
    _detile_body,
    out_type=jax.ShapeDtypeStruct((DIM * ESTRIDE,), jnp.float32),
    mesh=plsc.VectorSubcoreMesh(core_axis_name="c", subcore_axis_name="s"),
    scratch_types=[
        pltpu.VMEM((2, 8, CH), jnp.float32),
        pltpu.VMEM((64,), jnp.float32),
        pltpu.SemaphoreType.DMA,
        pltpu.SemaphoreType.DMA,
    ],
)


def _gather_body(xt_hbm, tlin_hbm, out_hbm, xcol, idx2d, rows2, gsem, osem):
    wid = lax.axis_index("s") * NC + lax.axis_index("c")
    r0 = wid * RPW

    def drain_gathers(p):
        for e in range(DIM):
            pltpu.make_async_copy(
                tlin_hbm.at[pl.ds(0, RPW)], rows2.at[p, e], gsem).wait()

    def fire_out(c, p):
        pltpu.async_copy(rows2.at[p], out_hbm.at[c, :, pl.ds(r0, RPW)], osem)

    def drain_out(p):
        pltpu.make_async_copy(
            rows2.at[p], out_hbm.at[0, :, pl.ds(r0, RPW)], osem).wait()

    def do_col(c, carry):
        p = lax.rem(c, 2)
        pltpu.sync_copy(xt_hbm.at[c, pl.ds(r0, RPW)], xcol)

        def add_off(i, _):
            o = pl.multiple_of(i * LANES, LANES)
            vv = xcol[pl.ds(o, LANES)] + c * FIELD
            for e in range(DIM):
                idx2d[p, e, pl.ds(o, LANES)] = vv + e * ESTRIDE
            return _
        lax.fori_loop(0, RPW // LANES, add_off, 0, unroll=2)

        @pl.when(c >= 2)
        def _():
            drain_out(p)

        for e in range(DIM):
            pltpu.async_copy(
                tlin_hbm.at[idx2d.at[p, e]], rows2.at[p, e], gsem)

        @pl.when(c >= 1)
        def _():
            drain_gathers(1 - p)
            fire_out(c - 1, 1 - p)
        return carry

    lax.fori_loop(0, COLS, do_col, 0)

    last_p = (COLS - 1) % 2
    drain_gathers(last_p)
    fire_out(COLS - 1, last_p)
    drain_out(1 - last_p)
    drain_out(last_p)


_gather_call = pl.kernel(
    _gather_body,
    out_type=jax.ShapeDtypeStruct((COLS, DIM, ROWS), jnp.float32),
    mesh=plsc.VectorSubcoreMesh(core_axis_name="c", subcore_axis_name="s"),
    compiler_params=pltpu.CompilerParams(use_tc_tiling_on_sc=False),
    scratch_types=[
        pltpu.VMEM((RPW,), jnp.int32),
        pltpu.VMEM((2, DIM, RPW), jnp.int32),
        pltpu.VMEM((2, DIM, RPW), jnp.float32),
        pltpu.SemaphoreType.DMA,
        pltpu.SemaphoreType.DMA,
    ],
)


@jax.jit
def kernel(x, table):
    xt = x.T.astype(jnp.int32)
    tail = jnp.swapaxes(lax.slice(table, (VOCAB - 64, 0), (VOCAB, DIM)),
                        0, 1).reshape(DIM * 64)
    tlin = _detile_call(table.T, tail)
    out = _gather_call(xt, tlin)
    return out.transpose(2, 0, 1)

# --- scband reference (transcript-rebuilt; emitter-appended) ---
"""Pipeline reference for scband-features-embedding-80582176408341 (READ-ONLY COPY).

The authoritative reference and input builder live on the scoring server;
editing this copy changes nothing except your own understanding.
"""

import jax, jax.numpy as jnp
import numpy as np
import math

FIELD_DIMS = [100000] * 26
EMBED_DIM = 16
OFFSETS = np.concatenate([[0], np.cumsum(FIELD_DIMS)[:-1]]).astype(np.int64)


def setup_inputs(seed: int = 0) -> dict:
    key = jax.random.key(seed)
    k1, k2 = jax.random.split(key)
    x = jax.random.randint(k1, (16384, 26), 0, 100000)
    std = 0.5 / math.sqrt(len(FIELD_DIMS) * (len(FIELD_DIMS) - 1) / 2 * EMBED_DIM)
    table = jax.random.normal(k2, (sum(FIELD_DIMS), EMBED_DIM), dtype=jnp.float32) * std
    return {"x": x, "table": table}


def reference(x, table):
    # FeaturesEmbedding.forward with normalize='none', field_idx=None:
    #   x = x + offsets[None, :]; embed = embedding(x); return embed
    offsets = jnp.asarray(OFFSETS, dtype=x.dtype)
    idx = x + offsets[None, :]
    embed = jnp.take(table, idx, axis=0)
    return embed

if __name__ == "__main__":
    import jax
    _d = setup_inputs()
    print(jax.jit(kernel)(*tuple(_d.values())))

</pallas_src>

<mosaic_0001>
#map = affine_map<(d0, d1) -> (0, 0)>
#map1 = affine_map<(d0, d1) -> (0)>
module attributes {stable_mosaic.version = 14 : i64} {
  func.func @_detile_body(%arg0: i32, %arg1: i32, %arg2: memref<16x2600000xf32, #tpu.memory_space<hbm>>, %arg3: memref<1024xf32, #tpu.memory_space<hbm>>, %arg4: memref<41601024xf32, #tpu.memory_space<hbm>>, %arg5: memref<2x8x4096xf32, #tpu.memory_space<vmem>>, %arg6: memref<64xf32, #tpu.memory_space<vmem>>, %arg7: memref<!tpu.dma_semaphore, #tpu.memory_space<semaphore_mem>>, %arg8: memref<!tpu.dma_semaphore, #tpu.memory_space<semaphore_mem>>) attributes {dimension_semantics = [#tpu.dimension_semantics<core_parallel>, #tpu.dimension_semantics<subcore_parallel>], iteration_bounds = array<i64: 2, 16>, scalar_prefetch = 0 : i64, scratch_operands = 4 : i64, tpu.core_type = #tpu.core_type<sc_vector_subcore>, window_params = [{transform_indices = #map}, {transform_indices = #map1}, {transform_indices = #map1}]} {
    %mul3A = arith.constant 2 : i32
    %mul3A_0 = arith.muli %arg1, %mul3A : i32
    %add3A = arith.addi %mul3A_0, %arg0 : i32
    %rem3A = arith.constant 1268 : i32
    %rem3A_1 = arith.remsi %add3A, %rem3A : i32
    %jit3A = arith.constant 634 : i32
    %div3A = arith.divsi %rem3A_1, %jit3A : i32
    %sign3A = arith.constant 0 : i32
    %sign3A_2 = arith.cmpi sgt, %rem3A_1, %sign3A : i32
    %sign3A_3 = arith.extui %sign3A_2 : i1 to i32
    %sign3A_4 = arith.constant 0 : i32
    %sign3A_5 = arith.cmpi slt, %rem3A_1, %sign3A_4 : i32
    %sign3A_6 = arith.extui %sign3A_5 : i1 to i32
    %sign3A_7 = arith.subi %sign3A_3, %sign3A_6 : i32
    %sign3A_8 = arith.constant 0 : i32
    %sign3A_9 = arith.cmpi sgt, %jit3A, %sign3A_8 : i32
    %sign3A_10 = arith.extui %sign3A_9 : i1 to i32
    %sign3A_11 = arith.constant 0 : i32
    %sign3A_12 = arith.cmpi slt, %jit3A, %sign3A_11 : i32
    %sign3A_13 = arith.extui %sign3A_12 : i1 to i32
    %sign3A_14 = arith.subi %sign3A_10, %sign3A_13 : i32
    %ne3A = arith.cmpi ne, %sign3A_7, %sign3A_14 : i32
    %rem3A_15 = arith.remsi %rem3A_1, %jit3A : i32
    %ne3A_16 = arith.constant 0 : i32
    %ne3A_17 = arith.cmpi ne, %rem3A_15, %ne3A_16 : i32
    %and3A = arith.andi %ne3A, %ne3A_17 : i1
    %sub3A = arith.constant 1 : i32
    %sub3A_18 = arith.subi %div3A, %sub3A : i32
    %select_n3A = arith.select %and3A, %sub3A_18, %div3A : i32
    %jit3A_19 = arith.constant 634 : i32
    %eq3A = arith.constant 0 : i32
    %eq3A_20 = arith.cmpi eq, %jit3A_19, %eq3A : i32
    %jit3A_21 = arith.constant 1 : i32
    %select_n3A_22 = arith.select %eq3A_20, %jit3A_21, %jit3A_19 : i32
    %rem3A_23 = arith.remsi %rem3A_1, %select_n3A_22 : i32
    %ne3A_24 = arith.constant 0 : i32
    %ne3A_25 = arith.cmpi ne, %rem3A_23, %ne3A_24 : i32
    %lt3A = arith.constant 0 : i32
    %lt3A_26 = arith.cmpi slt, %rem3A_23, %lt3A : i32
    %lt3A_27 = arith.constant 0 : i32
    %lt3A_28 = arith.cmpi slt, %select_n3A_22, %lt3A_27 : i32
    %ne3A_29 = arith.xori %lt3A_26, %lt3A_28 : i1
    %and3A_30 = arith.andi %ne3A_29, %ne3A_25 : i1
    %add3A_31 = arith.addi %rem3A_23, %select_n3A_22 : i32
    %select_n3A_32 = arith.select %and3A_30, %add3A_31, %rem3A_23 : i32
    %mul3A_33 = arith.constant 4096 : i32
    %mul3A_34 = arith.muli %select_n3A_32, %mul3A_33 : i32
    %multiple_of3A = tpu.assume_multiple %mul3A_34, 128 : i32
    %mul3A_35 = arith.constant 8 : i32
    %mul3A_36 = arith.muli %select_n3A, %mul3A_35 : i32
    %multiple_of3A_37 = tpu.assume_multiple %mul3A_36, 8 : i32
    %dma_start3A = arith.constant 0 : i32
    %dma_start3A_38 = arith.constant 0 : i32
    %dma_start3A_39 = arith.constant 0 : i32
    %dma_start3A_40 = tpu.memref_slice %arg5[%dma_start3A, %dma_start3A_38, %dma_start3A_39] : memref<2x8x4096xf32, #tpu.memory_space<vmem>> -> memref<1x8x4096xf32, #tpu.memory_space<vmem>>
    %dma_start3A_41 = tpu.memref_squeeze %dma_start3A_40 : memref<1x8x4096xf32, #tpu.memory_space<vmem>> -> memref<8x4096xf32, #tpu.memory_space<vmem>>
    %dma_start3A_42 = tpu.memref_slice %arg2[%multiple_of3A_37, %multiple_of3A] : memref<16x2600000xf32, #tpu.memory_space<hbm>> -> memref<8x4096xf32, #tpu.memory_space<hbm>>
    %dma_start3A_43 = arith.constant 0 : i32
    %dma_start3A_44 = arith.constant 0 : i32
    %dma_start3A_45 = tpu.memref_slice %arg5[%dma_start3A, %dma_start3A_43, %dma_start3A_44] : memref<2x8x4096xf32, #tpu.memory_space<vmem>> -> memref<1x8x4096xf32, #tpu.memory_space<vmem>>
    %dma_start3A_46 = tpu.memref_squeeze %dma_start3A_45 : memref<1x8x4096xf32, #tpu.memory_space<vmem>> -> memref<8x4096xf32, #tpu.memory_space<vmem>>
    %dma_start3A_47 = tpu.memref_slice %arg2[%multiple_of3A_37, %multiple_of3A] : memref<16x2600000xf32, #tpu.memory_space<hbm>> -> memref<8x4096xf32, #tpu.memory_space<hbm>>
    tpu.enqueue_dma source(%dma_start3A_47 : memref<8x4096xf32, #tpu.memory_space<hbm>>) target(%dma_start3A_46 : memref<8x4096xf32, #tpu.memory_space<vmem>>) target_semaphore(%arg7 : memref<!tpu.dma_semaphore, #tpu.memory_space<semaphore_mem>>)
    %scan3A = arith.constant 0 : i32
    %scan3A_48 = arith.constant 0 : i32
    %scan3A_49 = arith.constant 40 : i32
    %scan3A_50 = arith.addi %scan3A_48, %scan3A_49 : i32
    %scan3A_51 = arith.constant 1 : i32
    scf.for %scan3A_74 = %scan3A_48 to %scan3A_50 step %scan3A_51  : i32 {
      %rem3A_75 = arith.constant 2 : i32
      %rem3A_76 = arith.remsi %scan3A_74, %rem3A_75 : i32
      %dma_wait3A_77 = arith.constant 0 : i32
      %dma_wait3A_78 = arith.constant 0 : i32
      %dma_wait3A_79 = tpu.memref_slice %arg5[%rem3A_76, %dma_wait3A_77, %dma_wait3A_78] : memref<2x8x4096xf32, #tpu.memory_space<vmem>> -> memref<1x8x4096xf32, #tpu.memory_space<vmem>>
      %dma_wait3A_80 = tpu.memref_squeeze %dma_wait3A_79 : memref<1x8x4096xf32, #tpu.memory_space<vmem>> -> memref<8x4096xf32, #tpu.memory_space<vmem>>
      %dma_wait3A_81 = arith.constant 0 : i32
      %dma_wait3A_82 = arith.constant 0 : i32
      %dma_wait3A_83 = tpu.memref_slice %arg2[%dma_wait3A_81, %dma_wait3A_82] : memref<16x2600000xf32, #tpu.memory_space<hbm>> -> memref<8x4096xf32, #tpu.memory_space<hbm>>
      %dma_wait3A_84 = arith.constant 0 : i32
      %dma_wait3A_85 = arith.constant 0 : i32
      %dma_wait3A_86 = tpu.memref_slice %arg5[%rem3A_76, %dma_wait3A_84, %dma_wait3A_85] : memref<2x8x4096xf32, #tpu.memory_space<vmem>> -> memref<1x8x4096xf32, #tpu.memory_space<vmem>>
      %dma_wait3A_87 = tpu.memref_squeeze %dma_wait3A_86 : memref<1x8x4096xf32, #tpu.memory_space<vmem>> -> memref<8x4096xf32, #tpu.memory_space<vmem>>
      %dma_wait3A_88 = arith.constant 0 : i32
      %dma_wait3A_89 = arith.constant 0 : i32
      %dma_wait3A_90 = tpu.memref_slice %arg2[%dma_wait3A_88, %dma_wait3A_89] : memref<16x2600000xf32, #tpu.memory_space<hbm>> -> memref<8x4096xf32, #tpu.memory_space<hbm>>
      tpu.wait_dma2 semaphore(%arg7 : memref<!tpu.dma_semaphore, #tpu.memory_space<semaphore_mem>>) src(%dma_wait3A_90 : memref<8x4096xf32, #tpu.memory_space<hbm>>) dst(%dma_wait3A_87 : memref<8x4096xf32, #tpu.memory_space<vmem>>)
      %add3A_91 = arith.constant 1 : i32
      %add3A_92 = arith.addi %scan3A_74, %add3A_91 : i32
      %mul3A_93 = arith.constant 32 : i32
      %mul3A_94 = arith.muli %mul3A_93, %add3A_92 : i32
      %add3A_95 = arith.addi %add3A, %mul3A_94 : i32
      %sub3A_96 = arith.constant 1 : i32
      %sub3A_97 = arith.subi %sub3A_96, %rem3A_76 : i32
      %rem3A_98 = arith.constant 1268 : i32
      %rem3A_99 = arith.remsi %add3A_95, %rem3A_98 : i32
      %jit3A_100 = arith.constant 634 : i32
      %div3A_101 = arith.divsi %rem3A_99, %jit3A_100 : i32
      %sign3A_102 = arith.constant 0 : i32
      %sign3A_103 = arith.cmpi sgt, %rem3A_99, %sign3A_102 : i32
      %sign3A_104 = arith.extui %sign3A_103 : i1 to i32
      %sign3A_105 = arith.constant 0 : i32
      %sign3A_106 = arith.cmpi slt, %rem3A_99, %sign3A_105 : i32
      %sign3A_107 = arith.extui %sign3A_106 : i1 to i32
      %sign3A_108 = arith.subi %sign3A_104, %sign3A_107 : i32
      %sign3A_109 = arith.constant 0 : i32
      %sign3A_110 = arith.cmpi sgt, %jit3A_100, %sign3A_109 : i32
      %sign3A_111 = arith.extui %sign3A_110 : i1 to i32
      %sign3A_112 = arith.constant 0 : i32
      %sign3A_113 = arith.cmpi slt, %jit3A_100, %sign3A_112 : i32
      %sign3A_114 = arith.extui %sign3A_113 : i1 to i32
      %sign3A_115 = arith.subi %sign3A_111, %sign3A_114 : i32
      %ne3A_116 = arith.cmpi ne, %sign3A_108, %sign3A_115 : i32
      %rem3A_117 = arith.remsi %rem3A_99, %jit3A_100 : i32
      %ne3A_118 = arith.constant 0 : i32
      %ne3A_119 = arith.cmpi ne, %rem3A_117, %ne3A_118 : i32
      %and3A_120 = arith.andi %ne3A_116, %ne3A_119 : i1
      %sub3A_121 = arith.constant 1 : i32
      %sub3A_122 = arith.subi %div3A_101, %sub3A_121 : i32
      %select_n3A_123 = arith.select %and3A_120, %sub3A_122, %div3A_101 : i32
      %jit3A_124 = arith.constant 634 : i32
      %eq3A_125 = arith.constant 0 : i32
      %eq3A_126 = arith.cmpi eq, %jit3A_124, %eq3A_125 : i32
      %jit3A_127 = arith.constant 1 : i32
      %select_n3A_128 = arith.select %eq3A_126, %jit3A_127, %jit3A_124 : i32
      %rem3A_129 = arith.remsi %rem3A_99, %select_n3A_128 : i32
      %ne3A_130 = arith.constant 0 : i32
      %ne3A_131 = arith.cmpi ne, %rem3A_129, %ne3A_130 : i32
      %lt3A_132 = arith.constant 0 : i32
      %lt3A_133 = arith.cmpi slt, %rem3A_129, %lt3A_132 : i32
      %lt3A_134 = arith.constant 0 : i32
      %lt3A_135 = arith.cmpi slt, %select_n3A_128, %lt3A_134 : i32
      %ne3A_136 = arith.xori %lt3A_133, %lt3A_135 : i1
      %and3A_137 = arith.andi %ne3A_136, %ne3A_131 : i1
      %add3A_138 = arith.addi %rem3A_129, %select_n3A_128 : i32
      %select_n3A_139 = arith.select %and3A_137, %add3A_138, %rem3A_129 : i32
      %mul3A_140 = arith.constant 4096 : i32
      %mul3A_141 = arith.muli %select_n3A_139, %mul3A_140 : i32
      %multiple_of3A_142 = tpu.assume_multiple %mul3A_141, 128 : i32
      %mul3A_143 = arith.constant 8 : i32
      %mul3A_144 = arith.muli %select_n3A_123, %mul3A_143 : i32
      %multiple_of3A_145 = tpu.assume_multiple %mul3A_144, 8 : i32
      %dma_start3A_146 = arith.constant 0 : i32
      %dma_start3A_147 = arith.constant 0 : i32
      %dma_start3A_148 = tpu.memref_slice %arg5[%sub3A_97, %dma_start3A_146, %dma_start3A_147] : memref<2x8x4096xf32, #tpu.memory_space<vmem>> -> memref<1x8x4096xf32, #tpu.memory_space<vmem>>
      %dma_start3A_149 = tpu.memref_squeeze %dma_start3A_148 : memref<1x8x4096xf32, #tpu.memory_space<vmem>> -> memref<8x4096xf32, #tpu.memory_space<vmem>>
      %dma_start3A_150 = tpu.memref_slice %arg2[%multiple_of3A_145, %multiple_of3A_142] : memref<16x2600000xf32, #tpu.memory_space<hbm>> -> memref<8x4096xf32, #tpu.memory_space<hbm>>
      %dma_start3A_151 = arith.constant 0 : i32
      %dma_start3A_152 = arith.constant 0 : i32
      %dma_start3A_153 = tpu.memref_slice %arg5[%sub3A_97, %dma_start3A_151, %dma_start3A_152] : memref<2x8x4096xf32, #tpu.memory_space<vmem>> -> memref<1x8x4096xf32, #tpu.memory_space<vmem>>
      %dma_start3A_154 = tpu.memref_squeeze %dma_start3A_153 : memref<1x8x4096xf32, #tpu.memory_space<vmem>> -> memref<8x4096xf32, #tpu.memory_space<vmem>>
      %dma_start3A_155 = tpu.memref_slice %arg2[%multiple_of3A_145, %multiple_of3A_142] : memref<16x2600000xf32, #tpu.memory_space<hbm>> -> memref<8x4096xf32, #tpu.memory_space<hbm>>
      tpu.enqueue_dma source(%dma_start3A_155 : memref<8x4096xf32, #tpu.memory_space<hbm>>) target(%dma_start3A_154 : memref<8x4096xf32, #tpu.memory_space<vmem>>) target_semaphore(%arg7 : memref<!tpu.dma_semaphore, #tpu.memory_space<semaphore_mem>>)
      %mul3A_156 = arith.constant 32 : i32
      %mul3A_157 = arith.muli %mul3A_156, %scan3A_74 : i32
      %add3A_158 = arith.addi %add3A, %mul3A_157 : i32
      %rem3A_159 = arith.constant 1268 : i32
      %rem3A_160 = arith.remsi %add3A_158, %rem3A_159 : i32
      %jit3A_161 = arith.constant 634 : i32
      %div3A_162 = arith.divsi %rem3A_160, %jit3A_161 : i32
      %sign3A_163 = arith.constant 0 : i32
      %sign3A_164 = arith.cmpi sgt, %rem3A_160, %sign3A_163 : i32
      %sign3A_165 = arith.extui %sign3A_164 : i1 to i32
      %sign3A_166 = arith.constant 0 : i32
      %sign3A_167 = arith.cmpi slt, %rem3A_160, %sign3A_166 : i32
      %sign3A_168 = arith.extui %sign3A_167 : i1 to i32
      %sign3A_169 = arith.subi %sign3A_165, %sign3A_168 : i32
      %sign3A_170 = arith.constant 0 : i32
      %sign3A_171 = arith.cmpi sgt, %jit3A_161, %sign3A_170 : i32
      %sign3A_172 = arith.extui %sign3A_171 : i1 to i32
      %sign3A_173 = arith.constant 0 : i32
      %sign3A_174 = arith.cmpi slt, %jit3A_161, %sign3A_173 : i32
      %sign3A_175 = arith.extui %sign3A_174 : i1 to i32
      %sign3A_176 = arith.subi %sign3A_172, %sign3A_175 : i32
      %ne3A_177 = arith.cmpi ne, %sign3A_169, %sign3A_176 : i32
      %rem3A_178 = arith.remsi %rem3A_160, %jit3A_161 : i32
      %ne3A_179 = arith.constant 0 : i32
      %ne3A_180 = arith.cmpi ne, %rem3A_178, %ne3A_179 : i32
      %and3A_181 = arith.andi %ne3A_177, %ne3A_180 : i1
      %sub3A_182 = arith.constant 1 : i32
      %sub3A_183 = arith.subi %div3A_162, %sub3A_182 : i32
      %select_n3A_184 = arith.select %and3A_181, %sub3A_183, %div3A_162 : i32
      %jit3A_185 = arith.constant 634 : i32
      %eq3A_186 = arith.constant 0 : i32
      %eq3A_187 = arith.cmpi eq, %jit3A_185, %eq3A_186 : i32
      %jit3A_188 = arith.constant 1 : i32
      %select_n3A_189 = arith.select %eq3A_187, %jit3A_188, %jit3A_185 : i32
      %rem3A_190 = arith.remsi %rem3A_160, %select_n3A_189 : i32
      %ne3A_191 = arith.constant 0 : i32
      %ne3A_192 = arith.cmpi ne, %rem3A_190, %ne3A_191 : i32
      %lt3A_193 = arith.constant 0 : i32
      %lt3A_194 = arith.cmpi slt, %rem3A_190, %lt3A_193 : i32
      %lt3A_195 = arith.constant 0 : i32
      %lt3A_196 = arith.cmpi slt, %select_n3A_189, %lt3A_195 : i32
      %ne3A_197 = arith.xori %lt3A_194, %lt3A_196 : i1
      %and3A_198 = arith.andi %ne3A_197, %ne3A_192 : i1
      %add3A_199 = arith.addi %rem3A_190, %select_n3A_189 : i32
      %select_n3A_200 = arith.select %and3A_198, %add3A_199, %rem3A_190 : i32
      %mul3A_201 = arith.constant 4096 : i32
      %mul3A_202 = arith.muli %select_n3A_200, %mul3A_201 : i32
      %multiple_of3A_203 = tpu.assume_multiple %mul3A_202, 128 : i32
      %mul3A_204 = arith.constant 8 : i32
      %mul3A_205 = arith.muli %select_n3A_184, %mul3A_204 : i32
      %multiple_of3A_206 = tpu.assume_multiple %mul3A_205, 8 : i32
      %mul3A_207 = arith.constant 8 : i32
      %mul3A_208 = arith.muli %select_n3A_184, %mul3A_207 : i32
      %add3A_209 = arith.constant 0 : i32
      %add3A_210 = arith.addi %mul3A_208, %add3A_209 : i32
      %mul3A_211 = arith.constant 2600064 : i32
      %mul3A_212 = arith.muli %add3A_210, %mul3A_211 : i32
      %add3A_213 = arith.addi %mul3A_212, %multiple_of3A_203 : i32
      %dma_start3A_214 = arith.constant 0 : i32
      %dma_start3A_215 = arith.constant 0 : i32
      %dma_start3A_216 = tpu.memref_slice %arg5[%rem3A_76, %dma_start3A_214, %dma_start3A_215] : memref<2x8x4096xf32, #tpu.memory_space<vmem>> -> memref<1x1x4096xf32, #tpu.memory_space<vmem>>
      %dma_start3A_217 = tpu.memref_squeeze %dma_start3A_216 : memref<1x1x4096xf32, #tpu.memory_space<vmem>> -> memref<4096xf32, #tpu.memory_space<vmem>>
      %dma_start3A_218 = tpu.memref_slice %arg4[%add3A_213] : memref<41601024xf32, #tpu.memory_space<hbm>> -> memref<4096xf32, #tpu.memory_space<hbm>>
      %dma_start3A_219 = tpu.memref_slice %arg4[%add3A_213] : memref<41601024xf32, #tpu.memory_space<hbm>> -> memref<4096xf32, #tpu.memory_space<hbm>>
      %dma_start3A_220 = arith.constant 0 : i32
      %dma_start3A_221 = tpu.memref_slice %arg5[%rem3A_76, %dma_start3A_214, %dma_start3A_220] : memref<2x8x4096xf32, #tpu.memory_space<vmem>> -> memref<1x1x4096xf32, #tpu.memory_space<vmem>>
      %dma_start3A_222 = tpu.memref_squeeze %dma_start3A_221 : memref<1x1x4096xf32, #tpu.memory_space<vmem>> -> memref<4096xf32, #tpu.memory_space<vmem>>
      tpu.enqueue_dma source(%dma_start3A_222 : memref<4096xf32, #tpu.memory_space<vmem>>) target(%dma_start3A_219 : memref<4096xf32, #tpu.memory_space<hbm>>) target_semaphore(%arg8 : memref<!tpu.dma_semaphore, #tpu.memory_space<semaphore_mem>>)
      %mul3A_223 = arith.constant 8 : i32
      %mul3A_224 = arith.muli %select_n3A_184, %mul3A_223 : i32
      %add3A_225 = arith.constant 1 : i32
      %add3A_226 = arith.addi %mul3A_224, %add3A_225 : i32
      %mul3A_227 = arith.constant 2600064 : i32
      %mul3A_228 = arith.muli %add3A_226, %mul3A_227 : i32
      %add3A_229 = arith.addi %mul3A_228, %multiple_of3A_203 : i32
      %dma_start3A_230 = arith.constant 1 : i32
      %dma_start3A_231 = arith.constant 0 : i32
      %dma_start3A_232 = tpu.memref_slice %arg5[%rem3A_76, %dma_start3A_230, %dma_start3A_231] : memref<2x8x4096xf32, #tpu.memory_space<vmem>> -> memref<1x1x4096xf32, #tpu.memory_space<vmem>>
      %dma_start3A_233 = tpu.memref_squeeze %dma_start3A_232 : memref<1x1x4096xf32, #tpu.memory_space<vmem>> -> memref<4096xf32, #tpu.memory_space<vmem>>
      %dma_start3A_234 = tpu.memref_slice %arg4[%add3A_229] : memref<41601024xf32, #tpu.memory_space<hbm>> -> memref<4096xf32, #tpu.memory_space<hbm>>
      %dma_start3A_235 = tpu.memref_slice %arg4[%add3A_229] : memref<41601024xf32, #tpu.memory_space<hbm>> -> memref<4096xf32, #tpu.memory_space<hbm>>
      %dma_start3A_236 = arith.constant 0 : i32
      %dma_start3A_237 = tpu.memref_slice %arg5[%rem3A_76, %dma_start3A_230, %dma_start3A_236] : memref<2x8x4096xf32, #tpu.memory_space<vmem>> -> memref<1x1x4096xf32, #tpu.memory_space<vmem>>
      %dma_start3A_238 = tpu.memref_squeeze %dma_start3A_237 : memref<1x1x4096xf32, #tpu.memory_space<vmem>> -> memref<4096xf32, #tpu.memory_space<vmem>>
      tpu.enqueue_dma source(%dma_start3A_238 : memref<4096xf32, #tpu.memory_space<vmem>>) target(%dma_start3A_235 : memref<4096xf32, #tpu.memory_space<hbm>>) target_semaphore(%arg8 : memref<!tpu.dma_semaphore, #tpu.memory_space<semaphore_mem>>)
      %mul3A_239 = arith.constant 8 : i32
      %mul3A_240 = arith.muli %select_n3A_184, %mul3A_239 : i32
      %add3A_241 = arith.constant 2 : i32
      %add3A_242 = arith.addi %mul3A_240, %add3A_241 : i32
      %mul3A_243 = arith.constant 2600064 : i32
      %mul3A_244 = arith.muli %add3A_242, %mul3A_243 : i32
      %add3A_245 = arith.addi %mul3A_244, %multiple_of3A_203 : i32
      %dma_start3A_246 = arith.constant 2 : i32
      %dma_start3A_247 = arith.constant 0 : i32
      %dma_start3A_248 = tpu.memref_slice %arg5[%rem3A_76, %dma_start3A_246, %dma_start3A_247] : memref<2x8x4096xf32, #tpu.memory_space<vmem>> -> memref<1x1x4096xf32, #tpu.memory_space<vmem>>
      %dma_start3A_249 = tpu.memref_squeeze %dma_start3A_248 : memref<1x1x4096xf32, #tpu.memory_space<vmem>> -> memref<4096xf32, #tpu.memory_space<vmem>>
      %dma_start3A_250 = tpu.memref_slice %arg4[%add3A_245] : memref<41601024xf32, #tpu.memory_space<hbm>> -> memref<4096xf32, #tpu.memory_space<hbm>>
      %dma_start3A_251 = tpu.memref_slice %arg4[%add3A_245] : memref<41601024xf32, #tpu.memory_space<hbm>> -> memref<4096xf32, #tpu.memory_space<hbm>>
      %dma_start3A_252 = arith.constant 0 : i32
      %dma_start3A_253 = tpu.memref_slice %arg5[%rem3A_76, %dma_start3A_246, %dma_start3A_252] : memref<2x8x4096xf32, #tpu.memory_space<vmem>> -> memref<1x1x4096xf32, #tpu.memory_space<vmem>>
      %dma_start3A_254 = tpu.memref_squeeze %dma_start3A_253 : memref<1x1x4096xf32, #tpu.memory_space<vmem>> -> memref<4096xf32, #tpu.memory_space<vmem>>
      tpu.enqueue_dma source(%dma_start3A_254 : memref<4096xf32, #tpu.memory_space<vmem>>) target(%dma_start3A_251 : memref<4096xf32, #tpu.memory_space<hbm>>) target_semaphore(%arg8 : memref<!tpu.dma_semaphore, #tpu.memory_space<semaphore_mem>>)
      %mul3A_255 = arith.constant 8 : i32
      %mul3A_256 = arith.muli %select_n3A_184, %mul3A_255 : i32
      %add3A_257 = arith.constant 3 : i32
      %add3A_258 = arith.addi %mul3A_256, %add3A_257 : i32
      %mul3A_259 = arith.constant 2600064 : i32
      %mul3A_260 = arith.muli %add3A_258, %mul3A_259 : i32
      %add3A_261 = arith.addi %mul3A_260, %multiple_of3A_203 : i32
      %dma_start3A_262 = arith.constant 3 : i32
      %dma_start3A_263 = arith.constant 0 : i32
      %dma_start3A_264 = tpu.memref_slice %arg5[%rem3A_76, %dma_start3A_262, %dma_start3A_263] : memref<2x8x4096xf32, #tpu.memory_space<vmem>> -> memref<1x1x4096xf32, #tpu.memory_space<vmem>>
      %dma_start3A_265 = tpu.memref_squeeze %dma_start3A_264 : memref<1x1x4096xf32, #tpu.memory_space<vmem>> -> memref<4096xf32, #tpu.memory_space<vmem>>
      %dma_start3A_266 = tpu.memref_slice %arg4[%add3A_261] : memref<41601024xf32, #tpu.memory_space<hbm>> -> memref<4096xf32, #tpu.memory_space<hbm>>
      %dma_start3A_267 = tpu.memref_slice %arg4[%add3A_261] : memref<41601024xf32, #tpu.memory_space<hbm>> -> memref<4096xf32, #tpu.memory_space<hbm>>
      %dma_start3A_268 = arith.constant 0 : i32
      %dma_start3A_269 = tpu.memref_slice %arg5[%rem3A_76, %dma_start3A_262, %dma_start3A_268] : memref<2x8x4096xf32, #tpu.memory_space<vmem>> -> memref<1x1x4096xf32, #tpu.memory_space<vmem>>
      %dma_start3A_270 = tpu.memref_squeeze %dma_start3A_269 : memref<1x1x4096xf32, #tpu.memory_space<vmem>> -> memref<4096xf32, #tpu.memory_space<vmem>>
      tpu.enqueue_dma source(%dma_start3A_270 : memref<4096xf32, #tpu.memory_space<vmem>>) target(%dma_start3A_267 : memref<4096xf32, #tpu.memory_space<hbm>>) target_semaphore(%arg8 : memref<!tpu.dma_semaphore, #tpu.memory_space<semaphore_mem>>)
      %mul3A_271 = arith.constant 8 : i32
      %mul3A_272 = arith.muli %select_n3A_184, %mul3A_271 : i32
      %add3A_273 = arith.constant 4 : i32
      %add3A_274 = arith.addi %mul3A_272, %add3A_273 : i32
      %mul3A_275 = arith.constant 2600064 : i32
      %mul3A_276 = arith.muli %add3A_274, %mul3A_275 : i32
      %add3A_277 = arith.addi %mul3A_276, %multiple_of3A_203 : i32
      %dma_start3A_278 = arith.constant 4 : i32
      %dma_start3A_279 = arith.constant 0 : i32
      %dma_start3A_280 = tpu.memref_slice %arg5[%rem3A_76, %dma_start3A_278, %dma_start3A_279] : memref<2x8x4096xf32, #tpu.memory_space<vmem>> -> memref<1x1x4096xf32, #tpu.memory_space<vmem>>
      %dma_start3A_281 = tpu.memref_squeeze %dma_start3A_280 : memref<1x1x4096xf32, #tpu.memory_space<vmem>> -> memref<4096xf32, #tpu.memory_space<vmem>>
      %dma_start3A_282 = tpu.memref_slice %arg4[%add3A_277] : memref<41601024xf32, #tpu.memory_space<hbm>> -> memref<4096xf32, #tpu.memory_space<hbm>>
      %dma_start3A_283 = tpu.memref_slice %arg4[%add3A_277] : memref<41601024xf32, #tpu.memory_space<hbm>> -> memref<4096xf32, #tpu.memory_space<hbm>>
      %dma_start3A_284 = arith.constant 0 : i32
      %dma_start3A_285 = tpu.memref_slice %arg5[%rem3A_76, %dma_start3A_278, %dma_start3A_284] : memref<2x8x4096xf32, #tpu.memory_space<vmem>> -> memref<1x1x4096xf32, #tpu.memory_space<vmem>>
      %dma_start3A_286 = tpu.memref_squeeze %dma_start3A_285 : memref<1x1x4096xf32, #tpu.memory_space<vmem>> -> memref<4096xf32, #tpu.memory_space<vmem>>
      tpu.enqueue_dma source(%dma_start3A_286 : memref<4096xf32, #tpu.memory_space<vmem>>) target(%dma_start3A_283 : memref<4096xf32, #tpu.memory_space<hbm>>) target_semaphore(%arg8 : memref<!tpu.dma_semaphore, #tpu.memory_space<semaphore_mem>>)
      %mul3A_287 = arith.constant 8 : i32
      %mul3A_288 = arith.muli %select_n3A_184, %mul3A_287 : i32
      %add3A_289 = arith.constant 5 : i32
      %add3A_290 = arith.addi %mul3A_288, %add3A_289 : i32
      %mul3A_291 = arith.constant 2600064 : i32
      %mul3A_292 = arith.muli %add3A_290, %mul3A_291 : i32
      %add3A_293 = arith.addi %mul3A_292, %multiple_of3A_203 : i32
      %dma_start3A_294 = arith.constant 5 : i32
      %dma_start3A_295 = arith.constant 0 : i32
      %dma_start3A_296 = tpu.memref_slice %arg5[%rem3A_76, %dma_start3A_294, %dma_start3A_295] : memref<2x8x4096xf32, #tpu.memory_space<vmem>> -> memref<1x1x4096xf32, #tpu.memory_space<vmem>>
      %dma_start3A_297 = tpu.memref_squeeze %dma_start3A_296 : memref<1x1x4096xf32, #tpu.memory_space<vmem>> -> memref<4096xf32, #tpu.memory_space<vmem>>
      %dma_start3A_298 = tpu.memref_slice %arg4[%add3A_293] : memref<41601024xf32, #tpu.memory_space<hbm>> -> memref<4096xf32, #tpu.memory_space<hbm>>
      %dma_start3A_299 = tpu.memref_slice %arg4[%add3A_293] : memref<41601024xf32, #tpu.memory_space<hbm>> -> memref<4096xf32, #tpu.memory_space<hbm>>
      %dma_start3A_300 = arith.constant 0 : i32
      %dma_start3A_301 = tpu.memref_slice %arg5[%rem3A_76, %dma_start3A_294, %dma_start3A_300] : memref<2x8x4096xf32, #tpu.memory_space<vmem>> -> memref<1x1x4096xf32, #tpu.memory_space<vmem>>
      %dma_start3A_302 = tpu.memref_squeeze %dma_start3A_301 : memref<1x1x4096xf32, #tpu.memory_space<vmem>> -> memref<4096xf32, #tpu.memory_space<vmem>>
      tpu.enqueue_dma source(%dma_start3A_302 : memref<4096xf32, #tpu.memory_space<vmem>>) target(%dma_start3A_299 : memref<4096xf32, #tpu.memory_space<hbm>>) target_semaphore(%arg8 : memref<!tpu.dma_semaphore, #tpu.memory_space<semaphore_mem>>)
      %mul3A_303 = arith.constant 8 : i32
      %mul3A_304 = arith.muli %select_n3A_184, %mul3A_303 : i32
      %add3A_305 = arith.constant 6 : i32
      %add3A_306 = arith.addi %mul3A_304, %add3A_305 : i32
      %mul3A_307 = arith.constant 2600064 : i32
      %mul3A_308 = arith.muli %add3A_306, %mul3A_307 : i32
      %add3A_309 = arith.addi %mul3A_308, %multiple_of3A_203 : i32
      %dma_start3A_310 = arith.constant 6 : i32
      %dma_start3A_311 = arith.constant 0 : i32
      %dma_start3A_312 = tpu.memref_slice %arg5[%rem3A_76, %dma_start3A_310, %dma_start3A_311] : memref<2x8x4096xf32, #tpu.memory_space<vmem>> -> memref<1x1x4096xf32, #tpu.memory_space<vmem>>
      %dma_start3A_313 = tpu.memref_squeeze %dma_start3A_312 : memref<1x1x4096xf32, #tpu.memory_space<vmem>> -> memref<4096xf32, #tpu.memory_space<vmem>>
      %dma_start3A_314 = tpu.memref_slice %arg4[%add3A_309] : memref<41601024xf32, #tpu.memory_space<hbm>> -> memref<4096xf32, #tpu.memory_space<hbm>>
      %dma_start3A_315 = tpu.memref_slice %arg4[%add3A_309] : memref<41601024xf32, #tpu.memory_space<hbm>> -> memref<4096xf32, #tpu.memory_space<hbm>>
      %dma_start3A_316 = arith.constant 0 : i32
      %dma_start3A_317 = tpu.memref_slice %arg5[%rem3A_76, %dma_start3A_310, %dma_start3A_316] : memref<2x8x4096xf32, #tpu.memory_space<vmem>> -> memref<1x1x4096xf32, #tpu.memory_space<vmem>>
      %dma_start3A_318 = tpu.memref_squeeze %dma_start3A_317 : memref<1x1x4096xf32, #tpu.memory_space<vmem>> -> memref<4096xf32, #tpu.memory_space<vmem>>
      tpu.enqueue_dma source(%dma_start3A_318 : memref<4096xf32, #tpu.memory_space<vmem>>) target(%dma_start3A_315 : memref<4096xf32, #tpu.memory_space<hbm>>) target_semaphore(%arg8 : memref<!tpu.dma_semaphore, #tpu.memory_space<semaphore_mem>>)
      %mul3A_319 = arith.constant 8 : i32
      %mul3A_320 = arith.muli %select_n3A_184, %mul3A_319 : i32
      %add3A_321 = arith.constant 7 : i32
      %add3A_322 = arith.addi %mul3A_320, %add3A_321 : i32
      %mul3A_323 = arith.constant 2600064 : i32
      %mul3A_324 = arith.muli %add3A_322, %mul3A_323 : i32
      %add3A_325 = arith.addi %mul3A_324, %multiple_of3A_203 : i32
      %dma_start3A_326 = arith.constant 7 : i32
      %dma_start3A_327 = arith.constant 0 : i32
      %dma_start3A_328 = tpu.memref_slice %arg5[%rem3A_76, %dma_start3A_326, %dma_start3A_327] : memref<2x8x4096xf32, #tpu.memory_space<vmem>> -> memref<1x1x4096xf32, #tpu.memory_space<vmem>>
      %dma_start3A_329 = tpu.memref_squeeze %dma_start3A_328 : memref<1x1x4096xf32, #tpu.memory_space<vmem>> -> memref<4096xf32, #tpu.memory_space<vmem>>
      %dma_start3A_330 = tpu.memref_slice %arg4[%add3A_325] : memref<41601024xf32, #tpu.memory_space<hbm>> -> memref<4096xf32, #tpu.memory_space<hbm>>
      %dma_start3A_331 = tpu.memref_slice %arg4[%add3A_325] : memref<41601024xf32, #tpu.memory_space<hbm>> -> memref<4096xf32, #tpu.memory_space<hbm>>
      %dma_start3A_332 = arith.constant 0 : i32
      %dma_start3A_333 = tpu.memref_slice %arg5[%rem3A_76, %dma_start3A_326, %dma_start3A_332] : memref<2x8x4096xf32, #tpu.memory_space<vmem>> -> memref<1x1x4096xf32, #tpu.memory_space<vmem>>
      %dma_start3A_334 = tpu.memref_squeeze %dma_start3A_333 : memref<1x1x4096xf32, #tpu.memory_space<vmem>> -> memref<4096xf32, #tpu.memory_space<vmem>>
      tpu.enqueue_dma source(%dma_start3A_334 : memref<4096xf32, #tpu.memory_space<vmem>>) target(%dma_start3A_331 : memref<4096xf32, #tpu.memory_space<hbm>>) target_semaphore(%arg8 : memref<!tpu.dma_semaphore, #tpu.memory_space<semaphore_mem>>)
      %dma_wait3A_335 = arith.constant 0 : i32
      %dma_wait3A_336 = arith.constant 0 : i32
      %dma_wait3A_337 = tpu.memref_slice %arg5[%rem3A_76, %dma_wait3A_335, %dma_wait3A_336] : memref<2x8x4096xf32, #tpu.memory_space<vmem>> -> memref<1x1x4096xf32, #tpu.memory_space<vmem>>
      %dma_wait3A_338 = tpu.memref_squeeze %dma_wait3A_337 : memref<1x1x4096xf32, #tpu.memory_space<vmem>> -> memref<4096xf32, #tpu.memory_space<vmem>>
      %dma_wait3A_339 = tpu.memref_slice %arg4[%add3A_213] : memref<41601024xf32, #tpu.memory_space<hbm>> -> memref<4096xf32, #tpu.memory_space<hbm>>
      %dma_wait3A_340 = tpu.memref_slice %arg4[%add3A_213] : memref<41601024xf32, #tpu.memory_space<hbm>> -> memref<4096xf32, #tpu.memory_space<hbm>>
      %dma_wait3A_341 = arith.constant 0 : i32
      %dma_wait3A_342 = tpu.memref_slice %arg5[%rem3A_76, %dma_wait3A_335, %dma_wait3A_341] : memref<2x8x4096xf32, #tpu.memory_space<vmem>> -> memref<1x1x4096xf32, #tpu.memory_space<vmem>>
      %dma_wait3A_343 = tpu.memref_squeeze %dma_wait3A_342 : memref<1x1x4096xf32, #tpu.memory_space<vmem>> -> memref<4096xf32, #tpu.memory_space<vmem>>
      tpu.wait_dma2 semaphore(%arg8 : memref<!tpu.dma_semaphore, #tpu.memory_space<semaphore_mem>>) src(%dma_wait3A_343 : memref<4096xf32, #tpu.memory_space<vmem>>) dst(%dma_wait3A_340 : memref<4096xf32, #tpu.memory_space<hbm>>)
      %dma_wait3A_344 = arith.constant 1 : i32
      %dma_wait3A_345 = arith.constant 0 : i32
      %dma_wait3A_346 = tpu.memref_slice %arg5[%rem3A_76, %dma_wait3A_344, %dma_wait3A_345] : memref<2x8x4096xf32, #tpu.memory_space<vmem>> -> memref<1x1x4096xf32, #tpu.memory_space<vmem>>
      %dma_wait3A_347 = tpu.memref_squeeze %dma_wait3A_346 : memref<1x1x4096xf32, #tpu.memory_space<vmem>> -> memref<4096xf32, #tpu.memory_space<vmem>>
      %dma_wait3A_348 = tpu.memref_slice %arg4[%add3A_229] : memref<41601024xf32, #tpu.memory_space<hbm>> -> memref<4096xf32, #tpu.memory_space<hbm>>
      %dma_wait3A_349 = tpu.memref_slice %arg4[%add3A_229] : memref<41601024xf32, #tpu.memory_space<hbm>> -> memref<4096xf32, #tpu.memory_space<hbm>>
      %dma_wait3A_350 = arith.constant 0 : i32
      %dma_wait3A_351 = tpu.memref_slice %arg5[%rem3A_76, %dma_wait3A_344, %dma_wait3A_350] : memref<2x8x4096xf32, #tpu.memory_space<vmem>> -> memref<1x1x4096xf32, #tpu.memory_space<vmem>>
      %dma_wait3A_352 = tpu.memref_squeeze %dma_wait3A_351 : memref<1x1x4096xf32, #tpu.memory_space<vmem>> -> memref<4096xf32, #tpu.memory_space<vmem>>
      tpu.wait_dma2 semaphore(%arg8 : memref<!tpu.dma_semaphore, #tpu.memory_space<semaphore_mem>>) src(%dma_wait3A_352 : memref<4096xf32, #tpu.memory_space<vmem>>) dst(%dma_wait3A_349 : memref<4096xf32, #tpu.memory_space<hbm>>)
      %dma_wait3A_353 = arith.constant 2 : i32
      %dma_wait3A_354 = arith.constant 0 : i32
      %dma_wait3A_355 = tpu.memref_slice %arg5[%rem3A_76, %dma_wait3A_353, %dma_wait3A_354] : memref<2x8x4096xf32, #tpu.memory_space<vmem>> -> memref<1x1x4096xf32, #tpu.memory_space<vmem>>
      %dma_wait3A_356 = tpu.memref_squeeze %dma_wait3A_355 : memref<1x1x4096xf32, #tpu.memory_space<vmem>> -> memref<4096xf32, #tpu.memory_space<vmem>>
      %dma_wait3A_357 = tpu.memref_slice %arg4[%add3A_245] : memref<41601024xf32, #tpu.memory_space<hbm>> -> memref<4096xf32, #tpu.memory_space<hbm>>
      %dma_wait3A_358 = tpu.memref_slice %arg4[%add3A_245] : memref<41601024xf32, #tpu.memory_space<hbm>> -> memref<4096xf32, #tpu.memory_space<hbm>>
      %dma_wait3A_359 = arith.constant 0 : i32
      %dma_wait3A_360 = tpu.memref_slice %arg5[%rem3A_76, %dma_wait3A_353, %dma_wait3A_359] : memref<2x8x4096xf32, #tpu.memory_space<vmem>> -> memref<1x1x4096xf32, #tpu.memory_space<vmem>>
      %dma_wait3A_361 = tpu.memref_squeeze %dma_wait3A_360 : memref<1x1x4096xf32, #tpu.memory_space<vmem>> -> memref<4096xf32, #tpu.memory_space<vmem>>
      tpu.wait_dma2 semaphore(%arg8 : memref<!tpu.dma_semaphore, #tpu.memory_space<semaphore_mem>>) src(%dma_wait3A_361 : memref<4096xf32, #tpu.memory_space<vmem>>) dst(%dma_wait3A_358 : memref<4096xf32, #tpu.memory_space<hbm>>)
      %dma_wait3A_362 = arith.constant 3 : i32
      %dma_wait3A_363 = arith.constant 0 : i32
      %dma_wait3A_364 = tpu.memref_slice %arg5[%rem3A_76, %dma_wait3A_362, %dma_wait3A_363] : memref<2x8x4096xf32, #tpu.memory_space<vmem>> -> memref<1x1x4096xf32, #tpu.memory_space<vmem>>
      %dma_wait3A_365 = tpu.memref_squeeze %dma_wait3A_364 : memref<1x1x4096xf32, #tpu.memory_space<vmem>> -> memref<4096xf32, #tpu.memory_space<vmem>>
      %dma_wait3A_366 = tpu.memref_slice %arg4[%add3A_261] : memref<41601024xf32, #tpu.memory_space<hbm>> -> memref<4096xf32, #tpu.memory_space<hbm>>
      %dma_wait3A_367 = tpu.memref_slice %arg4[%add3A_261] : memref<41601024xf32, #tpu.memory_space<hbm>> -> memref<4096xf32, #tpu.memory_space<hbm>>
      %dma_wait3A_368 = arith.constant 0 : i32
      %dma_wait3A_369 = tpu.memref_slice %arg5[%rem3A_76, %dma_wait3A_362, %dma_wait3A_368] : memref<2x8x4096xf32, #tpu.memory_space<vmem>> -> memref<1x1x4096xf32, #tpu.memory_space<vmem>>
      %dma_wait3A_370 = tpu.memref_squeeze %dma_wait3A_369 : memref<1x1x4096xf32, #tpu.memory_space<vmem>> -> memref<4096xf32, #tpu.memory_space<vmem>>
      tpu.wait_dma2 semaphore(%arg8 : memref<!tpu.dma_semaphore, #tpu.memory_space<semaphore_mem>>) src(%dma_wait3A_370 : memref<4096xf32, #tpu.memory_space<vmem>>) dst(%dma_wait3A_367 : memref<4096xf32, #tpu.memory_space<hbm>>)
      %dma_wait3A_371 = arith.constant 4 : i32
      %dma_wait3A_372 = arith.constant 0 : i32
      %dma_wait3A_373 = tpu.memref_slice %arg5[%rem3A_76, %dma_wait3A_371, %dma_wait3A_372] : memref<2x8x4096xf32, #tpu.memory_space<vmem>> -> memref<1x1x4096xf32, #tpu.memory_space<vmem>>
      %dma_wait3A_374 = tpu.memref_squeeze %dma_wait3A_373 : memref<1x1x4096xf32, #tpu.memory_space<vmem>> -> memref<4096xf32, #tpu.memory_space<vmem>>
      %dma_wait3A_375 = tpu.memref_slice %arg4[%add3A_277] : memref<41601024xf32, #tpu.memory_space<hbm>> -> memref<4096xf32, #tpu.memory_space<hbm>>
      %dma_wait3A_376 = tpu.memref_slice %arg4[%add3A_277] : memref<41601024xf32, #tpu.memory_space<hbm>> -> memref<4096xf32, #tpu.memory_space<hbm>>
      %dma_wait3A_377 = arith.constant 0 : i32
      %dma_wait3A_378 = tpu.memref_slice %arg5[%rem3A_76, %dma_wait3A_371, %dma_wait3A_377] : memref<2x8x4096xf32, #tpu.memory_space<vmem>> -> memref<1x1x4096xf32, #tpu.memory_space<vmem>>
      %dma_wait3A_379 = tpu.memref_squeeze %dma_wait3A_378 : memref<1x1x4096xf32, #tpu.memory_space<vmem>> -> memref<4096xf32, #tpu.memory_space<vmem>>
      tpu.wait_dma2 semaphore(%arg8 : memref<!tpu.dma_semaphore, #tpu.memory_space<semaphore_mem>>) src(%dma_wait3A_379 : memref<4096xf32, #tpu.memory_space<vmem>>) dst(%dma_wait3A_376 : memref<4096xf32, #tpu.memory_space<hbm>>)
      %dma_wait3A_380 = arith.constant 5 : i32
      %dma_wait3A_381 = arith.constant 0 : i32
      %dma_wait3A_382 = tpu.memref_slice %arg5[%rem3A_76, %dma_wait3A_380, %dma_wait3A_381] : memref<2x8x4096xf32, #tpu.memory_space<vmem>> -> memref<1x1x4096xf32, #tpu.memory_space<vmem>>
      %dma_wait3A_383 = tpu.memref_squeeze %dma_wait3A_382 : memref<1x1x4096xf32, #tpu.memory_space<vmem>> -> memref<4096xf32, #tpu.memory_space<vmem>>
      %dma_wait3A_384 = tpu.memref_slice %arg4[%add3A_293] : memref<41601024xf32, #tpu.memory_space<hbm>> -> memref<4096xf32, #tpu.memory_space<hbm>>
      %dma_wait3A_385 = tpu.memref_slice %arg4[%add3A_293] : memref<41601024xf32, #tpu.memory_space<hbm>> -> memref<4096xf32, #tpu.memory_space<hbm>>
      %dma_wait3A_386 = arith.constant 0 : i32
      %dma_wait3A_387 = tpu.memref_slice %arg5[%rem3A_76, %dma_wait3A_380, %dma_wait3A_386] : memref<2x8x4096xf32, #tpu.memory_space<vmem>> -> memref<1x1x4096xf32, #tpu.memory_space<vmem>>
      %dma_wait3A_388 = tpu.memref_squeeze %dma_wait3A_387 : memref<1x1x4096xf32, #tpu.memory_space<vmem>> -> memref<4096xf32, #tpu.memory_space<vmem>>
      tpu.wait_dma2 semaphore(%arg8 : memref<!tpu.dma_semaphore, #tpu.memory_space<semaphore_mem>>) src(%dma_wait3A_388 : memref<4096xf32, #tpu.memory_space<vmem>>) dst(%dma_wait3A_385 : memref<4096xf32, #tpu.memory_space<hbm>>)
      %dma_wait3A_389 = arith.constant 6 : i32
      %dma_wait3A_390 = arith.constant 0 : i32
      %dma_wait3A_391 = tpu.memref_slice %arg5[%rem3A_76, %dma_wait3A_389, %dma_wait3A_390] : memref<2x8x4096xf32, #tpu.memory_space<vmem>> -> memref<1x1x4096xf32, #tpu.memory_space<vmem>>
      %dma_wait3A_392 = tpu.memref_squeeze %dma_wait3A_391 : memref<1x1x4096xf32, #tpu.memory_space<vmem>> -> memref<4096xf32, #tpu.memory_space<vmem>>
      %dma_wait3A_393 = tpu.memref_slice %arg4[%add3A_309] : memref<41601024xf32, #tpu.memory_space<hbm>> -> memref<4096xf32, #tpu.memory_space<hbm>>
      %dma_wait3A_394 = tpu.memref_slice %arg4[%add3A_309] : memref<41601024xf32, #tpu.memory_space<hbm>> -> memref<4096xf32, #tpu.memory_space<hbm>>
      %dma_wait3A_395 = arith.constant 0 : i32
      %dma_wait3A_396 = tpu.memref_slice %arg5[%rem3A_76, %dma_wait3A_389, %dma_wait3A_395] : memref<2x8x4096xf32, #tpu.memory_space<vmem>> -> memref<1x1x4096xf32, #tpu.memory_space<vmem>>
      %dma_wait3A_397 = tpu.memref_squeeze %dma_wait3A_396 : memref<1x1x4096xf32, #tpu.memory_space<vmem>> -> memref<4096xf32, #tpu.memory_space<vmem>>
      tpu.wait_dma2 semaphore(%arg8 : memref<!tpu.dma_semaphore, #tpu.memory_space<semaphore_mem>>) src(%dma_wait3A_397 : memref<4096xf32, #tpu.memory_space<vmem>>) dst(%dma_wait3A_394 : memref<4096xf32, #tpu.memory_space<hbm>>)
      %dma_wait3A_398 = arith.constant 7 : i32
      %dma_wait3A_399 = arith.constant 0 : i32
      %dma_wait3A_400 = tpu.memref_slice %arg5[%rem3A_76, %dma_wait3A_398, %dma_wait3A_399] : memref<2x8x4096xf32, #tpu.memory_space<vmem>> -> memref<1x1x4096xf32, #tpu.memory_space<vmem>>
      %dma_wait3A_401 = tpu.memref_squeeze %dma_wait3A_400 : memref<1x1x4096xf32, #tpu.memory_space<vmem>> -> memref<4096xf32, #tpu.memory_space<vmem>>
      %dma_wait3A_402 = tpu.memref_slice %arg4[%add3A_325] : memref<41601024xf32, #tpu.memory_space<hbm>> -> memref<4096xf32, #tpu.memory_space<hbm>>
      %dma_wait3A_403 = tpu.memref_slice %arg4[%add3A_325] : memref<41601024xf32, #tpu.memory_space<hbm>> -> memref<4096xf32, #tpu.memory_space<hbm>>
      %dma_wait3A_404 = arith.constant 0 : i32
      %dma_wait3A_405 = tpu.memref_slice %arg5[%rem3A_76, %dma_wait3A_398, %dma_wait3A_404] : memref<2x8x4096xf32, #tpu.memory_space<vmem>> -> memref<1x1x4096xf32, #tpu.memory_space<vmem>>
      %dma_wait3A_406 = tpu.memref_squeeze %dma_wait3A_405 : memref<1x1x4096xf32, #tpu.memory_space<vmem>> -> memref<4096xf32, #tpu.memory_space<vmem>>
      tpu.wait_dma2 semaphore(%arg8 : memref<!tpu.dma_semaphore, #tpu.memory_space<semaphore_mem>>) src(%dma_wait3A_406 : memref<4096xf32, #tpu.memory_space<vmem>>) dst(%dma_wait3A_403 : memref<4096xf32, #tpu.memory_space<hbm>>)
    }
    %scan3A_52 = arith.constant 40 : i32
    %dma_wait3A = arith.constant 0 : i32
    %dma_wait3A_53 = arith.constant 0 : i32
    %dma_wait3A_54 = arith.constant 0 : i32
    %dma_wait3A_55 = tpu.memref_slice %arg5[%dma_wait3A, %dma_wait3A_53, %dma_wait3A_54] : memref<2x8x4096xf32, #tpu.memory_space<vmem>> -> memref<1x8x4096xf32, #tpu.memory_space<vmem>>
    %dma_wait3A_56 = tpu.memref_squeeze %dma_wait3A_55 : memref<1x8x4096xf32, #tpu.memory_space<vmem>> -> memref<8x4096xf32, #tpu.memory_space<vmem>>
    %dma_wait3A_57 = arith.constant 0 : i32
    %dma_wait3A_58 = arith.constant 0 : i32
    %dma_wait3A_59 = tpu.memref_slice %arg2[%dma_wait3A_57, %dma_wait3A_58] : memref<16x2600000xf32, #tpu.memory_space<hbm>> -> memref<8x4096xf32, #tpu.memory_space<hbm>>
    %dma_wait3A_60 = arith.constant 0 : i32
    %dma_wait3A_61 = arith.constant 0 : i32
    %dma_wait3A_62 = tpu.memref_slice %arg5[%dma_wait3A, %dma_wait3A_60, %dma_wait3A_61] : memref<2x8x4096xf32, #tpu.memory_space<vmem>> -> memref<1x8x4096xf32, #tpu.memory_space<vmem>>
    %dma_wait3A_63 = tpu.memref_squeeze %dma_wait3A_62 : memref<1x8x4096xf32, #tpu.memory_space<vmem>> -> memref<8x4096xf32, #tpu.memory_space<vmem>>
    %dma_wait3A_64 = arith.constant 0 : i32
    %dma_wait3A_65 = arith.constant 0 : i32
    %dma_wait3A_66 = tpu.memref_slice %arg2[%dma_wait3A_64, %dma_wait3A_65] : memref<16x2600000xf32, #tpu.memory_space<hbm>> -> memref<8x4096xf32, #tpu.memory_space<hbm>>
    tpu.wait_dma2 semaphore(%arg7 : memref<!tpu.dma_semaphore, #tpu.memory_space<semaphore_mem>>) src(%dma_wait3A_66 : memref<8x4096xf32, #tpu.memory_space<hbm>>) dst(%dma_wait3A_63 : memref<8x4096xf32, #tpu.memory_space<vmem>>)
    %lt3A_67 = arith.constant 2 : i32
    %lt3A_68 = arith.cmpi slt, %add3A, %lt3A_67 : i32
    %convert_element_type3A = arith.extui %lt3A_68 : i1 to i32
    %cond3A = arith.constant 0 : i32
    %cond3A_69 = arith.cmpi ne, %convert_element_type3A, %cond3A : i32
    scf.if %cond3A_69 {
      %mul3A_74 = arith.constant 8 : i32
      %mul3A_75 = arith.muli %add3A, %mul3A_74 : i32
      %multiple_of3A_76 = tpu.assume_multiple %mul3A_75, 8 : i32
      %run_scoped3A = arith.constant 0 : i32
      "tpu.region"() ({
        %run_scoped3A_157 = tpu.sem_alloc : memref<!tpu.dma_semaphore, #tpu.memory_space<semaphore_mem>>
        %dma_start3A_158 = arith.constant 0 : i32
        %dma_start3A_159 = arith.constant 0 : i32
        %dma_start3A_160 = tpu.memref_slice %arg5[%run_scoped3A, %dma_start3A_158, %dma_start3A_159] : memref<2x8x4096xf32, #tpu.memory_space<vmem>> -> memref<1x8x3072xf32, #tpu.memory_space<vmem>>
        %dma_start3A_161 = tpu.memref_squeeze %dma_start3A_160 : memref<1x8x3072xf32, #tpu.memory_space<vmem>> -> memref<8x3072xf32, #tpu.memory_space<vmem>>
        %dma_start3A_162 = arith.constant 2596864 : i32
        %dma_start3A_163 = tpu.memref_slice %arg2[%multiple_of3A_76, %dma_start3A_162] : memref<16x2600000xf32, #tpu.memory_space<hbm>> -> memref<8x3072xf32, #tpu.memory_space<hbm>>
        %dma_start3A_164 = arith.constant 0 : i32
        %dma_start3A_165 = arith.constant 0 : i32
        %dma_start3A_166 = tpu.memref_slice %arg5[%run_scoped3A, %dma_start3A_164, %dma_start3A_165] : memref<2x8x4096xf32, #tpu.memory_space<vmem>> -> memref<1x8x3072xf32, #tpu.memory_space<vmem>>
        %dma_start3A_167 = tpu.memref_squeeze %dma_start3A_166 : memref<1x8x3072xf32, #tpu.memory_space<vmem>> -> memref<8x3072xf32, #tpu.memory_space<vmem>>
        %dma_start3A_168 = arith.constant 2596864 : i32
        %dma_start3A_169 = tpu.memref_slice %arg2[%multiple_of3A_76, %dma_start3A_168] : memref<16x2600000xf32, #tpu.memory_space<hbm>> -> memref<8x3072xf32, #tpu.memory_space<hbm>>
        tpu.enqueue_dma source(%dma_start3A_169 : memref<8x3072xf32, #tpu.memory_space<hbm>>) target(%dma_start3A_167 : memref<8x3072xf32, #tpu.memory_space<vmem>>) target_semaphore(%run_scoped3A_157 : memref<!tpu.dma_semaphore, #tpu.memory_space<semaphore_mem>>)
        %dma_wait3A_170 = arith.constant 0 : i32
        %dma_wait3A_171 = arith.constant 0 : i32
        %dma_wait3A_172 = tpu.memref_slice %arg5[%run_scoped3A, %dma_wait3A_170, %dma_wait3A_171] : memref<2x8x4096xf32, #tpu.memory_space<vmem>> -> memref<1x8x3072xf32, #tpu.memory_space<vmem>>
        %dma_wait3A_173 = tpu.memref_squeeze %dma_wait3A_172 : memref<1x8x3072xf32, #tpu.memory_space<vmem>> -> memref<8x3072xf32, #tpu.memory_space<vmem>>
        %dma_wait3A_174 = arith.constant 2596864 : i32
        %dma_wait3A_175 = tpu.memref_slice %arg2[%multiple_of3A_76, %dma_wait3A_174] : memref<16x2600000xf32, #tpu.memory_space<hbm>> -> memref<8x3072xf32, #tpu.memory_space<hbm>>
        %dma_wait3A_176 = arith.constant 0 : i32
        %dma_wait3A_177 = arith.constant 0 : i32
        %dma_wait3A_178 = tpu.memref_slice %arg5[%run_scoped3A, %dma_wait3A_176, %dma_wait3A_177] : memref<2x8x4096xf32, #tpu.memory_space<vmem>> -> memref<1x8x3072xf32, #tpu.memory_space<vmem>>
        %dma_wait3A_179 = tpu.memref_squeeze %dma_wait3A_178 : memref<1x8x3072xf32, #tpu.memory_space<vmem>> -> memref<8x3072xf32, #tpu.memory_space<vmem>>
        %dma_wait3A_180 = arith.constant 2596864 : i32
        %dma_wait3A_181 = tpu.memref_slice %arg2[%multiple_of3A_76, %dma_wait3A_180] : memref<16x2600000xf32, #tpu.memory_space<hbm>> -> memref<8x3072xf32, #tpu.memory_space<hbm>>
        tpu.wait_dma2 semaphore(%run_scoped3A_157 : memref<!tpu.dma_semaphore, #tpu.memory_space<semaphore_mem>>) src(%dma_wait3A_181 : memref<8x3072xf32, #tpu.memory_space<hbm>>) dst(%dma_wait3A_179 : memref<8x3072xf32, #tpu.memory_space<vmem>>)
        tpu.yield
      }) : () -> ()
      %mul3A_77 = arith.constant 8 : i32
      %mul3A_78 = arith.muli %add3A, %mul3A_77 : i32
      %add3A_79 = arith.constant 0 : i32
      %add3A_80 = arith.addi %mul3A_78, %add3A_79 : i32
      %mul3A_81 = arith.constant 2600064 : i32
      %mul3A_82 = arith.muli %add3A_80, %mul3A_81 : i32
      %add3A_83 = arith.constant 2596864 : i32
      %add3A_84 = arith.addi %mul3A_82, %add3A_83 : i32
      %run_scoped3A_85 = arith.constant 0 : i32
      %run_scoped3A_86 = arith.constant 0 : i32
      "tpu.region"() ({
        %run_scoped3A_157 = tpu.sem_alloc : memref<!tpu.dma_semaphore, #tpu.memory_space<semaphore_mem>>
        %dma_start3A_158 = arith.constant 0 : i32
        %dma_start3A_159 = tpu.memref_slice %arg5[%run_scoped3A_85, %run_scoped3A_86, %dma_start3A_158] : memref<2x8x4096xf32, #tpu.memory_space<vmem>> -> memref<1x1x3072xf32, #tpu.memory_space<vmem>>
        %dma_start3A_160 = tpu.memref_squeeze %dma_start3A_159 : memref<1x1x3072xf32, #tpu.memory_space<vmem>> -> memref<3072xf32, #tpu.memory_space<vmem>>
        %dma_start3A_161 = tpu.memref_slice %arg4[%add3A_84] : memref<41601024xf32, #tpu.memory_space<hbm>> -> memref<3072xf32, #tpu.memory_space<hbm>>
        %dma_start3A_162 = tpu.memref_slice %arg4[%add3A_84] : memref<41601024xf32, #tpu.memory_space<hbm>> -> memref<3072xf32, #tpu.memory_space<hbm>>
        %dma_start3A_163 = arith.constant 0 : i32
        %dma_start3A_164 = tpu.memref_slice %arg5[%run_scoped3A_85, %run_scoped3A_86, %dma_start3A_163] : memref<2x8x4096xf32, #tpu.memory_space<vmem>> -> memref<1x1x3072xf32, #tpu.memory_space<vmem>>
        %dma_start3A_165 = tpu.memref_squeeze %dma_start3A_164 : memref<1x1x3072xf32, #tpu.memory_space<vmem>> -> memref<3072xf32, #tpu.memory_space<vmem>>
        tpu.enqueue_dma source(%dma_start3A_165 : memref<3072xf32, #tpu.memory_space<vmem>>) target(%dma_start3A_162 : memref<3072xf32, #tpu.memory_space<hbm>>) target_semaphore(%run_scoped3A_157 : memref<!tpu.dma_semaphore, #tpu.memory_space<semaphore_mem>>)
        %dma_wait3A_166 = arith.constant 0 : i32
        %dma_wait3A_167 = tpu.memref_slice %arg5[%run_scoped3A_85, %run_scoped3A_86, %dma_wait3A_166] : memref<2x8x4096xf32, #tpu.memory_space<vmem>> -> memref<1x1x3072xf32, #tpu.memory_space<vmem>>
        %dma_wait3A_168 = tpu.memref_squeeze %dma_wait3A_167 : memref<1x1x3072xf32, #tpu.memory_space<vmem>> -> memref<3072xf32, #tpu.memory_space<vmem>>
        %dma_wait3A_169 = tpu.memref_slice %arg4[%add3A_84] : memref<41601024xf32, #tpu.memory_space<hbm>> -> memref<3072xf32, #tpu.memory_space<hbm>>
        %dma_wait3A_170 = tpu.memref_slice %arg4[%add3A_84] : memref<41601024xf32, #tpu.memory_space<hbm>> -> memref<3072xf32, #tpu.memory_space<hbm>>
        %dma_wait3A_171 = arith.constant 0 : i32
        %dma_wait3A_172 = tpu.memref_slice %arg5[%run_scoped3A_85, %run_scoped3A_86, %dma_wait3A_171] : memref<2x8x4096xf32, #tpu.memory_space<vmem>> -> memref<1x1x3072xf32, #tpu.memory_space<vmem>>
        %dma_wait3A_173 = tpu.memref_squeeze %dma_wait3A_172 : memref<1x1x3072xf32, #tpu.memory_space<vmem>> -> memref<3072xf32, #tpu.memory_space<vmem>>
        tpu.wait_dma2 semaphore(%run_scoped3A_157 : memref<!tpu.dma_semaphore, #tpu.memory_space<semaphore_mem>>) src(%dma_wait3A_173 : memref<3072xf32, #tpu.memory_space<vmem>>) dst(%dma_wait3A_170 : memref<3072xf32, #tpu.memory_space<hbm>>)
        tpu.yield
      }) : () -> ()
      %mul3A_87 = arith.constant 8 : i32
      %mul3A_88 = arith.muli %add3A, %mul3A_87 : i32
      %add3A_89 = arith.constant 1 : i32
      %add3A_90 = arith.addi %mul3A_88, %add3A_89 : i32
      %mul3A_91 = arith.constant 2600064 : i32
      %mul3A_92 = arith.muli %add3A_90, %mul3A_91 : i32
      %add3A_93 = arith.constant 2596864 : i32
      %add3A_94 = arith.addi %mul3A_92, %add3A_93 : i32
      %run_scoped3A_95 = arith.constant 0 : i32
      %run_scoped3A_96 = arith.constant 1 : i32
      "tpu.region"() ({
        %run_scoped3A_157 = tpu.sem_alloc : memref<!tpu.dma_semaphore, #tpu.memory_space<semaphore_mem>>
        %dma_start3A_158 = arith.constant 0 : i32
        %dma_start3A_159 = tpu.memref_slice %arg5[%run_scoped3A_95, %run_scoped3A_96, %dma_start3A_158] : memref<2x8x4096xf32, #tpu.memory_space<vmem>> -> memref<1x1x3072xf32, #tpu.memory_space<vmem>>
        %dma_start3A_160 = tpu.memref_squeeze %dma_start3A_159 : memref<1x1x3072xf32, #tpu.memory_space<vmem>> -> memref<3072xf32, #tpu.memory_space<vmem>>
        %dma_start3A_161 = tpu.memref_slice %arg4[%add3A_94] : memref<41601024xf32, #tpu.memory_space<hbm>> -> memref<3072xf32, #tpu.memory_space<hbm>>
        %dma_start3A_162 = tpu.memref_slice %arg4[%add3A_94] : memref<41601024xf32, #tpu.memory_space<hbm>> -> memref<3072xf32, #tpu.memory_space<hbm>>
        %dma_start3A_163 = arith.constant 0 : i32
        %dma_start3A_164 = tpu.memref_slice %arg5[%run_scoped3A_95, %run_scoped3A_96, %dma_start3A_163] : memref<2x8x4096xf32, #tpu.memory_space<vmem>> -> memref<1x1x3072xf32, #tpu.memory_space<vmem>>
        %dma_start3A_165 = tpu.memref_squeeze %dma_start3A_164 : memref<1x1x3072xf32, #tpu.memory_space<vmem>> -> memref<3072xf32, #tpu.memory_space<vmem>>
        tpu.enqueue_dma source(%dma_start3A_165 : memref<3072xf32, #tpu.memory_space<vmem>>) target(%dma_start3A_162 : memref<3072xf32, #tpu.memory_space<hbm>>) target_semaphore(%run_scoped3A_157 : memref<!tpu.dma_semaphore, #tpu.memory_space<semaphore_mem>>)
        %dma_wait3A_166 = arith.constant 0 : i32
        %dma_wait3A_167 = tpu.memref_slice %arg5[%run_scoped3A_95, %run_scoped3A_96, %dma_wait3A_166] : memref<2x8x4096xf32, #tpu.memory_space<vmem>> -> memref<1x1x3072xf32, #tpu.memory_space<vmem>>
        %dma_wait3A_168 = tpu.memref_squeeze %dma_wait3A_167 : memref<1x1x3072xf32, #tpu.memory_space<vmem>> -> memref<3072xf32, #tpu.memory_space<vmem>>
        %dma_wait3A_169 = tpu.memref_slice %arg4[%add3A_94] : memref<41601024xf32, #tpu.memory_space<hbm>> -> memref<3072xf32, #tpu.memory_space<hbm>>
        %dma_wait3A_170 = tpu.memref_slice %arg4[%add3A_94] : memref<41601024xf32, #tpu.memory_space<hbm>> -> memref<3072xf32, #tpu.memory_space<hbm>>
        %dma_wait3A_171 = arith.constant 0 : i32
        %dma_wait3A_172 = tpu.memref_slice %arg5[%run_scoped3A_95, %run_scoped3A_96, %dma_wait3A_171] : memref<2x8x4096xf32, #tpu.memory_space<vmem>> -> memref<1x1x3072xf32, #tpu.memory_space<vmem>>
        %dma_wait3A_173 = tpu.memref_squeeze %dma_wait3A_172 : memref<1x1x3072xf32, #tpu.memory_space<vmem>> -> memref<3072xf32, #tpu.memory_space<vmem>>
        tpu.wait_dma2 semaphore(%run_scoped3A_157 : memref<!tpu.dma_semaphore, #tpu.memory_space<semaphore_mem>>) src(%dma_wait3A_173 : memref<3072xf32, #tpu.memory_space<vmem>>) dst(%dma_wait3A_170 : memref<3072xf32, #tpu.memory_space<hbm>>)
        tpu.yield
      }) : () -> ()
      %mul3A_97 = arith.constant 8 : i32
      %mul3A_98 = arith.muli %add3A, %mul3A_97 : i32
      %add3A_99 = arith.constant 2 : i32
      %add3A_100 = arith.addi %mul3A_98, %add3A_99 : i32
      %mul3A_101 = arith.constant 2600064 : i32
      %mul3A_102 = arith.muli %add3A_100, %mul3A_101 : i32
      %add3A_103 = arith.constant 2596864 : i32
      %add3A_104 = arith.addi %mul3A_102, %add3A_103 : i32
      %run_scoped3A_105 = arith.constant 0 : i32
      %run_scoped3A_106 = arith.constant 2 : i32
      "tpu.region"() ({
        %run_scoped3A_157 = tpu.sem_alloc : memref<!tpu.dma_semaphore, #tpu.memory_space<semaphore_mem>>
        %dma_start3A_158 = arith.constant 0 : i32
        %dma_start3A_159 = tpu.memref_slice %arg5[%run_scoped3A_105, %run_scoped3A_106, %dma_start3A_158] : memref<2x8x4096xf32, #tpu.memory_space<vmem>> -> memref<1x1x3072xf32, #tpu.memory_space<vmem>>
        %dma_start3A_160 = tpu.memref_squeeze %dma_start3A_159 : memref<1x1x3072xf32, #tpu.memory_space<vmem>> -> memref<3072xf32, #tpu.memory_space<vmem>>
        %dma_start3A_161 = tpu.memref_slice %arg4[%add3A_104] : memref<41601024xf32, #tpu.memory_space<hbm>> -> memref<3072xf32, #tpu.memory_space<hbm>>
        %dma_start3A_162 = tpu.memref_slice %arg4[%add3A_104] : memref<41601024xf32, #tpu.memory_space<hbm>> -> memref<3072xf32, #tpu.memory_space<hbm>>
        %dma_start3A_163 = arith.constant 0 : i32
        %dma_start3A_164 = tpu.memref_slice %arg5[%run_scoped3A_105, %run_scoped3A_106, %dma_start3A_163] : memref<2x8x4096xf32, #tpu.memory_space<vmem>> -> memref<1x1x3072xf32, #tpu.memory_space<vmem>>
        %dma_start3A_165 = tpu.memref_squeeze %dma_start3A_164 : memref<1x1x3072xf32, #tpu.memory_space<vmem>> -> memref<3072xf32, #tpu.memory_space<vmem>>
        tpu.enqueue_dma source(%dma_start3A_165 : memref<3072xf32, #tpu.memory_space<vmem>>) target(%dma_start3A_162 : memref<3072xf32, #tpu.memory_space<hbm>>) target_semaphore(%run_scoped3A_157 : memref<!tpu.dma_semaphore, #tpu.memory_space<semaphore_mem>>)
        %dma_wait3A_166 = arith.constant 0 : i32
        %dma_wait3A_167 = tpu.memref_slice %arg5[%run_scoped3A_105, %run_scoped3A_106, %dma_wait3A_166] : memref<2x8x4096xf32, #tpu.memory_space<vmem>> -> memref<1x1x3072xf32, #tpu.memory_space<vmem>>
        %dma_wait3A_168 = tpu.memref_squeeze %dma_wait3A_167 : memref<1x1x3072xf32, #tpu.memory_space<vmem>> -> memref<3072xf32, #tpu.memory_space<vmem>>
        %dma_wait3A_169 = tpu.memref_slice %arg4[%add3A_104] : memref<41601024xf32, #tpu.memory_space<hbm>> -> memref<3072xf32, #tpu.memory_space<hbm>>
        %dma_wait3A_170 = tpu.memref_slice %arg4[%add3A_104] : memref<41601024xf32, #tpu.memory_space<hbm>> -> memref<3072xf32, #tpu.memory_space<hbm>>
        %dma_wait3A_171 = arith.constant 0 : i32
        %dma_wait3A_172 = tpu.memref_slice %arg5[%run_scoped3A_105, %run_scoped3A_106, %dma_wait3A_171] : memref<2x8x4096xf32, #tpu.memory_space<vmem>> -> memref<1x1x3072xf32, #tpu.memory_space<vmem>>
        %dma_wait3A_173 = tpu.memref_squeeze %dma_wait3A_172 : memref<1x1x3072xf32, #tpu.memory_space<vmem>> -> memref<3072xf32, #tpu.memory_space<vmem>>
        tpu.wait_dma2 semaphore(%run_scoped3A_157 : memref<!tpu.dma_semaphore, #tpu.memory_space<semaphore_mem>>) src(%dma_wait3A_173 : memref<3072xf32, #tpu.memory_space<vmem>>) dst(%dma_wait3A_170 : memref<3072xf32, #tpu.memory_space<hbm>>)
        tpu.yield
      }) : () -> ()
      %mul3A_107 = arith.constant 8 : i32
      %mul3A_108 = arith.muli %add3A, %mul3A_107 : i32
      %add3A_109 = arith.constant 3 : i32
      %add3A_110 = arith.addi %mul3A_108, %add3A_109 : i32
      %mul3A_111 = arith.constant 2600064 : i32
      %mul3A_112 = arith.muli %add3A_110, %mul3A_111 : i32
      %add3A_113 = arith.constant 2596864 : i32
      %add3A_114 = arith.addi %mul3A_112, %add3A_113 : i32
      %run_scoped3A_115 = arith.constant 0 : i32
      %run_scoped3A_116 = arith.constant 3 : i32
      "tpu.region"() ({
        %run_scoped3A_157 = tpu.sem_alloc : memref<!tpu.dma_semaphore, #tpu.memory_space<semaphore_mem>>
        %dma_start3A_158 = arith.constant 0 : i32
        %dma_start3A_159 = tpu.memref_slice %arg5[%run_scoped3A_115, %run_scoped3A_116, %dma_start3A_158] : memref<2x8x4096xf32, #tpu.memory_space<vmem>> -> memref<1x1x3072xf32, #tpu.memory_space<vmem>>
        %dma_start3A_160 = tpu.memref_squeeze %dma_start3A_159 : memref<1x1x3072xf32, #tpu.memory_space<vmem>> -> memref<3072xf32, #tpu.memory_space<vmem>>
        %dma_start3A_161 = tpu.memref_slice %arg4[%add3A_114] : memref<41601024xf32, #tpu.memory_space<hbm>> -> memref<3072xf32, #tpu.memory_space<hbm>>
        %dma_start3A_162 = tpu.memref_slice %arg4[%add3A_114] : memref<41601024xf32, #tpu.memory_space<hbm>> -> memref<3072xf32, #tpu.memory_space<hbm>>
        %dma_start3A_163 = arith.constant 0 : i32
        %dma_start3A_164 = tpu.memref_slice %arg5[%run_scoped3A_115, %run_scoped3A_116, %dma_start3A_163] : memref<2x8x4096xf32, #tpu.memory_space<vmem>> -> memref<1x1x3072xf32, #tpu.memory_space<vmem>>
        %dma_start3A_165 = tpu.memref_squeeze %dma_start3A_164 : memref<1x1x3072xf32, #tpu.memory_space<vmem>> -> memref<3072xf32, #tpu.memory_space<vmem>>
        tpu.enqueue_dma source(%dma_start3A_165 : memref<3072xf32, #tpu.memory_space<vmem>>) target(%dma_start3A_162 : memref<3072xf32, #tpu.memory_space<hbm>>) target_semaphore(%run_scoped3A_157 : memref<!tpu.dma_semaphore, #tpu.memory_space<semaphore_mem>>)
        %dma_wait3A_166 = arith.constant 0 : i32
        %dma_wait3A_167 = tpu.memref_slice %arg5[%run_scoped3A_115, %run_scoped3A_116, %dma_wait3A_166] : memref<2x8x4096xf32, #tpu.memory_space<vmem>> -> memref<1x1x3072xf32, #tpu.memory_space<vmem>>
        %dma_wait3A_168 = tpu.memref_squeeze %dma_wait3A_167 : memref<1x1x3072xf32, #tpu.memory_space<vmem>> -> memref<3072xf32, #tpu.memory_space<vmem>>
        %dma_wait3A_169 = tpu.memref_slice %arg4[%add3A_114] : memref<41601024xf32, #tpu.memory_space<hbm>> -> memref<3072xf32, #tpu.memory_space<hbm>>
        %dma_wait3A_170 = tpu.memref_slice %arg4[%add3A_114] : memref<41601024xf32, #tpu.memory_space<hbm>> -> memref<3072xf32, #tpu.memory_space<hbm>>
        %dma_wait3A_171 = arith.constant 0 : i32
        %dma_wait3A_172 = tpu.memref_slice %arg5[%run_scoped3A_115, %run_scoped3A_116, %dma_wait3A_171] : memref<2x8x4096xf32, #tpu.memory_space<vmem>> -> memref<1x1x3072xf32, #tpu.memory_space<vmem>>
        %dma_wait3A_173 = tpu.memref_squeeze %dma_wait3A_172 : memref<1x1x3072xf32, #tpu.memory_space<vmem>> -> memref<3072xf32, #tpu.memory_space<vmem>>
        tpu.wait_dma2 semaphore(%run_scoped3A_157 : memref<!tpu.dma_semaphore, #tpu.memory_space<semaphore_mem>>) src(%dma_wait3A_173 : memref<3072xf32, #tpu.memory_space<vmem>>) dst(%dma_wait3A_170 : memref<3072xf32, #tpu.memory_space<hbm>>)
        tpu.yield
      }) : () -> ()
      %mul3A_117 = arith.constant 8 : i32
      %mul3A_118 = arith.muli %add3A, %mul3A_117 : i32
      %add3A_119 = arith.constant 4 : i32
      %add3A_120 = arith.addi %mul3A_118, %add3A_119 : i32
      %mul3A_121 = arith.constant 2600064 : i32
      %mul3A_122 = arith.muli %add3A_120, %mul3A_121 : i32
      %add3A_123 = arith.constant 2596864 : i32
      %add3A_124 = arith.addi %mul3A_122, %add3A_123 : i32
      %run_scoped3A_125 = arith.constant 0 : i32
      %run_scoped3A_126 = arith.constant 4 : i32
      "tpu.region"() ({
        %run_scoped3A_157 = tpu.sem_alloc : memref<!tpu.dma_semaphore, #tpu.memory_space<semaphore_mem>>
        %dma_start3A_158 = arith.constant 0 : i32
        %dma_start3A_159 = tpu.memref_slice %arg5[%run_scoped3A_125, %run_scoped3A_126, %dma_start3A_158] : memref<2x8x4096xf32, #tpu.memory_space<vmem>> -> memref<1x1x3072xf32, #tpu.memory_space<vmem>>
        %dma_start3A_160 = tpu.memref_squeeze %dma_start3A_159 : memref<1x1x3072xf32, #tpu.memory_space<vmem>> -> memref<3072xf32, #tpu.memory_space<vmem>>
        %dma_start3A_161 = tpu.memref_slice %arg4[%add3A_124] : memref<41601024xf32, #tpu.memory_space<hbm>> -> memref<3072xf32, #tpu.memory_space<hbm>>
        %dma_start3A_162 = tpu.memref_slice %arg4[%add3A_124] : memref<41601024xf32, #tpu.memory_space<hbm>> -> memref<3072xf32, #tpu.memory_space<hbm>>
        %dma_start3A_163 = arith.constant 0 : i32
        %dma_start3A_164 = tpu.memref_slice %arg5[%run_scoped3A_125, %run_scoped3A_126, %dma_start3A_163] : memref<2x8x4096xf32, #tpu.memory_space<vmem>> -> memref<1x1x3072xf32, #tpu.memory_space<vmem>>
        %dma_start3A_165 = tpu.memref_squeeze %dma_start3A_164 : memref<1x1x3072xf32, #tpu.memory_space<vmem>> -> memref<3072xf32, #tpu.memory_space<vmem>>
        tpu.enqueue_dma source(%dma_start3A_165 : memref<3072xf32, #tpu.memory_space<vmem>>) target(%dma_start3A_162 : memref<3072xf32, #tpu.memory_space<hbm>>) target_semaphore(%run_scoped3A_157 : memref<!tpu.dma_semaphore, #tpu.memory_space<semaphore_mem>>)
        %dma_wait3A_166 = arith.constant 0 : i32
        %dma_wait3A_167 = tpu.memref_slice %arg5[%run_scoped3A_125, %run_scoped3A_126, %dma_wait3A_166] : memref<2x8x4096xf32, #tpu.memory_space<vmem>> -> memref<1x1x3072xf32, #tpu.memory_space<vmem>>
        %dma_wait3A_168 = tpu.memref_squeeze %dma_wait3A_167 : memref<1x1x3072xf32, #tpu.memory_space<vmem>> -> memref<3072xf32, #tpu.memory_space<vmem>>
        %dma_wait3A_169 = tpu.memref_slice %arg4[%add3A_124] : memref<41601024xf32, #tpu.memory_space<hbm>> -> memref<3072xf32, #tpu.memory_space<hbm>>
        %dma_wait3A_170 = tpu.memref_slice %arg4[%add3A_124] : memref<41601024xf32, #tpu.memory_space<hbm>> -> memref<3072xf32, #tpu.memory_space<hbm>>
        %dma_wait3A_171 = arith.constant 0 : i32
        %dma_wait3A_172 = tpu.memref_slice %arg5[%run_scoped3A_125, %run_scoped3A_126, %dma_wait3A_171] : memref<2x8x4096xf32, #tpu.memory_space<vmem>> -> memref<1x1x3072xf32, #tpu.memory_space<vmem>>
        %dma_wait3A_173 = tpu.memref_squeeze %dma_wait3A_172 : memref<1x1x3072xf32, #tpu.memory_space<vmem>> -> memref<3072xf32, #tpu.memory_space<vmem>>
        tpu.wait_dma2 semaphore(%run_scoped3A_157 : memref<!tpu.dma_semaphore, #tpu.memory_space<semaphore_mem>>) src(%dma_wait3A_173 : memref<3072xf32, #tpu.memory_space<vmem>>) dst(%dma_wait3A_170 : memref<3072xf32, #tpu.memory_space<hbm>>)
        tpu.yield
      }) : () -> ()
      %mul3A_127 = arith.constant 8 : i32
      %mul3A_128 = arith.muli %add3A, %mul3A_127 : i32
      %add3A_129 = arith.constant 5 : i32
      %add3A_130 = arith.addi %mul3A_128, %add3A_129 : i32
      %mul3A_131 = arith.constant 2600064 : i32
      %mul3A_132 = arith.muli %add3A_130, %mul3A_131 : i32
      %add3A_133 = arith.constant 2596864 : i32
      %add3A_134 = arith.addi %mul3A_132, %add3A_133 : i32
      %run_scoped3A_135 = arith.constant 0 : i32
      %run_scoped3A_136 = arith.constant 5 : i32
      "tpu.region"() ({
        %run_scoped3A_157 = tpu.sem_alloc : memref<!tpu.dma_semaphore, #tpu.memory_space<semaphore_mem>>
        %dma_start3A_158 = arith.constant 0 : i32
        %dma_start3A_159 = tpu.memref_slice %arg5[%run_scoped3A_135, %run_scoped3A_136, %dma_start3A_158] : memref<2x8x4096xf32, #tpu.memory_space<vmem>> -> memref<1x1x3072xf32, #tpu.memory_space<vmem>>
        %dma_start3A_160 = tpu.memref_squeeze %dma_start3A_159 : memref<1x1x3072xf32, #tpu.memory_space<vmem>> -> memref<3072xf32, #tpu.memory_space<vmem>>
        %dma_start3A_161 = tpu.memref_slice %arg4[%add3A_134] : memref<41601024xf32, #tpu.memory_space<hbm>> -> memref<3072xf32, #tpu.memory_space<hbm>>
        %dma_start3A_162 = tpu.memref_slice %arg4[%add3A_134] : memref<41601024xf32, #tpu.memory_space<hbm>> -> memref<3072xf32, #tpu.memory_space<hbm>>
        %dma_start3A_163 = arith.constant 0 : i32
        %dma_start3A_164 = tpu.memref_slice %arg5[%run_scoped3A_135, %run_scoped3A_136, %dma_start3A_163] : memref<2x8x4096xf32, #tpu.memory_space<vmem>> -> memref<1x1x3072xf32, #tpu.memory_space<vmem>>
        %dma_start3A_165 = tpu.memref_squeeze %dma_start3A_164 : memref<1x1x3072xf32, #tpu.memory_space<vmem>> -> memref<3072xf32, #tpu.memory_space<vmem>>
        tpu.enqueue_dma source(%dma_start3A_165 : memref<3072xf32, #tpu.memory_space<vmem>>) target(%dma_start3A_162 : memref<3072xf32, #tpu.memory_space<hbm>>) target_semaphore(%run_scoped3A_157 : memref<!tpu.dma_semaphore, #tpu.memory_space<semaphore_mem>>)
        %dma_wait3A_166 = arith.constant 0 : i32
        %dma_wait3A_167 = tpu.memref_slice %arg5[%run_scoped3A_135, %run_scoped3A_136, %dma_wait3A_166] : memref<2x8x4096xf32, #tpu.memory_space<vmem>> -> memref<1x1x3072xf32, #tpu.memory_space<vmem>>
        %dma_wait3A_168 = tpu.memref_squeeze %dma_wait3A_167 : memref<1x1x3072xf32, #tpu.memory_space<vmem>> -> memref<3072xf32, #tpu.memory_space<vmem>>
        %dma_wait3A_169 = tpu.memref_slice %arg4[%add3A_134] : memref<41601024xf32, #tpu.memory_space<hbm>> -> memref<3072xf32, #tpu.memory_space<hbm>>
        %dma_wait3A_170 = tpu.memref_slice %arg4[%add3A_134] : memref<41601024xf32, #tpu.memory_space<hbm>> -> memref<3072xf32, #tpu.memory_space<hbm>>
        %dma_wait3A_171 = arith.constant 0 : i32
        %dma_wait3A_172 = tpu.memref_slice %arg5[%run_scoped3A_135, %run_scoped3A_136, %dma_wait3A_171] : memref<2x8x4096xf32, #tpu.memory_space<vmem>> -> memref<1x1x3072xf32, #tpu.memory_space<vmem>>
        %dma_wait3A_173 = tpu.memref_squeeze %dma_wait3A_172 : memref<1x1x3072xf32, #tpu.memory_space<vmem>> -> memref<3072xf32, #tpu.memory_space<vmem>>
        tpu.wait_dma2 semaphore(%run_scoped3A_157 : memref<!tpu.dma_semaphore, #tpu.memory_space<semaphore_mem>>) src(%dma_wait3A_173 : memref<3072xf32, #tpu.memory_space<vmem>>) dst(%dma_wait3A_170 : memref<3072xf32, #tpu.memory_space<hbm>>)
        tpu.yield
      }) : () -> ()
      %mul3A_137 = arith.constant 8 : i32
      %mul3A_138 = arith.muli %add3A, %mul3A_137 : i32
      %add3A_139 = arith.constant 6 : i32
      %add3A_140 = arith.addi %mul3A_138, %add3A_139 : i32
      %mul3A_141 = arith.constant 2600064 : i32
      %mul3A_142 = arith.muli %add3A_140, %mul3A_141 : i32
      %add3A_143 = arith.constant 2596864 : i32
      %add3A_144 = arith.addi %mul3A_142, %add3A_143 : i32
      %run_scoped3A_145 = arith.constant 0 : i32
      %run_scoped3A_146 = arith.constant 6 : i32
      "tpu.region"() ({
        %run_scoped3A_157 = tpu.sem_alloc : memref<!tpu.dma_semaphore, #tpu.memory_space<semaphore_mem>>
        %dma_start3A_158 = arith.constant 0 : i32
        %dma_start3A_159 = tpu.memref_slice %arg5[%run_scoped3A_145, %run_scoped3A_146, %dma_start3A_158] : memref<2x8x4096xf32, #tpu.memory_space<vmem>> -> memref<1x1x3072xf32, #tpu.memory_space<vmem>>
        %dma_start3A_160 = tpu.memref_squeeze %dma_start3A_159 : memref<1x1x3072xf32, #tpu.memory_space<vmem>> -> memref<3072xf32, #tpu.memory_space<vmem>>
        %dma_start3A_161 = tpu.memref_slice %arg4[%add3A_144] : memref<41601024xf32, #tpu.memory_space<hbm>> -> memref<3072xf32, #tpu.memory_space<hbm>>
        %dma_start3A_162 = tpu.memref_slice %arg4[%add3A_144] : memref<41601024xf32, #tpu.memory_space<hbm>> -> memref<3072xf32, #tpu.memory_space<hbm>>
        %dma_start3A_163 = arith.constant 0 : i32
        %dma_start3A_164 = tpu.memref_slice %arg5[%run_scoped3A_145, %run_scoped3A_146, %dma_start3A_163] : memref<2x8x4096xf32, #tpu.memory_space<vmem>> -> memref<1x1x3072xf32, #tpu.memory_space<vmem>>
        %dma_start3A_165 = tpu.memref_squeeze %dma_start3A_164 : memref<1x1x3072xf32, #tpu.memory_space<vmem>> -> memref<3072xf32, #tpu.memory_space<vmem>>
        tpu.enqueue_dma source(%dma_start3A_165 : memref<3072xf32, #tpu.memory_space<vmem>>) target(%dma_start3A_162 : memref<3072xf32, #tpu.memory_space<hbm>>) target_semaphore(%run_scoped3A_157 : memref<!tpu.dma_semaphore, #tpu.memory_space<semaphore_mem>>)
        %dma_wait3A_166 = arith.constant 0 : i32
        %dma_wait3A_167 = tpu.memref_slice %arg5[%run_scoped3A_145, %run_scoped3A_146, %dma_wait3A_166] : memref<2x8x4096xf32, #tpu.memory_space<vmem>> -> memref<1x1x3072xf32, #tpu.memory_space<vmem>>
        %dma_wait3A_168 = tpu.memref_squeeze %dma_wait3A_167 : memref<1x1x3072xf32, #tpu.memory_space<vmem>> -> memref<3072xf32, #tpu.memory_space<vmem>>
        %dma_wait3A_169 = tpu.memref_slice %arg4[%add3A_144] : memref<41601024xf32, #tpu.memory_space<hbm>> -> memref<3072xf32, #tpu.memory_space<hbm>>
        %dma_wait3A_170 = tpu.memref_slice %arg4[%add3A_144] : memref<41601024xf32, #tpu.memory_space<hbm>> -> memref<3072xf32, #tpu.memory_space<hbm>>
        %dma_wait3A_171 = arith.constant 0 : i32
        %dma_wait3A_172 = tpu.memref_slice %arg5[%run_scoped3A_145, %run_scoped3A_146, %dma_wait3A_171] : memref<2x8x4096xf32, #tpu.memory_space<vmem>> -> memref<1x1x3072xf32, #tpu.memory_space<vmem>>
        %dma_wait3A_173 = tpu.memref_squeeze %dma_wait3A_172 : memref<1x1x3072xf32, #tpu.memory_space<vmem>> -> memref<3072xf32, #tpu.memory_space<vmem>>
        tpu.wait_dma2 semaphore(%run_scoped3A_157 : memref<!tpu.dma_semaphore, #tpu.memory_space<semaphore_mem>>) src(%dma_wait3A_173 : memref<3072xf32, #tpu.memory_space<vmem>>) dst(%dma_wait3A_170 : memref<3072xf32, #tpu.memory_space<hbm>>)
        tpu.yield
      }) : () -> ()
      %mul3A_147 = arith.constant 8 : i32
      %mul3A_148 = arith.muli %add3A, %mul3A_147 : i32
      %add3A_149 = arith.constant 7 : i32
      %add3A_150 = arith.addi %mul3A_148, %add3A_149 : i32
      %mul3A_151 = arith.constant 2600064 : i32
      %mul3A_152 = arith.muli %add3A_150, %mul3A_151 : i32
      %add3A_153 = arith.constant 2596864 : i32
      %add3A_154 = arith.addi %mul3A_152, %add3A_153 : i32
      %run_scoped3A_155 = arith.constant 0 : i32
      %run_scoped3A_156 = arith.constant 7 : i32
      "tpu.region"() ({
        %run_scoped3A_157 = tpu.sem_alloc : memref<!tpu.dma_semaphore, #tpu.memory_space<semaphore_mem>>
        %dma_start3A_158 = arith.constant 0 : i32
        %dma_start3A_159 = tpu.memref_slice %arg5[%run_scoped3A_155, %run_scoped3A_156, %dma_start3A_158] : memref<2x8x4096xf32, #tpu.memory_space<vmem>> -> memref<1x1x3072xf32, #tpu.memory_space<vmem>>
        %dma_start3A_160 = tpu.memref_squeeze %dma_start3A_159 : memref<1x1x3072xf32, #tpu.memory_space<vmem>> -> memref<3072xf32, #tpu.memory_space<vmem>>
        %dma_start3A_161 = tpu.memref_slice %arg4[%add3A_154] : memref<41601024xf32, #tpu.memory_space<hbm>> -> memref<3072xf32, #tpu.memory_space<hbm>>
        %dma_start3A_162 = tpu.memref_slice %arg4[%add3A_154] : memref<41601024xf32, #tpu.memory_space<hbm>> -> memref<3072xf32, #tpu.memory_space<hbm>>
        %dma_start3A_163 = arith.constant 0 : i32
        %dma_start3A_164 = tpu.memref_slice %arg5[%run_scoped3A_155, %run_scoped3A_156, %dma_start3A_163] : memref<2x8x4096xf32, #tpu.memory_space<vmem>> -> memref<1x1x3072xf32, #tpu.memory_space<vmem>>
        %dma_start3A_165 = tpu.memref_squeeze %dma_start3A_164 : memref<1x1x3072xf32, #tpu.memory_space<vmem>> -> memref<3072xf32, #tpu.memory_space<vmem>>
        tpu.enqueue_dma source(%dma_start3A_165 : memref<3072xf32, #tpu.memory_space<vmem>>) target(%dma_start3A_162 : memref<3072xf32, #tpu.memory_space<hbm>>) target_semaphore(%run_scoped3A_157 : memref<!tpu.dma_semaphore, #tpu.memory_space<semaphore_mem>>)
        %dma_wait3A_166 = arith.constant 0 : i32
        %dma_wait3A_167 = tpu.memref_slice %arg5[%run_scoped3A_155, %run_scoped3A_156, %dma_wait3A_166] : memref<2x8x4096xf32, #tpu.memory_space<vmem>> -> memref<1x1x3072xf32, #tpu.memory_space<vmem>>
        %dma_wait3A_168 = tpu.memref_squeeze %dma_wait3A_167 : memref<1x1x3072xf32, #tpu.memory_space<vmem>> -> memref<3072xf32, #tpu.memory_space<vmem>>
        %dma_wait3A_169 = tpu.memref_slice %arg4[%add3A_154] : memref<41601024xf32, #tpu.memory_space<hbm>> -> memref<3072xf32, #tpu.memory_space<hbm>>
        %dma_wait3A_170 = tpu.memref_slice %arg4[%add3A_154] : memref<41601024xf32, #tpu.memory_space<hbm>> -> memref<3072xf32, #tpu.memory_space<hbm>>
        %dma_wait3A_171 = arith.constant 0 : i32
        %dma_wait3A_172 = tpu.memref_slice %arg5[%run_scoped3A_155, %run_scoped3A_156, %dma_wait3A_171] : memref<2x8x4096xf32, #tpu.memory_space<vmem>> -> memref<1x1x3072xf32, #tpu.memory_space<vmem>>
        %dma_wait3A_173 = tpu.memref_squeeze %dma_wait3A_172 : memref<1x1x3072xf32, #tpu.memory_space<vmem>> -> memref<3072xf32, #tpu.memory_space<vmem>>
        tpu.wait_dma2 semaphore(%run_scoped3A_157 : memref<!tpu.dma_semaphore, #tpu.memory_space<semaphore_mem>>) src(%dma_wait3A_173 : memref<3072xf32, #tpu.memory_space<vmem>>) dst(%dma_wait3A_170 : memref<3072xf32, #tpu.memory_space<hbm>>)
        tpu.yield
      }) : () -> ()
    } else {
    }
    %ge3A = arith.constant 16 : i32
    %ge3A_70 = arith.cmpi sge, %add3A, %ge3A : i32
    %convert_element_type3A_71 = arith.extui %ge3A_70 : i1 to i32
    %cond3A_72 = arith.constant 0 : i32
    %cond3A_73 = arith.cmpi ne, %convert_element_type3A_71, %cond3A_72 : i32
    scf.if %cond3A_73 {
      %sub3A_74 = arith.constant 16 : i32
      %sub3A_75 = arith.subi %add3A, %sub3A_74 : i32
      %mul3A_76 = arith.constant 64 : i32
      %mul3A_77 = arith.muli %sub3A_75, %mul3A_76 : i32
      "tpu.region"() ({
        %run_scoped3A = tpu.sem_alloc : memref<!tpu.dma_semaphore, #tpu.memory_space<semaphore_mem>>
        %dma_start3A_82 = tpu.memref_slice %arg3[%mul3A_77] : memref<1024xf32, #tpu.memory_space<hbm>> -> memref<64xf32, #tpu.memory_space<hbm>>
        %dma_start3A_83 = tpu.memref_slice %arg3[%mul3A_77] : memref<1024xf32, #tpu.memory_space<hbm>> -> memref<64xf32, #tpu.memory_space<hbm>>
        tpu.enqueue_dma source(%dma_start3A_83 : memref<64xf32, #tpu.memory_space<hbm>>) target(%arg6 : memref<64xf32, #tpu.memory_space<vmem>>) target_semaphore(%run_scoped3A : memref<!tpu.dma_semaphore, #tpu.memory_space<semaphore_mem>>)
        %dma_wait3A_84 = tpu.memref_slice %arg3[%mul3A_77] : memref<1024xf32, #tpu.memory_space<hbm>> -> memref<64xf32, #tpu.memory_space<hbm>>
        %dma_wait3A_85 = tpu.memref_slice %arg3[%mul3A_77] : memref<1024xf32, #tpu.memory_space<hbm>> -> memref<64xf32, #tpu.memory_space<hbm>>
        tpu.wait_dma2 semaphore(%run_scoped3A : memref<!tpu.dma_semaphore, #tpu.memory_space<semaphore_mem>>) src(%dma_wait3A_85 : memref<64xf32, #tpu.memory_space<hbm>>) dst(%arg6 : memref<64xf32, #tpu.memory_space<vmem>>)
        tpu.yield
      }) : () -> ()
      %mul3A_78 = arith.constant 2600064 : i32
      %mul3A_79 = arith.muli %sub3A_75, %mul3A_78 : i32
      %add3A_80 = arith.constant 2599936 : i32
      %add3A_81 = arith.addi %mul3A_79, %add3A_80 : i32
      "tpu.region"() ({
        %run_scoped3A = tpu.sem_alloc : memref<!tpu.dma_semaphore, #tpu.memory_space<semaphore_mem>>
        %dma_start3A_82 = tpu.memref_slice %arg4[%add3A_81] : memref<41601024xf32, #tpu.memory_space<hbm>> -> memref<64xf32, #tpu.memory_space<hbm>>
        %dma_start3A_83 = tpu.memref_slice %arg4[%add3A_81] : memref<41601024xf32, #tpu.memory_space<hbm>> -> memref<64xf32, #tpu.memory_space<hbm>>
        tpu.enqueue_dma source(%arg6 : memref<64xf32, #tpu.memory_space<vmem>>) target(%dma_start3A_83 : memref<64xf32, #tpu.memory_space<hbm>>) target_semaphore(%run_scoped3A : memref<!tpu.dma_semaphore, #tpu.memory_space<semaphore_mem>>)
        %dma_wait3A_84 = tpu.memref_slice %arg4[%add3A_81] : memref<41601024xf32, #tpu.memory_space<hbm>> -> memref<64xf32, #tpu.memory_space<hbm>>
        %dma_wait3A_85 = tpu.memref_slice %arg4[%add3A_81] : memref<41601024xf32, #tpu.memory_space<hbm>> -> memref<64xf32, #tpu.memory_space<hbm>>
        tpu.wait_dma2 semaphore(%run_scoped3A : memref<!tpu.dma_semaphore, #tpu.memory_space<semaphore_mem>>) src(%arg6 : memref<64xf32, #tpu.memory_space<vmem>>) dst(%dma_wait3A_85 : memref<64xf32, #tpu.memory_space<hbm>>)
        tpu.yield
      }) : () -> ()
    } else {
    }
    return
  }
}

#map = affine_map<(d0, d1) -> (0, 0)>
#map1 = affine_map<(d0, d1) -> (0)>
#map2 = affine_map<(d0, d1) -> (0, 0, 0)>
module attributes {stable_mosaic.version = 14 : i64} {
  func.func @_gather_body(%arg0: i32, %arg1: i32, %arg2: memref<26x16384xi32, #tpu.memory_space<hbm>>, %arg3: memref<41601024xf32, #tpu.memory_space<hbm>>, %arg4: memref<26x16x16384xf32, #tpu.memory_space<hbm>>, %arg5: memref<512xi32, #tpu.memory_space<vmem>>, %arg6: memref<2x16x512xi32, #tpu.memory_space<vmem>>, %arg7: memref<2x16x512xf32, #tpu.memory_space<vmem>>, %arg8: memref<!tpu.dma_semaphore, #tpu.memory_space<semaphore_mem>>, %arg9: memref<!tpu.dma_semaphore, #tpu.memory_space<semaphore_mem>>) attributes {dimension_semantics = [#tpu.dimension_semantics<core_parallel>, #tpu.dimension_semantics<subcore_parallel>], iteration_bounds = array<i64: 2, 16>, scalar_prefetch = 0 : i64, scratch_operands = 5 : i64, tpu.core_type = #tpu.core_type<sc_vector_subcore>, window_params = [{transform_indices = #map}, {transform_indices = #map1}, {transform_indices = #map2}]} {
    %mul3A = arith.constant 2 : i32
    %mul3A_0 = arith.muli %arg1, %mul3A : i32
    %add3A = arith.addi %mul3A_0, %arg0 : i32
    %mul3A_1 = arith.constant 512 : i32
    %mul3A_2 = arith.muli %add3A, %mul3A_1 : i32
    %scan3A = arith.constant 0 : i32
    %scan3A_3 = arith.constant 0 : i32
    %scan3A_4 = arith.constant 26 : i32
    %scan3A_5 = arith.addi %scan3A_3, %scan3A_4 : i32
    %scan3A_6 = arith.constant 1 : i32
    scf.for %scan3A_246 = %scan3A_3 to %scan3A_5 step %scan3A_6  : i32 {
      %rem3A = arith.constant 2 : i32
      %rem3A_247 = arith.remsi %scan3A_246, %rem3A : i32
      "tpu.region"() ({
        %run_scoped3A = tpu.sem_alloc : memref<!tpu.dma_semaphore, #tpu.memory_space<semaphore_mem>>
        %dma_start3A_421 = tpu.memref_slice %arg2[%scan3A_246, %mul3A_2] : memref<26x16384xi32, #tpu.memory_space<hbm>> -> memref<1x512xi32, #tpu.memory_space<hbm>>
        %dma_start3A_422 = tpu.memref_squeeze %dma_start3A_421 : memref<1x512xi32, #tpu.memory_space<hbm>> -> memref<512xi32, #tpu.memory_space<hbm>>
        %dma_start3A_423 = tpu.memref_slice %arg2[%scan3A_246, %mul3A_2] : memref<26x16384xi32, #tpu.memory_space<hbm>> -> memref<1x512xi32, #tpu.memory_space<hbm>>
        %dma_start3A_424 = tpu.memref_squeeze %dma_start3A_423 : memref<1x512xi32, #tpu.memory_space<hbm>> -> memref<512xi32, #tpu.memory_space<hbm>>
        tpu.enqueue_dma source(%dma_start3A_424 : memref<512xi32, #tpu.memory_space<hbm>>) target(%arg5 : memref<512xi32, #tpu.memory_space<vmem>>) target_semaphore(%run_scoped3A : memref<!tpu.dma_semaphore, #tpu.memory_space<semaphore_mem>>)
        %dma_wait3A_425 = tpu.memref_slice %arg2[%scan3A_246, %mul3A_2] : memref<26x16384xi32, #tpu.memory_space<hbm>> -> memref<1x512xi32, #tpu.memory_space<hbm>>
        %dma_wait3A_426 = tpu.memref_squeeze %dma_wait3A_425 : memref<1x512xi32, #tpu.memory_space<hbm>> -> memref<512xi32, #tpu.memory_space<hbm>>
        %dma_wait3A_427 = tpu.memref_slice %arg2[%scan3A_246, %mul3A_2] : memref<26x16384xi32, #tpu.memory_space<hbm>> -> memref<1x512xi32, #tpu.memory_space<hbm>>
        %dma_wait3A_428 = tpu.memref_squeeze %dma_wait3A_427 : memref<1x512xi32, #tpu.memory_space<hbm>> -> memref<512xi32, #tpu.memory_space<hbm>>
        tpu.wait_dma2 semaphore(%run_scoped3A : memref<!tpu.dma_semaphore, #tpu.memory_space<semaphore_mem>>) src(%dma_wait3A_428 : memref<512xi32, #tpu.memory_space<hbm>>) dst(%arg5 : memref<512xi32, #tpu.memory_space<vmem>>)
        tpu.yield
      }) : () -> ()
      %scan3A_248 = arith.constant 0 : i32
      %scan3A_249 = arith.constant 0 : i32
      %scan3A_250 = arith.constant 32 : i32
      %scan3A_251 = arith.addi %scan3A_249, %scan3A_250 : i32
      %scan3A_252 = arith.constant 2 : i32
      scf.for %scan3A_421 = %scan3A_249 to %scan3A_251 step %scan3A_252  : i32 {
        %mul3A_422 = arith.constant 16 : i32
        %mul3A_423 = arith.muli %scan3A_421, %mul3A_422 : i32
        %multiple_of3A = tpu.assume_multiple %mul3A_423, 16 : i32
        %get3A = arith.index_cast %multiple_of3A : i32 to index
        %get3A_424 = tpu.vector_load %arg5[%get3A] {strides = array<i32>} : memref<512xi32, #tpu.memory_space<vmem>>, vector<16xi32>,
        %get3A_425 = vector.shape_cast %get3A_424 : vector<16xi32> to vector<16xi32>
        %mul3A_426 = arith.constant 100000 : i32
        %mul3A_427 = arith.muli %scan3A_246, %mul3A_426 : i32
        %add3A_428 = vector.broadcast %mul3A_427 : i32 to vector<16xi32>
        %add3A_429 = arith.addi %get3A_425, %add3A_428 : vector<16xi32>
        %add3A_430 = arith.constant 0 : i32
        %add3A_431 = vector.broadcast %add3A_430 : i32 to vector<16xi32>
        %add3A_432 = arith.addi %add3A_429, %add3A_431 : vector<16xi32>
        %swap3A = arith.constant 0 : i32
        %swap3A_433 = arith.index_cast %rem3A_247 : i32 to index
        %swap3A_434 = arith.index_cast %swap3A : i32 to index
        %swap3A_435 = arith.index_cast %multiple_of3A : i32 to index
        %swap3A_436 = tpu.vector_load %arg6[%swap3A_433, %swap3A_434, %swap3A_435] {strides = array<i32>} : memref<2x16x512xi32, #tpu.memory_space<vmem>>, vector<1x1x16xi32>,
        %swap3A_437 = vector.shape_cast %swap3A_436 : vector<1x1x16xi32> to vector<16xi32>
        %swap3A_438 = vector.shape_cast %add3A_432 : vector<16xi32> to vector<1x1x16xi32>
        tpu.vector_store %arg6[%swap3A_433, %swap3A_434, %swap3A_435], %swap3A_438 {strides = array<i32>} : memref<2x16x512xi32, #tpu.memory_space<vmem>>, vector<1x1x16xi32>,
        %add3A_439 = arith.constant 2600064 : i32
        %add3A_440 = vector.broadcast %add3A_439 : i32 to vector<16xi32>
        %add3A_441 = arith.addi %add3A_429, %add3A_440 : vector<16xi32>
        %swap3A_442 = arith.constant 1 : i32
        %swap3A_443 = arith.index_cast %rem3A_247 : i32 to index
        %swap3A_444 = arith.index_cast %swap3A_442 : i32 to index
        %swap3A_445 = arith.index_cast %multiple_of3A : i32 to index
        %swap3A_446 = tpu.vector_load %arg6[%swap3A_443, %swap3A_444, %swap3A_445] {strides = array<i32>} : memref<2x16x512xi32, #tpu.memory_space<vmem>>, vector<1x1x16xi32>,
        %swap3A_447 = vector.shape_cast %swap3A_446 : vector<1x1x16xi32> to vector<16xi32>
        %swap3A_448 = vector.shape_cast %add3A_441 : vector<16xi32> to vector<1x1x16xi32>
        tpu.vector_store %arg6[%swap3A_443, %swap3A_444, %swap3A_445], %swap3A_448 {strides = array<i32>} : memref<2x16x512xi32, #tpu.memory_space<vmem>>, vector<1x1x16xi32>,
        %add3A_449 = arith.constant 5200128 : i32
        %add3A_450 = vector.broadcast %add3A_449 : i32 to vector<16xi32>
        %add3A_451 = arith.addi %add3A_429, %add3A_450 : vector<16xi32>
        %swap3A_452 = arith.constant 2 : i32
        %swap3A_453 = arith.index_cast %rem3A_247 : i32 to index
        %swap3A_454 = arith.index_cast %swap3A_452 : i32 to index
        %swap3A_455 = arith.index_cast %multiple_of3A : i32 to index
        %swap3A_456 = tpu.vector_load %arg6[%swap3A_453, %swap3A_454, %swap3A_455] {strides = array<i32>} : memref<2x16x512xi32, #tpu.memory_space<vmem>>, vector<1x1x16xi32>,
        %swap3A_457 = vector.shape_cast %swap3A_456 : vector<1x1x16xi32> to vector<16xi32>
        %swap3A_458 = vector.shape_cast %add3A_451 : vector<16xi32> to vector<1x1x16xi32>
        tpu.vector_store %arg6[%swap3A_453, %swap3A_454, %swap3A_455], %swap3A_458 {strides = array<i32>} : memref<2x16x512xi32, #tpu.memory_space<vmem>>, vector<1x1x16xi32>,
        %add3A_459 = arith.constant 7800192 : i32
        %add3A_460 = vector.broadcast %add3A_459 : i32 to vector<16xi32>
        %add3A_461 = arith.addi %add3A_429, %add3A_460 : vector<16xi32>
        %swap3A_462 = arith.constant 3 : i32
        %swap3A_463 = arith.index_cast %rem3A_247 : i32 to index
        %swap3A_464 = arith.index_cast %swap3A_462 : i32 to index
        %swap3A_465 = arith.index_cast %multiple_of3A : i32 to index
        %swap3A_466 = tpu.vector_load %arg6[%swap3A_463, %swap3A_464, %swap3A_465] {strides = array<i32>} : memref<2x16x512xi32, #tpu.memory_space<vmem>>, vector<1x1x16xi32>,
        %swap3A_467 = vector.shape_cast %swap3A_466 : vector<1x1x16xi32> to vector<16xi32>
        %swap3A_468 = vector.shape_cast %add3A_461 : vector<16xi32> to vector<1x1x16xi32>
        tpu.vector_store %arg6[%swap3A_463, %swap3A_464, %swap3A_465], %swap3A_468 {strides = array<i32>} : memref<2x16x512xi32, #tpu.memory_space<vmem>>, vector<1x1x16xi32>,
        %add3A_469 = arith.constant 10400256 : i32
        %add3A_470 = vector.broadcast %add3A_469 : i32 to vector<16xi32>
        %add3A_471 = arith.addi %add3A_429, %add3A_470 : vector<16xi32>
        %swap3A_472 = arith.constant 4 : i32
        %swap3A_473 = arith.index_cast %rem3A_247 : i32 to index
        %swap3A_474 = arith.index_cast %swap3A_472 : i32 to index
        %swap3A_475 = arith.index_cast %multiple_of3A : i32 to index
        %swap3A_476 = tpu.vector_load %arg6[%swap3A_473, %swap3A_474, %swap3A_475] {strides = array<i32>} : memref<2x16x512xi32, #tpu.memory_space<vmem>>, vector<1x1x16xi32>,
        %swap3A_477 = vector.shape_cast %swap3A_476 : vector<1x1x16xi32> to vector<16xi32>
        %swap3A_478 = vector.shape_cast %add3A_471 : vector<16xi32> to vector<1x1x16xi32>
        tpu.vector_store %arg6[%swap3A_473, %swap3A_474, %swap3A_475], %swap3A_478 {strides = array<i32>} : memref<2x16x512xi32, #tpu.memory_space<vmem>>, vector<1x1x16xi32>,
        %add3A_479 = arith.constant 13000320 : i32
        %add3A_480 = vector.broadcast %add3A_479 : i32 to vector<16xi32>
        %add3A_481 = arith.addi %add3A_429, %add3A_480 : vector<16xi32>
        %swap3A_482 = arith.constant 5 : i32
        %swap3A_483 = arith.index_cast %rem3A_247 : i32 to index
        %swap3A_484 = arith.index_cast %swap3A_482 : i32 to index
        %swap3A_485 = arith.index_cast %multiple_of3A : i32 to index
        %swap3A_486 = tpu.vector_load %arg6[%swap3A_483, %swap3A_484, %swap3A_485] {strides = array<i32>} : memref<2x16x512xi32, #tpu.memory_space<vmem>>, vector<1x1x16xi32>,
        %swap3A_487 = vector.shape_cast %swap3A_486 : vector<1x1x16xi32> to vector<16xi32>
        %swap3A_488 = vector.shape_cast %add3A_481 : vector<16xi32> to vector<1x1x16xi32>
        tpu.vector_store %arg6[%swap3A_483, %swap3A_484, %swap3A_485], %swap3A_488 {strides = array<i32>} : memref<2x16x512xi32, #tpu.memory_space<vmem>>, vector<1x1x16xi32>,
        %add3A_489 = arith.constant 15600384 : i32
        %add3A_490 = vector.broadcast %add3A_489 : i32 to vector<16xi32>
        %add3A_491 = arith.addi %add3A_429, %add3A_490 : vector<16xi32>
        %swap3A_492 = arith.constant 6 : i32
        %swap3A_493 = arith.index_cast %rem3A_247 : i32 to index
        %swap3A_494 = arith.index_cast %swap3A_492 : i32 to index
        %swap3A_495 = arith.index_cast %multiple_of3A : i32 to index
        %swap3A_496 = tpu.vector_load %arg6[%swap3A_493, %swap3A_494, %swap3A_495] {strides = array<i32>} : memref<2x16x512xi32, #tpu.memory_space<vmem>>, vector<1x1x16xi32>,
        %swap3A_497 = vector.shape_cast %swap3A_496 : vector<1x1x16xi32> to vector<16xi32>
        %swap3A_498 = vector.shape_cast %add3A_491 : vector<16xi32> to vector<1x1x16xi32>
        tpu.vector_store %arg6[%swap3A_493, %swap3A_494, %swap3A_495], %swap3A_498 {strides = array<i32>} : memref<2x16x512xi32, #tpu.memory_space<vmem>>, vector<1x1x16xi32>,
        %add3A_499 = arith.constant 18200448 : i32
        %add3A_500 = vector.broadcast %add3A_499 : i32 to vector<16xi32>
        %add3A_501 = arith.addi %add3A_429, %add3A_500 : vector<16xi32>
        %swap3A_502 = arith.constant 7 : i32
        %swap3A_503 = arith.index_cast %rem3A_247 : i32 to index
        %swap3A_504 = arith.index_cast %swap3A_502 : i32 to index
        %swap3A_505 = arith.index_cast %multiple_of3A : i32 to index
        %swap3A_506 = tpu.vector_load %arg6[%swap3A_503, %swap3A_504, %swap3A_505] {strides = array<i32>} : memref<2x16x512xi32, #tpu.memory_space<vmem>>, vector<1x1x16xi32>,
        %swap3A_507 = vector.shape_cast %swap3A_506 : vector<1x1x16xi32> to vector<16xi32>
        %swap3A_508 = vector.shape_cast %add3A_501 : vector<16xi32> to vector<1x1x16xi32>
        tpu.vector_store %arg6[%swap3A_503, %swap3A_504, %swap3A_505], %swap3A_508 {strides = array<i32>} : memref<2x16x512xi32, #tpu.memory_space<vmem>>, vector<1x1x16xi32>,
        %add3A_509 = arith.constant 20800512 : i32
        %add3A_510 = vector.broadcast %add3A_509 : i32 to vector<16xi32>
        %add3A_511 = arith.addi %add3A_429, %add3A_510 : vector<16xi32>
        %swap3A_512 = arith.constant 8 : i32
        %swap3A_513 = arith.index_cast %rem3A_247 : i32 to index
        %swap3A_514 = arith.index_cast %swap3A_512 : i32 to index
        %swap3A_515 = arith.index_cast %multiple_of3A : i32 to index
        %swap3A_516 = tpu.vector_load %arg6[%swap3A_513, %swap3A_514, %swap3A_515] {strides = array<i32>} : memref<2x16x512xi32, #tpu.memory_space<vmem>>, vector<1x1x16xi32>,
        %swap3A_517 = vector.shape_cast %swap3A_516 : vector<1x1x16xi32> to vector<16xi32>
        %swap3A_518 = vector.shape_cast %add3A_511 : vector<16xi32> to vector<1x1x16xi32>
        tpu.vector_store %arg6[%swap3A_513, %swap3A_514, %swap3A_515], %swap3A_518 {strides = array<i32>} : memref<2x16x512xi32, #tpu.memory_space<vmem>>, vector<1x1x16xi32>,
        %add3A_519 = arith.constant 23400576 : i32
        %add3A_520 = vector.broadcast %add3A_519 : i32 to vector<16xi32>
        %add3A_521 = arith.addi %add3A_429, %add3A_520 : vector<16xi32>
        %swap3A_522 = arith.constant 9 : i32
        %swap3A_523 = arith.index_cast %rem3A_247 : i32 to index
        %swap3A_524 = arith.index_cast %swap3A_522 : i32 to index
        %swap3A_525 = arith.index_cast %multiple_of3A : i32 to index
        %swap3A_526 = tpu.vector_load %arg6[%swap3A_523, %swap3A_524, %swap3A_525] {strides = array<i32>} : memref<2x16x512xi32, #tpu.memory_space<vmem>>, vector<1x1x16xi32>,
        %swap3A_527 = vector.shape_cast %swap3A_526 : vector<1x1x16xi32> to vector<16xi32>
        %swap3A_528 = vector.shape_cast %add3A_521 : vector<16xi32> to vector<1x1x16xi32>
        tpu.vector_store %arg6[%swap3A_523, %swap3A_524, %swap3A_525], %swap3A_528 {strides = array<i32>} : memref<2x16x512xi32, #tpu.memory_space<vmem>>, vector<1x1x16xi32>,
        %add3A_529 = arith.constant 26000640 : i32
        %add3A_530 = vector.broadcast %add3A_529 : i32 to vector<16xi32>
        %add3A_531 = arith.addi %add3A_429, %add3A_530 : vector<16xi32>
        %swap3A_532 = arith.constant 10 : i32
        %swap3A_533 = arith.index_cast %rem3A_247 : i32 to index
        %swap3A_534 = arith.index_cast %swap3A_532 : i32 to index
        %swap3A_535 = arith.index_cast %multiple_of3A : i32 to index
        %swap3A_536 = tpu.vector_load %arg6[%swap3A_533, %swap3A_534, %swap3A_535] {strides = array<i32>} : memref<2x16x512xi32, #tpu.memory_space<vmem>>, vector<1x1x16xi32>,
        %swap3A_537 = vector.shape_cast %swap3A_536 : vector<1x1x16xi32> to vector<16xi32>
        %swap3A_538 = vector.shape_cast %add3A_531 : vector<16xi32> to vector<1x1x16xi32>
        tpu.vector_store %arg6[%swap3A_533, %swap3A_534, %swap3A_535], %swap3A_538 {strides = array<i32>} : memref<2x16x512xi32, #tpu.memory_space<vmem>>, vector<1x1x16xi32>,
        %add3A_539 = arith.constant 28600704 : i32
        %add3A_540 = vector.broadcast %add3A_539 : i32 to vector<16xi32>
        %add3A_541 = arith.addi %add3A_429, %add3A_540 : vector<16xi32>
        %swap3A_542 = arith.constant 11 : i32
        %swap3A_543 = arith.index_cast %rem3A_247 : i32 to index
        %swap3A_544 = arith.index_cast %swap3A_542 : i32 to index
        %swap3A_545 = arith.index_cast %multiple_of3A : i32 to index
        %swap3A_546 = tpu.vector_load %arg6[%swap3A_543, %swap3A_544, %swap3A_545] {strides = array<i32>} : memref<2x16x512xi32, #tpu.memory_space<vmem>>, vector<1x1x16xi32>,
        %swap3A_547 = vector.shape_cast %swap3A_546 : vector<1x1x16xi32> to vector<16xi32>
        %swap3A_548 = vector.shape_cast %add3A_541 : vector<16xi32> to vector<1x1x16xi32>
        tpu.vector_store %arg6[%swap3A_543, %swap3A_544, %swap3A_545], %swap3A_548 {strides = array<i32>} : memref<2x16x512xi32, #tpu.memory_space<vmem>>, vector<1x1x16xi32>,
        %add3A_549 = arith.constant 31200768 : i32
        %add3A_550 = vector.broadcast %add3A_549 : i32 to vector<16xi32>
        %add3A_551 = arith.addi %add3A_429, %add3A_550 : vector<16xi32>
        %swap3A_552 = arith.constant 12 : i32
        %swap3A_553 = arith.index_cast %rem3A_247 : i32 to index
        %swap3A_554 = arith.index_cast %swap3A_552 : i32 to index
        %swap3A_555 = arith.index_cast %multiple_of3A : i32 to index
        %swap3A_556 = tpu.vector_load %arg6[%swap3A_553, %swap3A_554, %swap3A_555] {strides = array<i32>} : memref<2x16x512xi32, #tpu.memory_space<vmem>>, vector<1x1x16xi32>,
        %swap3A_557 = vector.shape_cast %swap3A_556 : vector<1x1x16xi32> to vector<16xi32>
        %swap3A_558 = vector.shape_cast %add3A_551 : vector<16xi32> to vector<1x1x16xi32>
        tpu.vector_store %arg6[%swap3A_553, %swap3A_554, %swap3A_555], %swap3A_558 {strides = array<i32>} : memref<2x16x512xi32, #tpu.memory_space<vmem>>, vector<1x1x16xi32>,
        %add3A_559 = arith.constant 33800832 : i32
        %add3A_560 = vector.broadcast %add3A_559 : i32 to vector<16xi32>
        %add3A_561 = arith.addi %add3A_429, %add3A_560 : vector<16xi32>
        %swap3A_562 = arith.constant 13 : i32
        %swap3A_563 = arith.index_cast %rem3A_247 : i32 to index
        %swap3A_564 = arith.index_cast %swap3A_562 : i32 to index
        %swap3A_565 = arith.index_cast %multiple_of3A : i32 to index
        %swap3A_566 = tpu.vector_load %arg6[%swap3A_563, %swap3A_564, %swap3A_565] {strides = array<i32>} : memref<2x16x512xi32, #tpu.memory_space<vmem>>, vector<1x1x16xi32>,
        %swap3A_567 = vector.shape_cast %swap3A_566 : vector<1x1x16xi32> to vector<16xi32>
        %swap3A_568 = vector.shape_cast %add3A_561 : vector<16xi32> to vector<1x1x16xi32>
        tpu.vector_store %arg6[%swap3A_563, %swap3A_564, %swap3A_565], %swap3A_568 {strides = array<i32>} : memref<2x16x512xi32, #tpu.memory_space<vmem>>, vector<1x1x16xi32>,
        %add3A_569 = arith.constant 36400896 : i32
        %add3A_570 = vector.broadcast %add3A_569 : i32 to vector<16xi32>
        %add3A_571 = arith.addi %add3A_429, %add3A_570 : vector<16xi32>
        %swap3A_572 = arith.constant 14 : i32
        %swap3A_573 = arith.index_cast %rem3A_247 : i32 to index
        %swap3A_574 = arith.index_cast %swap3A_572 : i32 to index
        %swap3A_575 = arith.index_cast %multiple_of3A : i32 to index
        %swap3A_576 = tpu.vector_load %arg6[%swap3A_573, %swap3A_574, %swap3A_575] {strides = array<i32>} : memref<2x16x512xi32, #tpu.memory_space<vmem>>, vector<1x1x16xi32>,
        %swap3A_577 = vector.shape_cast %swap3A_576 : vector<1x1x16xi32> to vector<16xi32>
        %swap3A_578 = vector.shape_cast %add3A_571 : vector<16xi32> to vector<1x1x16xi32>
        tpu.vector_store %arg6[%swap3A_573, %swap3A_574, %swap3A_575], %swap3A_578 {strides = array<i32>} : memref<2x16x512xi32, #tpu.memory_space<vmem>>, vector<1x1x16xi32>,
        %add3A_579 = arith.constant 39000960 : i32
        %add3A_580 = vector.broadcast %add3A_579 : i32 to vector<16xi32>
        %add3A_581 = arith.addi %add3A_429, %add3A_580 : vector<16xi32>
        %swap3A_582 = arith.constant 15 : i32
        %swap3A_583 = arith.index_cast %rem3A_247 : i32 to index
        %swap3A_584 = arith.index_cast %swap3A_582 : i32 to index
        %swap3A_585 = arith.index_cast %multiple_of3A : i32 to index
        %swap3A_586 = tpu.vector_load %arg6[%swap3A_583, %swap3A_584, %swap3A_585] {strides = array<i32>} : memref<2x16x512xi32, #tpu.memory_space<vmem>>, vector<1x1x16xi32>,
        %swap3A_587 = vector.shape_cast %swap3A_586 : vector<1x1x16xi32> to vector<16xi32>
        %swap3A_588 = vector.shape_cast %add3A_581 : vector<16xi32> to vector<1x1x16xi32>
        tpu.vector_store %arg6[%swap3A_583, %swap3A_584, %swap3A_585], %swap3A_588 {strides = array<i32>} : memref<2x16x512xi32, #tpu.memory_space<vmem>>, vector<1x1x16xi32>,
        %scan3A_589 = arith.constant 1 : i32
        %scan3A_590 = arith.addi %scan3A_421, %scan3A_589 : i32
        %mul3A_591 = arith.constant 16 : i32
        %mul3A_592 = arith.muli %scan3A_590, %mul3A_591 : i32
        %multiple_of3A_593 = tpu.assume_multiple %mul3A_592, 16 : i32
        %get3A_594 = arith.index_cast %multiple_of3A_593 : i32 to index
        %get3A_595 = tpu.vector_load %arg5[%get3A_594] {strides = array<i32>} : memref<512xi32, #tpu.memory_space<vmem>>, vector<16xi32>,
        %get3A_596 = vector.shape_cast %get3A_595 : vector<16xi32> to vector<16xi32>
        %mul3A_597 = arith.constant 100000 : i32
        %mul3A_598 = arith.muli %scan3A_246, %mul3A_597 : i32
        %add3A_599 = vector.broadcast %mul3A_598 : i32 to vector<16xi32>
        %add3A_600 = arith.addi %get3A_596, %add3A_599 : vector<16xi32>
        %add3A_601 = arith.constant 0 : i32
        %add3A_602 = vector.broadcast %add3A_601 : i32 to vector<16xi32>
        %add3A_603 = arith.addi %add3A_600, %add3A_602 : vector<16xi32>
        %swap3A_604 = arith.constant 0 : i32
        %swap3A_605 = arith.index_cast %rem3A_247 : i32 to index
        %swap3A_606 = arith.index_cast %swap3A_604 : i32 to index
        %swap3A_607 = arith.index_cast %multiple_of3A_593 : i32 to index
        %swap3A_608 = tpu.vector_load %arg6[%swap3A_605, %swap3A_606, %swap3A_607] {strides = array<i32>} : memref<2x16x512xi32, #tpu.memory_space<vmem>>, vector<1x1x16xi32>,
        %swap3A_609 = vector.shape_cast %swap3A_608 : vector<1x1x16xi32> to vector<16xi32>
        %swap3A_610 = vector.shape_cast %add3A_603 : vector<16xi32> to vector<1x1x16xi32>
        tpu.vector_store %arg6[%swap3A_605, %swap3A_606, %swap3A_607], %swap3A_610 {strides = array<i32>} : memref<2x16x512xi32, #tpu.memory_space<vmem>>, vector<1x1x16xi32>,
        %add3A_611 = arith.constant 2600064 : i32
        %add3A_612 = vector.broadcast %add3A_611 : i32 to vector<16xi32>
        %add3A_613 = arith.addi %add3A_600, %add3A_612 : vector<16xi32>
        %swap3A_614 = arith.constant 1 : i32
        %swap3A_615 = arith.index_cast %rem3A_247 : i32 to index
        %swap3A_616 = arith.index_cast %swap3A_614 : i32 to index
        %swap3A_617 = arith.index_cast %multiple_of3A_593 : i32 to index
        %swap3A_618 = tpu.vector_load %arg6[%swap3A_615, %swap3A_616, %swap3A_617] {strides = array<i32>} : memref<2x16x512xi32, #tpu.memory_space<vmem>>, vector<1x1x16xi32>,
        %swap3A_619 = vector.shape_cast %swap3A_618 : vector<1x1x16xi32> to vector<16xi32>
        %swap3A_620 = vector.shape_cast %add3A_613 : vector<16xi32> to vector<1x1x16xi32>
        tpu.vector_store %arg6[%swap3A_615, %swap3A_616, %swap3A_617], %swap3A_620 {strides = array<i32>} : memref<2x16x512xi32, #tpu.memory_space<vmem>>, vector<1x1x16xi32>,
        %add3A_621 = arith.constant 5200128 : i32
        %add3A_622 = vector.broadcast %add3A_621 : i32 to vector<16xi32>
        %add3A_623 = arith.addi %add3A_600, %add3A_622 : vector<16xi32>
        %swap3A_624 = arith.constant 2 : i32
        %swap3A_625 = arith.index_cast %rem3A_247 : i32 to index
        %swap3A_626 = arith.index_cast %swap3A_624 : i32 to index
        %swap3A_627 = arith.index_cast %multiple_of3A_593 : i32 to index
        %swap3A_628 = tpu.vector_load %arg6[%swap3A_625, %swap3A_626, %swap3A_627] {strides = array<i32>} : memref<2x16x512xi32, #tpu.memory_space<vmem>>, vector<1x1x16xi32>,
        %swap3A_629 = vector.shape_cast %swap3A_628 : vector<1x1x16xi32> to vector<16xi32>
        %swap3A_630 = vector.shape_cast %add3A_623 : vector<16xi32> to vector<1x1x16xi32>
        tpu.vector_store %arg6[%swap3A_625, %swap3A_626, %swap3A_627], %swap3A_630 {strides = array<i32>} : memref<2x16x512xi32, #tpu.memory_space<vmem>>, vector<1x1x16xi32>,
        %add3A_631 = arith.constant 7800192 : i32
        %add3A_632 = vector.broadcast %add3A_631 : i32 to vector<16xi32>
        %add3A_633 = arith.addi %add3A_600, %add3A_632 : vector<16xi32>
        %swap3A_634 = arith.constant 3 : i32
        %swap3A_635 = arith.index_cast %rem3A_247 : i32 to index
        %swap3A_636 = arith.index_cast %swap3A_634 : i32 to index
        %swap3A_637 = arith.index_cast %multiple_of3A_593 : i32 to index
        %swap3A_638 = tpu.vector_load %arg6[%swap3A_635, %swap3A_636, %swap3A_637] {strides = array<i32>} : memref<2x16x512xi32, #tpu.memory_space<vmem>>, vector<1x1x16xi32>,
        %swap3A_639 = vector.shape_cast %swap3A_638 : vector<1x1x16xi32> to vector<16xi32>
        %swap3A_640 = vector.shape_cast %add3A_633 : vector<16xi32> to vector<1x1x16xi32>
        tpu.vector_store %arg6[%swap3A_635, %swap3A_636, %swap3A_637], %swap3A_640 {strides = array<i32>} : memref<2x16x512xi32, #tpu.memory_space<vmem>>, vector<1x1x16xi32>,
        %add3A_641 = arith.constant 10400256 : i32
        %add3A_642 = vector.broadcast %add3A_641 : i32 to vector<16xi32>
        %add3A_643 = arith.addi %add3A_600, %add3A_642 : vector<16xi32>
        %swap3A_644 = arith.constant 4 : i32
        %swap3A_645 = arith.index_cast %rem3A_247 : i32 to index
        %swap3A_646 = arith.index_cast %swap3A_644 : i32 to index
        %swap3A_647 = arith.index_cast %multiple_of3A_593 : i32 to index
        %swap3A_648 = tpu.vector_load %arg6[%swap3A_645, %swap3A_646, %swap3A_647] {strides = array<i32>} : memref<2x16x512xi32, #tpu.memory_space<vmem>>, vector<1x1x16xi32>,
        %swap3A_649 = vector.shape_cast %swap3A_648 : vector<1x1x16xi32> to vector<16xi32>
        %swap3A_650 = vector.shape_cast %add3A_643 : vector<16xi32> to vector<1x1x16xi32>
        tpu.vector_store %arg6[%swap3A_645, %swap3A_646, %swap3A_647], %swap3A_650 {strides = array<i32>} : memref<2x16x512xi32, #tpu.memory_space<vmem>>, vector<1x1x16xi32>,
        %add3A_651 = arith.constant 13000320 : i32
        %add3A_652 = vector.broadcast %add3A_651 : i32 to vector<16xi32>
        %add3A_653 = arith.addi %add3A_600, %add3A_652 : vector<16xi32>
        %swap3A_654 = arith.constant 5 : i32
        %swap3A_655 = arith.index_cast %rem3A_247 : i32 to index
        %swap3A_656 = arith.index_cast %swap3A_654 : i32 to index
        %swap3A_657 = arith.index_cast %multiple_of3A_593 : i32 to index
        %swap3A_658 = tpu.vector_load %arg6[%swap3A_655, %swap3A_656, %swap3A_657] {strides = array<i32>} : memref<2x16x512xi32, #tpu.memory_space<vmem>>, vector<1x1x16xi32>,
        %swap3A_659 = vector.shape_cast %swap3A_658 : vector<1x1x16xi32> to vector<16xi32>
        %swap3A_660 = vector.shape_cast %add3A_653 : vector<16xi32> to vector<1x1x16xi32>
        tpu.vector_store %arg6[%swap3A_655, %swap3A_656, %swap3A_657], %swap3A_660 {strides = array<i32>} : memref<2x16x512xi32, #tpu.memory_space<vmem>>, vector<1x1x16xi32>,
        %add3A_661 = arith.constant 15600384 : i32
        %add3A_662 = vector.broadcast %add3A_661 : i32 to vector<16xi32>
        %add3A_663 = arith.addi %add3A_600, %add3A_662 : vector<16xi32>
        %swap3A_664 = arith.constant 6 : i32
        %swap3A_665 = arith.index_cast %rem3A_247 : i32 to index
        %swap3A_666 = arith.index_cast %swap3A_664 : i32 to index
        %swap3A_667 = arith.index_cast %multiple_of3A_593 : i32 to index
        %swap3A_668 = tpu.vector_load %arg6[%swap3A_665, %swap3A_666, %swap3A_667] {strides = array<i32>} : memref<2x16x512xi32, #tpu.memory_space<vmem>>, vector<1x1x16xi32>,
        %swap3A_669 = vector.shape_cast %swap3A_668 : vector<1x1x16xi32> to vector<16xi32>
        %swap3A_670 = vector.shape_cast %add3A_663 : vector<16xi32> to vector<1x1x16xi32>
        tpu.vector_store %arg6[%swap3A_665, %swap3A_666, %swap3A_667], %swap3A_670 {strides = array<i32>} : memref<2x16x512xi32, #tpu.memory_space<vmem>>, vector<1x1x16xi32>,
        %add3A_671 = arith.constant 18200448 : i32
        %add3A_672 = vector.broadcast %add3A_671 : i32 to vector<16xi32>
        %add3A_673 = arith.addi %add3A_600, %add3A_672 : vector<16xi32>
        %swap3A_674 = arith.constant 7 : i32
        %swap3A_675 = arith.index_cast %rem3A_247 : i32 to index
        %swap3A_676 = arith.index_cast %swap3A_674 : i32 to index
        %swap3A_677 = arith.index_cast %multiple_of3A_593 : i32 to index
        %swap3A_678 = tpu.vector_load %arg6[%swap3A_675, %swap3A_676, %swap3A_677] {strides = array<i32>} : memref<2x16x512xi32, #tpu.memory_space<vmem>>, vector<1x1x16xi32>,
        %swap3A_679 = vector.shape_cast %swap3A_678 : vector<1x1x16xi32> to vector<16xi32>
        %swap3A_680 = vector.shape_cast %add3A_673 : vector<16xi32> to vector<1x1x16xi32>
        tpu.vector_store %arg6[%swap3A_675, %swap3A_676, %swap3A_677], %swap3A_680 {strides = array<i32>} : memref<2x16x512xi32, #tpu.memory_space<vmem>>, vector<1x1x16xi32>,
        %add3A_681 = arith.constant 20800512 : i32
        %add3A_682 = vector.broadcast %add3A_681 : i32 to vector<16xi32>
        %add3A_683 = arith.addi %add3A_600, %add3A_682 : vector<16xi32>
        %swap3A_684 = arith.constant 8 : i32
        %swap3A_685 = arith.index_cast %rem3A_247 : i32 to index
        %swap3A_686 = arith.index_cast %swap3A_684 : i32 to index
        %swap3A_687 = arith.index_cast %multiple_of3A_593 : i32 to index
        %swap3A_688 = tpu.vector_load %arg6[%swap3A_685, %swap3A_686, %swap3A_687] {strides = array<i32>} : memref<2x16x512xi32, #tpu.memory_space<vmem>>, vector<1x1x16xi32>,
        %swap3A_689 = vector.shape_cast %swap3A_688 : vector<1x1x16xi32> to vector<16xi32>
        %swap3A_690 = vector.shape_cast %add3A_683 : vector<16xi32> to vector<1x1x16xi32>
        tpu.vector_store %arg6[%swap3A_685, %swap3A_686, %swap3A_687], %swap3A_690 {strides = array<i32>} : memref<2x16x512xi32, #tpu.memory_space<vmem>>, vector<1x1x16xi32>,
        %add3A_691 = arith.constant 23400576 : i32
        %add3A_692 = vector.broadcast %add3A_691 : i32 to vector<16xi32>
        %add3A_693 = arith.addi %add3A_600, %add3A_692 : vector<16xi32>
        %swap3A_694 = arith.constant 9 : i32
        %swap3A_695 = arith.index_cast %rem3A_247 : i32 to index
        %swap3A_696 = arith.index_cast %swap3A_694 : i32 to index
        %swap3A_697 = arith.index_cast %multiple_of3A_593 : i32 to index
        %swap3A_698 = tpu.vector_load %arg6[%swap3A_695, %swap3A_696, %swap3A_697] {strides = array<i32>} : memref<2x16x512xi32, #tpu.memory_space<vmem>>, vector<1x1x16xi32>,
        %swap3A_699 = vector.shape_cast %swap3A_698 : vector<1x1x16xi32> to vector<16xi32>
        %swap3A_700 = vector.shape_cast %add3A_693 : vector<16xi32> to vector<1x1x16xi32>
        tpu.vector_store %arg6[%swap3A_695, %swap3A_696, %swap3A_697], %swap3A_700 {strides = array<i32>} : memref<2x16x512xi32, #tpu.memory_space<vmem>>, vector<1x1x16xi32>,
        %add3A_701 = arith.constant 26000640 : i32
        %add3A_702 = vector.broadcast %add3A_701 : i32 to vector<16xi32>
        %add3A_703 = arith.addi %add3A_600, %add3A_702 : vector<16xi32>
        %swap3A_704 = arith.constant 10 : i32
        %swap3A_705 = arith.index_cast %rem3A_247 : i32 to index
        %swap3A_706 = arith.index_cast %swap3A_704 : i32 to index
        %swap3A_707 = arith.index_cast %multiple_of3A_593 : i32 to index
        %swap3A_708 = tpu.vector_load %arg6[%swap3A_705, %swap3A_706, %swap3A_707] {strides = array<i32>} : memref<2x16x512xi32, #tpu.memory_space<vmem>>, vector<1x1x16xi32>,
        %swap3A_709 = vector.shape_cast %swap3A_708 : vector<1x1x16xi32> to vector<16xi32>
        %swap3A_710 = vector.shape_cast %add3A_703 : vector<16xi32> to vector<1x1x16xi32>
        tpu.vector_store %arg6[%swap3A_705, %swap3A_706, %swap3A_707], %swap3A_710 {strides = array<i32>} : memref<2x16x512xi32, #tpu.memory_space<vmem>>, vector<1x1x16xi32>,
        %add3A_711 = arith.constant 28600704 : i32
        %add3A_712 = vector.broadcast %add3A_711 : i32 to vector<16xi32>
        %add3A_713 = arith.addi %add3A_600, %add3A_712 : vector<16xi32>
        %swap3A_714 = arith.constant 11 : i32
        %swap3A_715 = arith.index_cast %rem3A_247 : i32 to index
        %swap3A_716 = arith.index_cast %swap3A_714 : i32 to index
        %swap3A_717 = arith.index_cast %multiple_of3A_593 : i32 to index
        %swap3A_718 = tpu.vector_load %arg6[%swap3A_715, %swap3A_716, %swap3A_717] {strides = array<i32>} : memref<2x16x512xi32, #tpu.memory_space<vmem>>, vector<1x1x16xi32>,
        %swap3A_719 = vector.shape_cast %swap3A_718 : vector<1x1x16xi32> to vector<16xi32>
        %swap3A_720 = vector.shape_cast %add3A_713 : vector<16xi32> to vector<1x1x16xi32>
        tpu.vector_store %arg6[%swap3A_715, %swap3A_716, %swap3A_717], %swap3A_720 {strides = array<i32>} : memref<2x16x512xi32, #tpu.memory_space<vmem>>, vector<1x1x16xi32>,
        %add3A_721 = arith.constant 31200768 : i32
        %add3A_722 = vector.broadcast %add3A_721 : i32 to vector<16xi32>
        %add3A_723 = arith.addi %add3A_600, %add3A_722 : vector<16xi32>
        %swap3A_724 = arith.constant 12 : i32
        %swap3A_725 = arith.index_cast %rem3A_247 : i32 to index
        %swap3A_726 = arith.index_cast %swap3A_724 : i32 to index
        %swap3A_727 = arith.index_cast %multiple_of3A_593 : i32 to index
        %swap3A_728 = tpu.vector_load %arg6[%swap3A_725, %swap3A_726, %swap3A_727] {strides = array<i32>} : memref<2x16x512xi32, #tpu.memory_space<vmem>>, vector<1x1x16xi32>,
        %swap3A_729 = vector.shape_cast %swap3A_728 : vector<1x1x16xi32> to vector<16xi32>
        %swap3A_730 = vector.shape_cast %add3A_723 : vector<16xi32> to vector<1x1x16xi32>
        tpu.vector_store %arg6[%swap3A_725, %swap3A_726, %swap3A_727], %swap3A_730 {strides = array<i32>} : memref<2x16x512xi32, #tpu.memory_space<vmem>>, vector<1x1x16xi32>,
        %add3A_731 = arith.constant 33800832 : i32
        %add3A_732 = vector.broadcast %add3A_731 : i32 to vector<16xi32>
        %add3A_733 = arith.addi %add3A_600, %add3A_732 : vector<16xi32>
        %swap3A_734 = arith.constant 13 : i32
        %swap3A_735 = arith.index_cast %rem3A_247 : i32 to index
        %swap3A_736 = arith.index_cast %swap3A_734 : i32 to index
        %swap3A_737 = arith.index_cast %multiple_of3A_593 : i32 to index
        %swap3A_738 = tpu.vector_load %arg6[%swap3A_735, %swap3A_736, %swap3A_737] {strides = array<i32>} : memref<2x16x512xi32, #tpu.memory_space<vmem>>, vector<1x1x16xi32>,
        %swap3A_739 = vector.shape_cast %swap3A_738 : vector<1x1x16xi32> to vector<16xi32>
        %swap3A_740 = vector.shape_cast %add3A_733 : vector<16xi32> to vector<1x1x16xi32>
        tpu.vector_store %arg6[%swap3A_735, %swap3A_736, %swap3A_737], %swap3A_740 {strides = array<i32>} : memref<2x16x512xi32, #tpu.memory_space<vmem>>, vector<1x1x16xi32>,
        %add3A_741 = arith.constant 36400896 : i32
        %add3A_742 = vector.broadcast %add3A_741 : i32 to vector<16xi32>
        %add3A_743 = arith.addi %add3A_600, %add3A_742 : vector<16xi32>
        %swap3A_744 = arith.constant 14 : i32
        %swap3A_745 = arith.index_cast %rem3A_247 : i32 to index
        %swap3A_746 = arith.index_cast %swap3A_744 : i32 to index
        %swap3A_747 = arith.index_cast %multiple_of3A_593 : i32 to index
        %swap3A_748 = tpu.vector_load %arg6[%swap3A_745, %swap3A_746, %swap3A_747] {strides = array<i32>} : memref<2x16x512xi32, #tpu.memory_space<vmem>>, vector<1x1x16xi32>,
        %swap3A_749 = vector.shape_cast %swap3A_748 : vector<1x1x16xi32> to vector<16xi32>
        %swap3A_750 = vector.shape_cast %add3A_743 : vector<16xi32> to vector<1x1x16xi32>
        tpu.vector_store %arg6[%swap3A_745, %swap3A_746, %swap3A_747], %swap3A_750 {strides = array<i32>} : memref<2x16x512xi32, #tpu.memory_space<vmem>>, vector<1x1x16xi32>,
        %add3A_751 = arith.constant 39000960 : i32
        %add3A_752 = vector.broadcast %add3A_751 : i32 to vector<16xi32>
        %add3A_753 = arith.addi %add3A_600, %add3A_752 : vector<16xi32>
        %swap3A_754 = arith.constant 15 : i32
        %swap3A_755 = arith.index_cast %rem3A_247 : i32 to index
        %swap3A_756 = arith.index_cast %swap3A_754 : i32 to index
        %swap3A_757 = arith.index_cast %multiple_of3A_593 : i32 to index
        %swap3A_758 = tpu.vector_load %arg6[%swap3A_755, %swap3A_756, %swap3A_757] {strides = array<i32>} : memref<2x16x512xi32, #tpu.memory_space<vmem>>, vector<1x1x16xi32>,
        %swap3A_759 = vector.shape_cast %swap3A_758 : vector<1x1x16xi32> to vector<16xi32>
        %swap3A_760 = vector.shape_cast %add3A_753 : vector<16xi32> to vector<1x1x16xi32>
        tpu.vector_store %arg6[%swap3A_755, %swap3A_756, %swap3A_757], %swap3A_760 {strides = array<i32>} : memref<2x16x512xi32, #tpu.memory_space<vmem>>, vector<1x1x16xi32>,
      }
      %scan3A_253 = arith.constant 32 : i32
      %ge3A = arith.constant 2 : i32
      %ge3A_254 = arith.cmpi sge, %scan3A_246, %ge3A : i32
      %convert_element_type3A = arith.extui %ge3A_254 : i1 to i32
      %cond3A = arith.constant 0 : i32
      %cond3A_255 = arith.cmpi ne, %convert_element_type3A, %cond3A : i32
      scf.if %cond3A_255 {
        %dma_wait3A_421 = arith.constant 0 : i32
        %dma_wait3A_422 = arith.constant 0 : i32
        %dma_wait3A_423 = arith.constant 0 : i32
        %dma_wait3A_424 = tpu.memref_slice %arg7[%rem3A_247, %dma_wait3A_422, %dma_wait3A_423] : memref<2x16x512xf32, #tpu.memory_space<vmem>> -> memref<1x16x512xf32, #tpu.memory_space<vmem>>
        %dma_wait3A_425 = tpu.memref_squeeze %dma_wait3A_424 : memref<1x16x512xf32, #tpu.memory_space<vmem>> -> memref<16x512xf32, #tpu.memory_space<vmem>>
        %dma_wait3A_426 = arith.constant 0 : i32
        %dma_wait3A_427 = tpu.memref_slice %arg4[%dma_wait3A_421, %dma_wait3A_426, %mul3A_2] : memref<26x16x16384xf32, #tpu.memory_space<hbm>> -> memref<1x16x512xf32, #tpu.memory_space<hbm>>
        %dma_wait3A_428 = tpu.memref_squeeze %dma_wait3A_427 : memref<1x16x512xf32, #tpu.memory_space<hbm>> -> memref<16x512xf32, #tpu.memory_space<hbm>>
        %dma_wait3A_429 = arith.constant 0 : i32
        %dma_wait3A_430 = tpu.memref_slice %arg4[%dma_wait3A_421, %dma_wait3A_429, %mul3A_2] : memref<26x16x16384xf32, #tpu.memory_space<hbm>> -> memref<1x16x512xf32, #tpu.memory_space<hbm>>
        %dma_wait3A_431 = tpu.memref_squeeze %dma_wait3A_430 : memref<1x16x512xf32, #tpu.memory_space<hbm>> -> memref<16x512xf32, #tpu.memory_space<hbm>>
        %dma_wait3A_432 = arith.constant 0 : i32
        %dma_wait3A_433 = arith.constant 0 : i32
        %dma_wait3A_434 = tpu.memref_slice %arg7[%rem3A_247, %dma_wait3A_432, %dma_wait3A_433] : memref<2x16x512xf32, #tpu.memory_space<vmem>> -> memref<1x16x512xf32, #tpu.memory_space<vmem>>
        %dma_wait3A_435 = tpu.memref_squeeze %dma_wait3A_434 : memref<1x16x512xf32, #tpu.memory_space<vmem>> -> memref<16x512xf32, #tpu.memory_space<vmem>>
        tpu.wait_dma2 semaphore(%arg9 : memref<!tpu.dma_semaphore, #tpu.memory_space<semaphore_mem>>) src(%dma_wait3A_435 : memref<16x512xf32, #tpu.memory_space<vmem>>) dst(%dma_wait3A_431 : memref<16x512xf32, #tpu.memory_space<hbm>>)
      } else {
      }
      %dma_start3A_256 = arith.constant 0 : i32
      %dma_start3A_257 = arith.constant 0 : i32
      %dma_start3A_258 = arith.constant 0 : i32
      %dma_start3A_259 = tpu.memref_slice %arg7[%rem3A_247, %dma_start3A_257, %dma_start3A_258] : memref<2x16x512xf32, #tpu.memory_space<vmem>> -> memref<1x1x512xf32, #tpu.memory_space<vmem>>
      %dma_start3A_260 = tpu.memref_squeeze %dma_start3A_259 : memref<1x1x512xf32, #tpu.memory_space<vmem>> -> memref<512xf32, #tpu.memory_space<vmem>>
      %dma_start3A_261 = arith.constant 0 : i32
      %dma_start3A_262 = tpu.memref_slice %arg6[%rem3A_247, %dma_start3A_256, %dma_start3A_261] : memref<2x16x512xi32, #tpu.memory_space<vmem>> -> memref<1x1x512xi32, #tpu.memory_space<vmem>>
      %dma_start3A_263 = tpu.memref_squeeze %dma_start3A_262 : memref<1x1x512xi32, #tpu.memory_space<vmem>> -> memref<512xi32, #tpu.memory_space<vmem>>
      %dma_start3A_264 = arith.constant 0 : i32
      %dma_start3A_265 = tpu.memref_slice %arg3[%dma_start3A_264] : memref<41601024xf32, #tpu.memory_space<hbm>> -> memref<41601024xf32, #tpu.memory_space<hbm>>
      tpu.enqueue_indirect_dma source(%dma_start3A_265 : memref<41601024xf32, #tpu.memory_space<hbm>>) target(%dma_start3A_260 : memref<512xf32, #tpu.memory_space<vmem>>) offsets(%dma_start3A_263 : memref<512xi32, #tpu.memory_space<vmem>>) semaphore(%arg8 : memref<!tpu.dma_semaphore, #tpu.memory_space<semaphore_mem>>)
      %dma_start3A_266 = arith.constant 1 : i32
      %dma_start3A_267 = arith.constant 1 : i32
      %dma_start3A_268 = arith.constant 0 : i32
      %dma_start3A_269 = tpu.memref_slice %arg7[%rem3A_247, %dma_start3A_267, %dma_start3A_268] : memref<2x16x512xf32, #tpu.memory_space<vmem>> -> memref<1x1x512xf32, #tpu.memory_space<vmem>>
      %dma_start3A_270 = tpu.memref_squeeze %dma_start3A_269 : memref<1x1x512xf32, #tpu.memory_space<vmem>> -> memref<512xf32, #tpu.memory_space<vmem>>
      %dma_start3A_271 = arith.constant 0 : i32
      %dma_start3A_272 = tpu.memref_slice %arg6[%rem3A_247, %dma_start3A_266, %dma_start3A_271] : memref<2x16x512xi32, #tpu.memory_space<vmem>> -> memref<1x1x512xi32, #tpu.memory_space<vmem>>
      %dma_start3A_273 = tpu.memref_squeeze %dma_start3A_272 : memref<1x1x512xi32, #tpu.memory_space<vmem>> -> memref<512xi32, #tpu.memory_space<vmem>>
      %dma_start3A_274 = arith.constant 0 : i32
      %dma_start3A_275 = tpu.memref_slice %arg3[%dma_start3A_274] : memref<41601024xf32, #tpu.memory_space<hbm>> -> memref<41601024xf32, #tpu.memory_space<hbm>>
      tpu.enqueue_indirect_dma source(%dma_start3A_275 : memref<41601024xf32, #tpu.memory_space<hbm>>) target(%dma_start3A_270 : memref<512xf32, #tpu.memory_space<vmem>>) offsets(%dma_start3A_273 : memref<512xi32, #tpu.memory_space<vmem>>) semaphore(%arg8 : memref<!tpu.dma_semaphore, #tpu.memory_space<semaphore_mem>>)
      %dma_start3A_276 = arith.constant 2 : i32
      %dma_start3A_277 = arith.constant 2 : i32
      %dma_start3A_278 = arith.constant 0 : i32
      %dma_start3A_279 = tpu.memref_slice %arg7[%rem3A_247, %dma_start3A_277, %dma_start3A_278] : memref<2x16x512xf32, #tpu.memory_space<vmem>> -> memref<1x1x512xf32, #tpu.memory_space<vmem>>
      %dma_start3A_280 = tpu.memref_squeeze %dma_start3A_279 : memref<1x1x512xf32, #tpu.memory_space<vmem>> -> memref<512xf32, #tpu.memory_space<vmem>>
      %dma_start3A_281 = arith.constant 0 : i32
      %dma_start3A_282 = tpu.memref_slice %arg6[%rem3A_247, %dma_start3A_276, %dma_start3A_281] : memref<2x16x512xi32, #tpu.memory_space<vmem>> -> memref<1x1x512xi32, #tpu.memory_space<vmem>>
      %dma_start3A_283 = tpu.memref_squeeze %dma_start3A_282 : memref<1x1x512xi32, #tpu.memory_space<vmem>> -> memref<512xi32, #tpu.memory_space<vmem>>
      %dma_start3A_284 = arith.constant 0 : i32
      %dma_start3A_285 = tpu.memref_slice %arg3[%dma_start3A_284] : memref<41601024xf32, #tpu.memory_space<hbm>> -> memref<41601024xf32, #tpu.memory_space<hbm>>
      tpu.enqueue_indirect_dma source(%dma_start3A_285 : memref<41601024xf32, #tpu.memory_space<hbm>>) target(%dma_start3A_280 : memref<512xf32, #tpu.memory_space<vmem>>) offsets(%dma_start3A_283 : memref<512xi32, #tpu.memory_space<vmem>>) semaphore(%arg8 : memref<!tpu.dma_semaphore, #tpu.memory_space<semaphore_mem>>)
      %dma_start3A_286 = arith.constant 3 : i32
      %dma_start3A_287 = arith.constant 3 : i32
      %dma_start3A_288 = arith.constant 0 : i32
      %dma_start3A_289 = tpu.memref_slice %arg7[%rem3A_247, %dma_start3A_287, %dma_start3A_288] : memref<2x16x512xf32, #tpu.memory_space<vmem>> -> memref<1x1x512xf32, #tpu.memory_space<vmem>>
      %dma_start3A_290 = tpu.memref_squeeze %dma_start3A_289 : memref<1x1x512xf32, #tpu.memory_space<vmem>> -> memref<512xf32, #tpu.memory_space<vmem>>
      %dma_start3A_291 = arith.constant 0 : i32
      %dma_start3A_292 = tpu.memref_slice %arg6[%rem3A_247, %dma_start3A_286, %dma_start3A_291] : memref<2x16x512xi32, #tpu.memory_space<vmem>> -> memref<1x1x512xi32, #tpu.memory_space<vmem>>
      %dma_start3A_293 = tpu.memref_squeeze %dma_start3A_292 : memref<1x1x512xi32, #tpu.memory_space<vmem>> -> memref<512xi32, #tpu.memory_space<vmem>>
      %dma_start3A_294 = arith.constant 0 : i32
      %dma_start3A_295 = tpu.memref_slice %arg3[%dma_start3A_294] : memref<41601024xf32, #tpu.memory_space<hbm>> -> memref<41601024xf32, #tpu.memory_space<hbm>>
      tpu.enqueue_indirect_dma source(%dma_start3A_295 : memref<41601024xf32, #tpu.memory_space<hbm>>) target(%dma_start3A_290 : memref<512xf32, #tpu.memory_space<vmem>>) offsets(%dma_start3A_293 : memref<512xi32, #tpu.memory_space<vmem>>) semaphore(%arg8 : memref<!tpu.dma_semaphore, #tpu.memory_space<semaphore_mem>>)
      %dma_start3A_296 = arith.constant 4 : i32
      %dma_start3A_297 = arith.constant 4 : i32
      %dma_start3A_298 = arith.constant 0 : i32
      %dma_start3A_299 = tpu.memref_slice %arg7[%rem3A_247, %dma_start3A_297, %dma_start3A_298] : memref<2x16x512xf32, #tpu.memory_space<vmem>> -> memref<1x1x512xf32, #tpu.memory_space<vmem>>
      %dma_start3A_300 = tpu.memref_squeeze %dma_start3A_299 : memref<1x1x512xf32, #tpu.memory_space<vmem>> -> memref<512xf32, #tpu.memory_space<vmem>>
      %dma_start3A_301 = arith.constant 0 : i32
      %dma_start3A_302 = tpu.memref_slice %arg6[%rem3A_247, %dma_start3A_296, %dma_start3A_301] : memref<2x16x512xi32, #tpu.memory_space<vmem>> -> memref<1x1x512xi32, #tpu.memory_space<vmem>>
      %dma_start3A_303 = tpu.memref_squeeze %dma_start3A_302 : memref<1x1x512xi32, #tpu.memory_space<vmem>> -> memref<512xi32, #tpu.memory_space<vmem>>
      %dma_start3A_304 = arith.constant 0 : i32
      %dma_start3A_305 = tpu.memref_slice %arg3[%dma_start3A_304] : memref<41601024xf32, #tpu.memory_space<hbm>> -> memref<41601024xf32, #tpu.memory_space<hbm>>
      tpu.enqueue_indirect_dma source(%dma_start3A_305 : memref<41601024xf32, #tpu.memory_space<hbm>>) target(%dma_start3A_300 : memref<512xf32, #tpu.memory_space<vmem>>) offsets(%dma_start3A_303 : memref<512xi32, #tpu.memory_space<vmem>>) semaphore(%arg8 : memref<!tpu.dma_semaphore, #tpu.memory_space<semaphore_mem>>)
      %dma_start3A_306 = arith.constant 5 : i32
      %dma_start3A_307 = arith.constant 5 : i32
      %dma_start3A_308 = arith.constant 0 : i32
      %dma_start3A_309 = tpu.memref_slice %arg7[%rem3A_247, %dma_start3A_307, %dma_start3A_308] : memref<2x16x512xf32, #tpu.memory_space<vmem>> -> memref<1x1x512xf32, #tpu.memory_space<vmem>>
      %dma_start3A_310 = tpu.memref_squeeze %dma_start3A_309 : memref<1x1x512xf32, #tpu.memory_space<vmem>> -> memref<512xf32, #tpu.memory_space<vmem>>
      %dma_start3A_311 = arith.constant 0 : i32
      %dma_start3A_312 = tpu.memref_slice %arg6[%rem3A_247, %dma_start3A_306, %dma_start3A_311] : memref<2x16x512xi32, #tpu.memory_space<vmem>> -> memref<1x1x512xi32, #tpu.memory_space<vmem>>
      %dma_start3A_313 = tpu.memref_squeeze %dma_start3A_312 : memref<1x1x512xi32, #tpu.memory_space<vmem>> -> memref<512xi32, #tpu.memory_space<vmem>>
      %dma_start3A_314 = arith.constant 0 : i32
      %dma_start3A_315 = tpu.memref_slice %arg3[%dma_start3A_314] : memref<41601024xf32, #tpu.memory_space<hbm>> -> memref<41601024xf32, #tpu.memory_space<hbm>>
      tpu.enqueue_indirect_dma source(%dma_start3A_315 : memref<41601024xf32, #tpu.memory_space<hbm>>) target(%dma_start3A_310 : memref<512xf32, #tpu.memory_space<vmem>>) offsets(%dma_start3A_313 : memref<512xi32, #tpu.memory_space<vmem>>) semaphore(%arg8 : memref<!tpu.dma_semaphore, #tpu.memory_space<semaphore_mem>>)
      %dma_start3A_316 = arith.constant 6 : i32
      %dma_start3A_317 = arith.constant 6 : i32
      %dma_start3A_318 = arith.constant 0 : i32
      %dma_start3A_319 = tpu.memref_slice %arg7[%rem3A_247, %dma_start3A_317, %dma_start3A_318] : memref<2x16x512xf32, #tpu.memory_space<vmem>> -> memref<1x1x512xf32, #tpu.memory_space<vmem>>
      %dma_start3A_320 = tpu.memref_squeeze %dma_start3A_319 : memref<1x1x512xf32, #tpu.memory_space<vmem>> -> memref<512xf32, #tpu.memory_space<vmem>>
      %dma_start3A_321 = arith.constant 0 : i32
      %dma_start3A_322 = tpu.memref_slice %arg6[%rem3A_247, %dma_start3A_316, %dma_start3A_321] : memref<2x16x512xi32, #tpu.memory_space<vmem>> -> memref<1x1x512xi32, #tpu.memory_space<vmem>>
      %dma_start3A_323 = tpu.memref_squeeze %dma_start3A_322 : memref<1x1x512xi32, #tpu.memory_space<vmem>> -> memref<512xi32, #tpu.memory_space<vmem>>
      %dma_start3A_324 = arith.constant 0 : i32
      %dma_start3A_325 = tpu.memref_slice %arg3[%dma_start3A_324] : memref<41601024xf32, #tpu.memory_space<hbm>> -> memref<41601024xf32, #tpu.memory_space<hbm>>
      tpu.enqueue_indirect_dma source(%dma_start3A_325 : memref<41601024xf32, #tpu.memory_space<hbm>>) target(%dma_start3A_320 : memref<512xf32, #tpu.memory_space<vmem>>) offsets(%dma_start3A_323 : memref<512xi32, #tpu.memory_space<vmem>>) semaphore(%arg8 : memref<!tpu.dma_semaphore, #tpu.memory_space<semaphore_mem>>)
      %dma_start3A_326 = arith.constant 7 : i32
      %dma_start3A_327 = arith.constant 7 : i32
      %dma_start3A_328 = arith.constant 0 : i32
      %dma_start3A_329 = tpu.memref_slice %arg7[%rem3A_247, %dma_start3A_327, %dma_start3A_328] : memref<2x16x512xf32, #tpu.memory_space<vmem>> -> memref<1x1x512xf32, #tpu.memory_space<vmem>>
      %dma_start3A_330 = tpu.memref_squeeze %dma_start3A_329 : memref<1x1x512xf32, #tpu.memory_space<vmem>> -> memref<512xf32, #tpu.memory_space<vmem>>
      %dma_start3A_331 = arith.constant 0 : i32
      %dma_start3A_332 = tpu.memref_slice %arg6[%rem3A_247, %dma_start3A_326, %dma_start3A_331] : memref<2x16x512xi32, #tpu.memory_space<vmem>> -> memref<1x1x512xi32, #tpu.memory_space<vmem>>
      %dma_start3A_333 = tpu.memref_squeeze %dma_start3A_332 : memref<1x1x512xi32, #tpu.memory_space<vmem>> -> memref<512xi32, #tpu.memory_space<vmem>>
      %dma_start3A_334 = arith.constant 0 : i32
      %dma_start3A_335 = tpu.memref_slice %arg3[%dma_start3A_334] : memref<41601024xf32, #tpu.memory_space<hbm>> -> memref<41601024xf32, #tpu.memory_space<hbm>>
      tpu.enqueue_indirect_dma source(%dma_start3A_335 : memref<41601024xf32, #tpu.memory_space<hbm>>) target(%dma_start3A_330 : memref<512xf32, #tpu.memory_space<vmem>>) offsets(%dma_start3A_333 : memref<512xi32, #tpu.memory_space<vmem>>) semaphore(%arg8 : memref<!tpu.dma_semaphore, #tpu.memory_space<semaphore_mem>>)
      %dma_start3A_336 = arith.constant 8 : i32
      %dma_start3A_337 = arith.constant 8 : i32
      %dma_start3A_338 = arith.constant 0 : i32
      %dma_start3A_339 = tpu.memref_slice %arg7[%rem3A_247, %dma_start3A_337, %dma_start3A_338] : memref<2x16x512xf32, #tpu.memory_space<vmem>> -> memref<1x1x512xf32, #tpu.memory_space<vmem>>
      %dma_start3A_340 = tpu.memref_squeeze %dma_start3A_339 : memref<1x1x512xf32, #tpu.memory_space<vmem>> -> memref<512xf32, #tpu.memory_space<vmem>>
      %dma_start3A_341 = arith.constant 0 : i32
      %dma_start3A_342 = tpu.memref_slice %arg6[%rem3A_247, %dma_start3A_336, %dma_start3A_341] : memref<2x16x512xi32, #tpu.memory_space<vmem>> -> memref<1x1x512xi32, #tpu.memory_space<vmem>>
      %dma_start3A_343 = tpu.memref_squeeze %dma_start3A_342 : memref<1x1x512xi32, #tpu.memory_space<vmem>> -> memref<512xi32, #tpu.memory_space<vmem>>
      %dma_start3A_344 = arith.constant 0 : i32
      %dma_start3A_345 = tpu.memref_slice %arg3[%dma_start3A_344] : memref<41601024xf32, #tpu.memory_space<hbm>> -> memref<41601024xf32, #tpu.memory_space<hbm>>
      tpu.enqueue_indirect_dma source(%dma_start3A_345 : memref<41601024xf32, #tpu.memory_space<hbm>>) target(%dma_start3A_340 : memref<512xf32, #tpu.memory_space<vmem>>) offsets(%dma_start3A_343 : memref<512xi32, #tpu.memory_space<vmem>>) semaphore(%arg8 : memref<!tpu.dma_semaphore, #tpu.memory_space<semaphore_mem>>)
      %dma_start3A_346 = arith.constant 9 : i32
      %dma_start3A_347 = arith.constant 9 : i32
      %dma_start3A_348 = arith.constant 0 : i32
      %dma_start3A_349 = tpu.memref_slice %arg7[%rem3A_247, %dma_start3A_347, %dma_start3A_348] : memref<2x16x512xf32, #tpu.memory_space<vmem>> -> memref<1x1x512xf32, #tpu.memory_space<vmem>>
      %dma_start3A_350 = tpu.memref_squeeze %dma_start3A_349 : memref<1x1x512xf32, #tpu.memory_space<vmem>> -> memref<512xf32, #tpu.memory_space<vmem>>
      %dma_start3A_351 = arith.constant 0 : i32
      %dma_start3A_352 = tpu.memref_slice %arg6[%rem3A_247, %dma_start3A_346, %dma_start3A_351] : memref<2x16x512xi32, #tpu.memory_space<vmem>> -> memref<1x1x512xi32, #tpu.memory_space<vmem>>
      %dma_start3A_353 = tpu.memref_squeeze %dma_start3A_352 : memref<1x1x512xi32, #tpu.memory_space<vmem>> -> memref<512xi32, #tpu.memory_space<vmem>>
      %dma_start3A_354 = arith.constant 0 : i32
      %dma_start3A_355 = tpu.memref_slice %arg3[%dma_start3A_354] : memref<41601024xf32, #tpu.memory_space<hbm>> -> memref<41601024xf32, #tpu.memory_space<hbm>>
      tpu.enqueue_indirect_dma source(%dma_start3A_355 : memref<41601024xf32, #tpu.memory_space<hbm>>) target(%dma_start3A_350 : memref<512xf32, #tpu.memory_space<vmem>>) offsets(%dma_start3A_353 : memref<512xi32, #tpu.memory_space<vmem>>) semaphore(%arg8 : memref<!tpu.dma_semaphore, #tpu.memory_space<semaphore_mem>>)
      %dma_start3A_356 = arith.constant 10 : i32
      %dma_start3A_357 = arith.constant 10 : i32
      %dma_start3A_358 = arith.constant 0 : i32
      %dma_start3A_359 = tpu.memref_slice %arg7[%rem3A_247, %dma_start3A_357, %dma_start3A_358] : memref<2x16x512xf32, #tpu.memory_space<vmem>> -> memref<1x1x512xf32, #tpu.memory_space<vmem>>
      %dma_start3A_360 = tpu.memref_squeeze %dma_start3A_359 : memref<1x1x512xf32, #tpu.memory_space<vmem>> -> memref<512xf32, #tpu.memory_space<vmem>>
      %dma_start3A_361 = arith.constant 0 : i32
      %dma_start3A_362 = tpu.memref_slice %arg6[%rem3A_247, %dma_start3A_356, %dma_start3A_361] : memref<2x16x512xi32, #tpu.memory_space<vmem>> -> memref<1x1x512xi32, #tpu.memory_space<vmem>>
      %dma_start3A_363 = tpu.memref_squeeze %dma_start3A_362 : memref<1x1x512xi32, #tpu.memory_space<vmem>> -> memref<512xi32, #tpu.memory_space<vmem>>
      %dma_start3A_364 = arith.constant 0 : i32
      %dma_start3A_365 = tpu.memref_slice %arg3[%dma_start3A_364] : memref<41601024xf32, #tpu.memory_space<hbm>> -> memref<41601024xf32, #tpu.memory_space<hbm>>
      tpu.enqueue_indirect_dma source(%dma_start3A_365 : memref<41601024xf32, #tpu.memory_space<hbm>>) target(%dma_start3A_360 : memref<512xf32, #tpu.memory_space<vmem>>) offsets(%dma_start3A_363 : memref<512xi32, #tpu.memory_space<vmem>>) semaphore(%arg8 : memref<!tpu.dma_semaphore, #tpu.memory_space<semaphore_mem>>)
      %dma_start3A_366 = arith.constant 11 : i32
      %dma_start3A_367 = arith.constant 11 : i32
      %dma_start3A_368 = arith.constant 0 : i32
      %dma_start3A_369 = tpu.memref_slice %arg7[%rem3A_247, %dma_start3A_367, %dma_start3A_368] : memref<2x16x512xf32, #tpu.memory_space<vmem>> -> memref<1x1x512xf32, #tpu.memory_space<vmem>>
      %dma_start3A_370 = tpu.memref_squeeze %dma_start3A_369 : memref<1x1x512xf32, #tpu.memory_space<vmem>> -> memref<512xf32, #tpu.memory_space<vmem>>
      %dma_start3A_371 = arith.constant 0 : i32
      %dma_start3A_372 = tpu.memref_slice %arg6[%rem3A_247, %dma_start3A_366, %dma_start3A_371] : memref<2x16x512xi32, #tpu.memory_space<vmem>> -> memref<1x1x512xi32, #tpu.memory_space<vmem>>
      %dma_start3A_373 = tpu.memref_squeeze %dma_start3A_372 : memref<1x1x512xi32, #tpu.memory_space<vmem>> -> memref<512xi32, #tpu.memory_space<vmem>>
      %dma_start3A_374 = arith.constant 0 : i32
      %dma_start3A_375 = tpu.memref_slice %arg3[%dma_start3A_374] : memref<41601024xf32, #tpu.memory_space<hbm>> -> memref<41601024xf32, #tpu.memory_space<hbm>>
      tpu.enqueue_indirect_dma source(%dma_start3A_375 : memref<41601024xf32, #tpu.memory_space<hbm>>) target(%dma_start3A_370 : memref<512xf32, #tpu.memory_space<vmem>>) offsets(%dma_start3A_373 : memref<512xi32, #tpu.memory_space<vmem>>) semaphore(%arg8 : memref<!tpu.dma_semaphore, #tpu.memory_space<semaphore_mem>>)
      %dma_start3A_376 = arith.constant 12 : i32
      %dma_start3A_377 = arith.constant 12 : i32
      %dma_start3A_378 = arith.constant 0 : i32
      %dma_start3A_379 = tpu.memref_slice %arg7[%rem3A_247, %dma_start3A_377, %dma_start3A_378] : memref<2x16x512xf32, #tpu.memory_space<vmem>> -> memref<1x1x512xf32, #tpu.memory_space<vmem>>
      %dma_start3A_380 = tpu.memref_squeeze %dma_start3A_379 : memref<1x1x512xf32, #tpu.memory_space<vmem>> -> memref<512xf32, #tpu.memory_space<vmem>>
      %dma_start3A_381 = arith.constant 0 : i32
      %dma_start3A_382 = tpu.memref_slice %arg6[%rem3A_247, %dma_start3A_376, %dma_start3A_381] : memref<2x16x512xi32, #tpu.memory_space<vmem>> -> memref<1x1x512xi32, #tpu.memory_space<vmem>>
      %dma_start3A_383 = tpu.memref_squeeze %dma_start3A_382 : memref<1x1x512xi32, #tpu.memory_space<vmem>> -> memref<512xi32, #tpu.memory_space<vmem>>
      %dma_start3A_384 = arith.constant 0 : i32
      %dma_start3A_385 = tpu.memref_slice %arg3[%dma_start3A_384] : memref<41601024xf32, #tpu.memory_space<hbm>> -> memref<41601024xf32, #tpu.memory_space<hbm>>
      tpu.enqueue_indirect_dma source(%dma_start3A_385 : memref<41601024xf32, #tpu.memory_space<hbm>>) target(%dma_start3A_380 : memref<512xf32, #tpu.memory_space<vmem>>) offsets(%dma_start3A_383 : memref<512xi32, #tpu.memory_space<vmem>>) semaphore(%arg8 : memref<!tpu.dma_semaphore, #tpu.memory_space<semaphore_mem>>)
      %dma_start3A_386 = arith.constant 13 : i32
      %dma_start3A_387 = arith.constant 13 : i32
      %dma_start3A_388 = arith.constant 0 : i32
      %dma_start3A_389 = tpu.memref_slice %arg7[%rem3A_247, %dma_start3A_387, %dma_start3A_388] : memref<2x16x512xf32, #tpu.memory_space<vmem>> -> memref<1x1x512xf32, #tpu.memory_space<vmem>>
      %dma_start3A_390 = tpu.memref_squeeze %dma_start3A_389 : memref<1x1x512xf32, #tpu.memory_space<vmem>> -> memref<512xf32, #tpu.memory_space<vmem>>
      %dma_start3A_391 = arith.constant 0 : i32
      %dma_start3A_392 = tpu.memref_slice %arg6[%rem3A_247, %dma_start3A_386, %dma_start3A_391] : memref<2x16x512xi32, #tpu.memory_space<vmem>> -> memref<1x1x512xi32, #tpu.memory_space<vmem>>
      %dma_start3A_393 = tpu.memref_squeeze %dma_start3A_392 : memref<1x1x512xi32, #tpu.memory_space<vmem>> -> memref<512xi32, #tpu.memory_space<vmem>>
      %dma_start3A_394 = arith.constant 0 : i32
      %dma_start3A_395 = tpu.memref_slice %arg3[%dma_start3A_394] : memref<41601024xf32, #tpu.memory_space<hbm>> -> memref<41601024xf32, #tpu.memory_space<hbm>>
      tpu.enqueue_indirect_dma source(%dma_start3A_395 : memref<41601024xf32, #tpu.memory_space<hbm>>) target(%dma_start3A_390 : memref<512xf32, #tpu.memory_space<vmem>>) offsets(%dma_start3A_393 : memref<512xi32, #tpu.memory_space<vmem>>) semaphore(%arg8 : memref<!tpu.dma_semaphore, #tpu.memory_space<semaphore_mem>>)
      %dma_start3A_396 = arith.constant 14 : i32
      %dma_start3A_397 = arith.constant 14 : i32
      %dma_start3A_398 = arith.constant 0 : i32
      %dma_start3A_399 = tpu.memref_slice %arg7[%rem3A_247, %dma_start3A_397, %dma_start3A_398] : memref<2x16x512xf32, #tpu.memory_space<vmem>> -> memref<1x1x512xf32, #tpu.memory_space<vmem>>
      %dma_start3A_400 = tpu.memref_squeeze %dma_start3A_399 : memref<1x1x512xf32, #tpu.memory_space<vmem>> -> memref<512xf32, #tpu.memory_space<vmem>>
      %dma_start3A_401 = arith.constant 0 : i32
      %dma_start3A_402 = tpu.memref_slice %arg6[%rem3A_247, %dma_start3A_396, %dma_start3A_401] : memref<2x16x512xi32, #tpu.memory_space<vmem>> -> memref<1x1x512xi32, #tpu.memory_space<vmem>>
      %dma_start3A_403 = tpu.memref_squeeze %dma_start3A_402 : memref<1x1x512xi32, #tpu.memory_space<vmem>> -> memref<512xi32, #tpu.memory_space<vmem>>
      %dma_start3A_404 = arith.constant 0 : i32
      %dma_start3A_405 = tpu.memref_slice %arg3[%dma_start3A_404] : memref<41601024xf32, #tpu.memory_space<hbm>> -> memref<41601024xf32, #tpu.memory_space<hbm>>
      tpu.enqueue_indirect_dma source(%dma_start3A_405 : memref<41601024xf32, #tpu.memory_space<hbm>>) target(%dma_start3A_400 : memref<512xf32, #tpu.memory_space<vmem>>) offsets(%dma_start3A_403 : memref<512xi32, #tpu.memory_space<vmem>>) semaphore(%arg8 : memref<!tpu.dma_semaphore, #tpu.memory_space<semaphore_mem>>)
      %dma_start3A_406 = arith.constant 15 : i32
      %dma_start3A_407 = arith.constant 15 : i32
      %dma_start3A_408 = arith.constant 0 : i32
      %dma_start3A_409 = tpu.memref_slice %arg7[%rem3A_247, %dma_start3A_407, %dma_start3A_408] : memref<2x16x512xf32, #tpu.memory_space<vmem>> -> memref<1x1x512xf32, #tpu.memory_space<vmem>>
      %dma_start3A_410 = tpu.memref_squeeze %dma_start3A_409 : memref<1x1x512xf32, #tpu.memory_space<vmem>> -> memref<512xf32, #tpu.memory_space<vmem>>
      %dma_start3A_411 = arith.constant 0 : i32
      %dma_start3A_412 = tpu.memref_slice %arg6[%rem3A_247, %dma_start3A_406, %dma_start3A_411] : memref<2x16x512xi32, #tpu.memory_space<vmem>> -> memref<1x1x512xi32, #tpu.memory_space<vmem>>
      %dma_start3A_413 = tpu.memref_squeeze %dma_start3A_412 : memref<1x1x512xi32, #tpu.memory_space<vmem>> -> memref<512xi32, #tpu.memory_space<vmem>>
      %dma_start3A_414 = arith.constant 0 : i32
      %dma_start3A_415 = tpu.memref_slice %arg3[%dma_start3A_414] : memref<41601024xf32, #tpu.memory_space<hbm>> -> memref<41601024xf32, #tpu.memory_space<hbm>>
      tpu.enqueue_indirect_dma source(%dma_start3A_415 : memref<41601024xf32, #tpu.memory_space<hbm>>) target(%dma_start3A_410 : memref<512xf32, #tpu.memory_space<vmem>>) offsets(%dma_start3A_413 : memref<512xi32, #tpu.memory_space<vmem>>) semaphore(%arg8 : memref<!tpu.dma_semaphore, #tpu.memory_space<semaphore_mem>>)
      %ge3A_416 = arith.constant 1 : i32
      %ge3A_417 = arith.cmpi sge, %scan3A_246, %ge3A_416 : i32
      %convert_element_type3A_418 = arith.extui %ge3A_417 : i1 to i32
      %cond3A_419 = arith.constant 0 : i32
      %cond3A_420 = arith.cmpi ne, %convert_element_type3A_418, %cond3A_419 : i32
      scf.if %cond3A_420 {
        %sub3A = arith.constant 1 : i32
        %sub3A_421 = arith.subi %sub3A, %rem3A_247 : i32
        %dma_wait3A_422 = arith.constant 0 : i32
        %dma_wait3A_423 = arith.constant 0 : i32
        %dma_wait3A_424 = tpu.memref_slice %arg7[%sub3A_421, %dma_wait3A_422, %dma_wait3A_423] : memref<2x16x512xf32, #tpu.memory_space<vmem>> -> memref<1x1x512xf32, #tpu.memory_space<vmem>>
        %dma_wait3A_425 = tpu.memref_squeeze %dma_wait3A_424 : memref<1x1x512xf32, #tpu.memory_space<vmem>> -> memref<512xf32, #tpu.memory_space<vmem>>
        %dma_wait3A_426 = arith.constant 0 : i32
        %dma_wait3A_427 = tpu.memref_slice %arg3[%dma_wait3A_426] : memref<41601024xf32, #tpu.memory_space<hbm>> -> memref<512xf32, #tpu.memory_space<hbm>>
        %dma_wait3A_428 = arith.constant 0 : i32
        %dma_wait3A_429 = tpu.memref_slice %arg7[%sub3A_421, %dma_wait3A_422, %dma_wait3A_428] : memref<2x16x512xf32, #tpu.memory_space<vmem>> -> memref<1x1x512xf32, #tpu.memory_space<vmem>>
        %dma_wait3A_430 = tpu.memref_squeeze %dma_wait3A_429 : memref<1x1x512xf32, #tpu.memory_space<vmem>> -> memref<512xf32, #tpu.memory_space<vmem>>
        %dma_wait3A_431 = arith.constant 0 : i32
        %dma_wait3A_432 = tpu.memref_slice %arg3[%dma_wait3A_431] : memref<41601024xf32, #tpu.memory_space<hbm>> -> memref<512xf32, #tpu.memory_space<hbm>>
        tpu.wait_dma2 semaphore(%arg8 : memref<!tpu.dma_semaphore, #tpu.memory_space<semaphore_mem>>) src(%dma_wait3A_432 : memref<512xf32, #tpu.memory_space<hbm>>) dst(%dma_wait3A_430 : memref<512xf32, #tpu.memory_space<vmem>>)
        %dma_wait3A_433 = arith.constant 1 : i32
        %dma_wait3A_434 = arith.constant 0 : i32
        %dma_wait3A_435 = tpu.memref_slice %arg7[%sub3A_421, %dma_wait3A_433, %dma_wait3A_434] : memref<2x16x512xf32, #tpu.memory_space<vmem>> -> memref<1x1x512xf32, #tpu.memory_space<vmem>>
        %dma_wait3A_436 = tpu.memref_squeeze %dma_wait3A_435 : memref<1x1x512xf32, #tpu.memory_space<vmem>> -> memref<512xf32, #tpu.memory_space<vmem>>
        %dma_wait3A_437 = arith.constant 0 : i32
        %dma_wait3A_438 = tpu.memref_slice %arg3[%dma_wait3A_437] : memref<41601024xf32, #tpu.memory_space<hbm>> -> memref<512xf32, #tpu.memory_space<hbm>>
        %dma_wait3A_439 = arith.constant 0 : i32
        %dma_wait3A_440 = tpu.memref_slice %arg7[%sub3A_421, %dma_wait3A_433, %dma_wait3A_439] : memref<2x16x512xf32, #tpu.memory_space<vmem>> -> memref<1x1x512xf32, #tpu.memory_space<vmem>>
        %dma_wait3A_441 = tpu.memref_squeeze %dma_wait3A_440 : memref<1x1x512xf32, #tpu.memory_space<vmem>> -> memref<512xf32, #tpu.memory_space<vmem>>
        %dma_wait3A_442 = arith.constant 0 : i32
        %dma_wait3A_443 = tpu.memref_slice %arg3[%dma_wait3A_442] : memref<41601024xf32, #tpu.memory_space<hbm>> -> memref<512xf32, #tpu.memory_space<hbm>>
        tpu.wait_dma2 semaphore(%arg8 : memref<!tpu.dma_semaphore, #tpu.memory_space<semaphore_mem>>) src(%dma_wait3A_443 : memref<512xf32, #tpu.memory_space<hbm>>) dst(%dma_wait3A_441 : memref<512xf32, #tpu.memory_space<vmem>>)
        %dma_wait3A_444 = arith.constant 2 : i32
        %dma_wait3A_445 = arith.constant 0 : i32
        %dma_wait3A_446 = tpu.memref_slice %arg7[%sub3A_421, %dma_wait3A_444, %dma_wait3A_445] : memref<2x16x512xf32, #tpu.memory_space<vmem>> -> memref<1x1x512xf32, #tpu.memory_space<vmem>>
        %dma_wait3A_447 = tpu.memref_squeeze %dma_wait3A_446 : memref<1x1x512xf32, #tpu.memory_space<vmem>> -> memref<512xf32, #tpu.memory_space<vmem>>
        %dma_wait3A_448 = arith.constant 0 : i32
        %dma_wait3A_449 = tpu.memref_slice %arg3[%dma_wait3A_448] : memref<41601024xf32, #tpu.memory_space<hbm>> -> memref<512xf32, #tpu.memory_space<hbm>>
        %dma_wait3A_450 = arith.constant 0 : i32
        %dma_wait3A_451 = tpu.memref_slice %arg7[%sub3A_421, %dma_wait3A_444, %dma_wait3A_450] : memref<2x16x512xf32, #tpu.memory_space<vmem>> -> memref<1x1x512xf32, #tpu.memory_space<vmem>>
        %dma_wait3A_452 = tpu.memref_squeeze %dma_wait3A_451 : memref<1x1x512xf32, #tpu.memory_space<vmem>> -> memref<512xf32, #tpu.memory_space<vmem>>
        %dma_wait3A_453 = arith.constant 0 : i32
        %dma_wait3A_454 = tpu.memref_slice %arg3[%dma_wait3A_453] : memref<41601024xf32, #tpu.memory_space<hbm>> -> memref<512xf32, #tpu.memory_space<hbm>>
        tpu.wait_dma2 semaphore(%arg8 : memref<!tpu.dma_semaphore, #tpu.memory_space<semaphore_mem>>) src(%dma_wait3A_454 : memref<512xf32, #tpu.memory_space<hbm>>) dst(%dma_wait3A_452 : memref<512xf32, #tpu.memory_space<vmem>>)
        %dma_wait3A_455 = arith.constant 3 : i32
        %dma_wait3A_456 = arith.constant 0 : i32
        %dma_wait3A_457 = tpu.memref_slice %arg7[%sub3A_421, %dma_wait3A_455, %dma_wait3A_456] : memref<2x16x512xf32, #tpu.memory_space<vmem>> -> memref<1x1x512xf32, #tpu.memory_space<vmem>>
        %dma_wait3A_458 = tpu.memref_squeeze %dma_wait3A_457 : memref<1x1x512xf32, #tpu.memory_space<vmem>> -> memref<512xf32, #tpu.memory_space<vmem>>
        %dma_wait3A_459 = arith.constant 0 : i32
        %dma_wait3A_460 = tpu.memref_slice %arg3[%dma_wait3A_459] : memref<41601024xf32, #tpu.memory_space<hbm>> -> memref<512xf32, #tpu.memory_space<hbm>>
        %dma_wait3A_461 = arith.constant 0 : i32
        %dma_wait3A_462 = tpu.memref_slice %arg7[%sub3A_421, %dma_wait3A_455, %dma_wait3A_461] : memref<2x16x512xf32, #tpu.memory_space<vmem>> -> memref<1x1x512xf32, #tpu.memory_space<vmem>>
        %dma_wait3A_463 = tpu.memref_squeeze %dma_wait3A_462 : memref<1x1x512xf32, #tpu.memory_space<vmem>> -> memref<512xf32, #tpu.memory_space<vmem>>
        %dma_wait3A_464 = arith.constant 0 : i32
        %dma_wait3A_465 = tpu.memref_slice %arg3[%dma_wait3A_464] : memref<41601024xf32, #tpu.memory_space<hbm>> -> memref<512xf32, #tpu.memory_space<hbm>>
        tpu.wait_dma2 semaphore(%arg8 : memref<!tpu.dma_semaphore, #tpu.memory_space<semaphore_mem>>) src(%dma_wait3A_465 : memref<512xf32, #tpu.memory_space<hbm>>) dst(%dma_wait3A_463 : memref<512xf32, #tpu.memory_space<vmem>>)
        %dma_wait3A_466 = arith.constant 4 : i32
        %dma_wait3A_467 = arith.constant 0 : i32
        %dma_wait3A_468 = tpu.memref_slice %arg7[%sub3A_421, %dma_wait3A_466, %dma_wait3A_467] : memref<2x16x512xf32, #tpu.memory_space<vmem>> -> memref<1x1x512xf32, #tpu.memory_space<vmem>>
        %dma_wait3A_469 = tpu.memref_squeeze %dma_wait3A_468 : memref<1x1x512xf32, #tpu.memory_space<vmem>> -> memref<512xf32, #tpu.memory_space<vmem>>
        %dma_wait3A_470 = arith.constant 0 : i32
        %dma_wait3A_471 = tpu.memref_slice %arg3[%dma_wait3A_470] : memref<41601024xf32, #tpu.memory_space<hbm>> -> memref<512xf32, #tpu.memory_space<hbm>>
        %dma_wait3A_472 = arith.constant 0 : i32
        %dma_wait3A_473 = tpu.memref_slice %arg7[%sub3A_421, %dma_wait3A_466, %dma_wait3A_472] : memref<2x16x512xf32, #tpu.memory_space<vmem>> -> memref<1x1x512xf32, #tpu.memory_space<vmem>>
        %dma_wait3A_474 = tpu.memref_squeeze %dma_wait3A_473 : memref<1x1x512xf32, #tpu.memory_space<vmem>> -> memref<512xf32, #tpu.memory_space<vmem>>
        %dma_wait3A_475 = arith.constant 0 : i32
        %dma_wait3A_476 = tpu.memref_slice %arg3[%dma_wait3A_475] : memref<41601024xf32, #tpu.memory_space<hbm>> -> memref<512xf32, #tpu.memory_space<hbm>>
        tpu.wait_dma2 semaphore(%arg8 : memref<!tpu.dma_semaphore, #tpu.memory_space<semaphore_mem>>) src(%dma_wait3A_476 : memref<512xf32, #tpu.memory_space<hbm>>) dst(%dma_wait3A_474 : memref<512xf32, #tpu.memory_space<vmem>>)
        %dma_wait3A_477 = arith.constant 5 : i32
        %dma_wait3A_478 = arith.constant 0 : i32
        %dma_wait3A_479 = tpu.memref_slice %arg7[%sub3A_421, %dma_wait3A_477, %dma_wait3A_478] : memref<2x16x512xf32, #tpu.memory_space<vmem>> -> memref<1x1x512xf32, #tpu.memory_space<vmem>>
        %dma_wait3A_480 = tpu.memref_squeeze %dma_wait3A_479 : memref<1x1x512xf32, #tpu.memory_space<vmem>> -> memref<512xf32, #tpu.memory_space<vmem>>
        %dma_wait3A_481 = arith.constant 0 : i32
        %dma_wait3A_482 = tpu.memref_slice %arg3[%dma_wait3A_481] : memref<41601024xf32, #tpu.memory_space<hbm>> -> memref<512xf32, #tpu.memory_space<hbm>>
        %dma_wait3A_483 = arith.constant 0 : i32
        %dma_wait3A_484 = tpu.memref_slice %arg7[%sub3A_421, %dma_wait3A_477, %dma_wait3A_483] : memref<2x16x512xf32, #tpu.memory_space<vmem>> -> memref<1x1x512xf32, #tpu.memory_space<vmem>>
        %dma_wait3A_485 = tpu.memref_squeeze %dma_wait3A_484 : memref<1x1x512xf32, #tpu.memory_space<vmem>> -> memref<512xf32, #tpu.memory_space<vmem>>
        %dma_wait3A_486 = arith.constant 0 : i32
        %dma_wait3A_487 = tpu.memref_slice %arg3[%dma_wait3A_486] : memref<41601024xf32, #tpu.memory_space<hbm>> -> memref<512xf32, #tpu.memory_space<hbm>>
        tpu.wait_dma2 semaphore(%arg8 : memref<!tpu.dma_semaphore, #tpu.memory_space<semaphore_mem>>) src(%dma_wait3A_487 : memref<512xf32, #tpu.memory_space<hbm>>) dst(%dma_wait3A_485 : memref<512xf32, #tpu.memory_space<vmem>>)
        %dma_wait3A_488 = arith.constant 6 : i32
        %dma_wait3A_489 = arith.constant 0 : i32
        %dma_wait3A_490 = tpu.memref_slice %arg7[%sub3A_421, %dma_wait3A_488, %dma_wait3A_489] : memref<2x16x512xf32, #tpu.memory_space<vmem>> -> memref<1x1x512xf32, #tpu.memory_space<vmem>>
        %dma_wait3A_491 = tpu.memref_squeeze %dma_wait3A_490 : memref<1x1x512xf32, #tpu.memory_space<vmem>> -> memref<512xf32, #tpu.memory_space<vmem>>
        %dma_wait3A_492 = arith.constant 0 : i32
        %dma_wait3A_493 = tpu.memref_slice %arg3[%dma_wait3A_492] : memref<41601024xf32, #tpu.memory_space<hbm>> -> memref<512xf32, #tpu.memory_space<hbm>>
        %dma_wait3A_494 = arith.constant 0 : i32
        %dma_wait3A_495 = tpu.memref_slice %arg7[%sub3A_421, %dma_wait3A_488, %dma_wait3A_494] : memref<2x16x512xf32, #tpu.memory_space<vmem>> -> memref<1x1x512xf32, #tpu.memory_space<vmem>>
        %dma_wait3A_496 = tpu.memref_squeeze %dma_wait3A_495 : memref<1x1x512xf32, #tpu.memory_space<vmem>> -> memref<512xf32, #tpu.memory_space<vmem>>
        %dma_wait3A_497 = arith.constant 0 : i32
        %dma_wait3A_498 = tpu.memref_slice %arg3[%dma_wait3A_497] : memref<41601024xf32, #tpu.memory_space<hbm>> -> memref<512xf32, #tpu.memory_space<hbm>>
        tpu.wait_dma2 semaphore(%arg8 : memref<!tpu.dma_semaphore, #tpu.memory_space<semaphore_mem>>) src(%dma_wait3A_498 : memref<512xf32, #tpu.memory_space<hbm>>) dst(%dma_wait3A_496 : memref<512xf32, #tpu.memory_space<vmem>>)
        %dma_wait3A_499 = arith.constant 7 : i32
        %dma_wait3A_500 = arith.constant 0 : i32
        %dma_wait3A_501 = tpu.memref_slice %arg7[%sub3A_421, %dma_wait3A_499, %dma_wait3A_500] : memref<2x16x512xf32, #tpu.memory_space<vmem>> -> memref<1x1x512xf32, #tpu.memory_space<vmem>>
        %dma_wait3A_502 = tpu.memref_squeeze %dma_wait3A_501 : memref<1x1x512xf32, #tpu.memory_space<vmem>> -> memref<512xf32, #tpu.memory_space<vmem>>
        %dma_wait3A_503 = arith.constant 0 : i32
        %dma_wait3A_504 = tpu.memref_slice %arg3[%dma_wait3A_503] : memref<41601024xf32, #tpu.memory_space<hbm>> -> memref<512xf32, #tpu.memory_space<hbm>>
        %dma_wait3A_505 = arith.constant 0 : i32
        %dma_wait3A_506 = tpu.memref_slice %arg7[%sub3A_421, %dma_wait3A_499, %dma_wait3A_505] : memref<2x16x512xf32, #tpu.memory_space<vmem>> -> memref<1x1x512xf32, #tpu.memory_space<vmem>>
        %dma_wait3A_507 = tpu.memref_squeeze %dma_wait3A_506 : memref<1x1x512xf32, #tpu.memory_space<vmem>> -> memref<512xf32, #tpu.memory_space<vmem>>
        %dma_wait3A_508 = arith.constant 0 : i32
        %dma_wait3A_509 = tpu.memref_slice %arg3[%dma_wait3A_508] : memref<41601024xf32, #tpu.memory_space<hbm>> -> memref<512xf32, #tpu.memory_space<hbm>>
        tpu.wait_dma2 semaphore(%arg8 : memref<!tpu.dma_semaphore, #tpu.memory_space<semaphore_mem>>) src(%dma_wait3A_509 : memref<512xf32, #tpu.memory_space<hbm>>) dst(%dma_wait3A_507 : memref<512xf32, #tpu.memory_space<vmem>>)
        %dma_wait3A_510 = arith.constant 8 : i32
        %dma_wait3A_511 = arith.constant 0 : i32
        %dma_wait3A_512 = tpu.memref_slice %arg7[%sub3A_421, %dma_wait3A_510, %dma_wait3A_511] : memref<2x16x512xf32, #tpu.memory_space<vmem>> -> memref<1x1x512xf32, #tpu.memory_space<vmem>>
        %dma_wait3A_513 = tpu.memref_squeeze %dma_wait3A_512 : memref<1x1x512xf32, #tpu.memory_space<vmem>> -> memref<512xf32, #tpu.memory_space<vmem>>
        %dma_wait3A_514 = arith.constant 0 : i32
        %dma_wait3A_515 = tpu.memref_slice %arg3[%dma_wait3A_514] : memref<41601024xf32, #tpu.memory_space<hbm>> -> memref<512xf32, #tpu.memory_space<hbm>>
        %dma_wait3A_516 = arith.constant 0 : i32
        %dma_wait3A_517 = tpu.memref_slice %arg7[%sub3A_421, %dma_wait3A_510, %dma_wait3A_516] : memref<2x16x512xf32, #tpu.memory_space<vmem>> -> memref<1x1x512xf32, #tpu.memory_space<vmem>>
        %dma_wait3A_518 = tpu.memref_squeeze %dma_wait3A_517 : memref<1x1x512xf32, #tpu.memory_space<vmem>> -> memref<512xf32, #tpu.memory_space<vmem>>
        %dma_wait3A_519 = arith.constant 0 : i32
        %dma_wait3A_520 = tpu.memref_slice %arg3[%dma_wait3A_519] : memref<41601024xf32, #tpu.memory_space<hbm>> -> memref<512xf32, #tpu.memory_space<hbm>>
        tpu.wait_dma2 semaphore(%arg8 : memref<!tpu.dma_semaphore, #tpu.memory_space<semaphore_mem>>) src(%dma_wait3A_520 : memref<512xf32, #tpu.memory_space<hbm>>) dst(%dma_wait3A_518 : memref<512xf32, #tpu.memory_space<vmem>>)
        %dma_wait3A_521 = arith.constant 9 : i32
        %dma_wait3A_522 = arith.constant 0 : i32
        %dma_wait3A_523 = tpu.memref_slice %arg7[%sub3A_421, %dma_wait3A_521, %dma_wait3A_522] : memref<2x16x512xf32, #tpu.memory_space<vmem>> -> memref<1x1x512xf32, #tpu.memory_space<vmem>>
        %dma_wait3A_524 = tpu.memref_squeeze %dma_wait3A_523 : memref<1x1x512xf32, #tpu.memory_space<vmem>> -> memref<512xf32, #tpu.memory_space<vmem>>
        %dma_wait3A_525 = arith.constant 0 : i32
        %dma_wait3A_526 = tpu.memref_slice %arg3[%dma_wait3A_525] : memref<41601024xf32, #tpu.memory_space<hbm>> -> memref<512xf32, #tpu.memory_space<hbm>>
        %dma_wait3A_527 = arith.constant 0 : i32
        %dma_wait3A_528 = tpu.memref_slice %arg7[%sub3A_421, %dma_wait3A_521, %dma_wait3A_527] : memref<2x16x512xf32, #tpu.memory_space<vmem>> -> memref<1x1x512xf32, #tpu.memory_space<vmem>>
        %dma_wait3A_529 = tpu.memref_squeeze %dma_wait3A_528 : memref<1x1x512xf32, #tpu.memory_space<vmem>> -> memref<512xf32, #tpu.memory_space<vmem>>
        %dma_wait3A_530 = arith.constant 0 : i32
        %dma_wait3A_531 = tpu.memref_slice %arg3[%dma_wait3A_530] : memref<41601024xf32, #tpu.memory_space<hbm>> -> memref<512xf32, #tpu.memory_space<hbm>>
        tpu.wait_dma2 semaphore(%arg8 : memref<!tpu.dma_semaphore, #tpu.memory_space<semaphore_mem>>) src(%dma_wait3A_531 : memref<512xf32, #tpu.memory_space<hbm>>) dst(%dma_wait3A_529 : memref<512xf32, #tpu.memory_space<vmem>>)
        %dma_wait3A_532 = arith.constant 10 : i32
        %dma_wait3A_533 = arith.constant 0 : i32
        %dma_wait3A_534 = tpu.memref_slice %arg7[%sub3A_421, %dma_wait3A_532, %dma_wait3A_533] : memref<2x16x512xf32, #tpu.memory_space<vmem>> -> memref<1x1x512xf32, #tpu.memory_space<vmem>>
        %dma_wait3A_535 = tpu.memref_squeeze %dma_wait3A_534 : memref<1x1x512xf32, #tpu.memory_space<vmem>> -> memref<512xf32, #tpu.memory_space<vmem>>
        %dma_wait3A_536 = arith.constant 0 : i32
        %dma_wait3A_537 = tpu.memref_slice %arg3[%dma_wait3A_536] : memref<41601024xf32, #tpu.memory_space<hbm>> -> memref<512xf32, #tpu.memory_space<hbm>>
        %dma_wait3A_538 = arith.constant 0 : i32
        %dma_wait3A_539 = tpu.memref_slice %arg7[%sub3A_421, %dma_wait3A_532, %dma_wait3A_538] : memref<2x16x512xf32, #tpu.memory_space<vmem>> -> memref<1x1x512xf32, #tpu.memory_space<vmem>>
        %dma_wait3A_540 = tpu.memref_squeeze %dma_wait3A_539 : memref<1x1x512xf32, #tpu.memory_space<vmem>> -> memref<512xf32, #tpu.memory_space<vmem>>
        %dma_wait3A_541 = arith.constant 0 : i32
        %dma_wait3A_542 = tpu.memref_slice %arg3[%dma_wait3A_541] : memref<41601024xf32, #tpu.memory_space<hbm>> -> memref<512xf32, #tpu.memory_space<hbm>>
        tpu.wait_dma2 semaphore(%arg8 : memref<!tpu.dma_semaphore, #tpu.memory_space<semaphore_mem>>) src(%dma_wait3A_542 : memref<512xf32, #tpu.memory_space<hbm>>) dst(%dma_wait3A_540 : memref<512xf32, #tpu.memory_space<vmem>>)
        %dma_wait3A_543 = arith.constant 11 : i32
        %dma_wait3A_544 = arith.constant 0 : i32
        %dma_wait3A_545 = tpu.memref_slice %arg7[%sub3A_421, %dma_wait3A_543, %dma_wait3A_544] : memref<2x16x512xf32, #tpu.memory_space<vmem>> -> memref<1x1x512xf32, #tpu.memory_space<vmem>>
        %dma_wait3A_546 = tpu.memref_squeeze %dma_wait3A_545 : memref<1x1x512xf32, #tpu.memory_space<vmem>> -> memref<512xf32, #tpu.memory_space<vmem>>
        %dma_wait3A_547 = arith.constant 0 : i32
        %dma_wait3A_548 = tpu.memref_slice %arg3[%dma_wait3A_547] : memref<41601024xf32, #tpu.memory_space<hbm>> -> memref<512xf32, #tpu.memory_space<hbm>>
        %dma_wait3A_549 = arith.constant 0 : i32
        %dma_wait3A_550 = tpu.memref_slice %arg7[%sub3A_421, %dma_wait3A_543, %dma_wait3A_549] : memref<2x16x512xf32, #tpu.memory_space<vmem>> -> memref<1x1x512xf32, #tpu.memory_space<vmem>>
        %dma_wait3A_551 = tpu.memref_squeeze %dma_wait3A_550 : memref<1x1x512xf32, #tpu.memory_space<vmem>> -> memref<512xf32, #tpu.memory_space<vmem>>
        %dma_wait3A_552 = arith.constant 0 : i32
        %dma_wait3A_553 = tpu.memref_slice %arg3[%dma_wait3A_552] : memref<41601024xf32, #tpu.memory_space<hbm>> -> memref<512xf32, #tpu.memory_space<hbm>>
        tpu.wait_dma2 semaphore(%arg8 : memref<!tpu.dma_semaphore, #tpu.memory_space<semaphore_mem>>) src(%dma_wait3A_553 : memref<512xf32, #tpu.memory_space<hbm>>) dst(%dma_wait3A_551 : memref<512xf32, #tpu.memory_space<vmem>>)
        %dma_wait3A_554 = arith.constant 12 : i32
        %dma_wait3A_555 = arith.constant 0 : i32
        %dma_wait3A_556 = tpu.memref_slice %arg7[%sub3A_421, %dma_wait3A_554, %dma_wait3A_555] : memref<2x16x512xf32, #tpu.memory_space<vmem>> -> memref<1x1x512xf32, #tpu.memory_space<vmem>>
        %dma_wait3A_557 = tpu.memref_squeeze %dma_wait3A_556 : memref<1x1x512xf32, #tpu.memory_space<vmem>> -> memref<512xf32, #tpu.memory_space<vmem>>
        %dma_wait3A_558 = arith.constant 0 : i32
        %dma_wait3A_559 = tpu.memref_slice %arg3[%dma_wait3A_558] : memref<41601024xf32, #tpu.memory_space<hbm>> -> memref<512xf32, #tpu.memory_space<hbm>>
        %dma_wait3A_560 = arith.constant 0 : i32
        %dma_wait3A_561 = tpu.memref_slice %arg7[%sub3A_421, %dma_wait3A_554, %dma_wait3A_560] : memref<2x16x512xf32, #tpu.memory_space<vmem>> -> memref<1x1x512xf32, #tpu.memory_space<vmem>>
        %dma_wait3A_562 = tpu.memref_squeeze %dma_wait3A_561 : memref<1x1x512xf32, #tpu.memory_space<vmem>> -> memref<512xf32, #tpu.memory_space<vmem>>
        %dma_wait3A_563 = arith.constant 0 : i32
        %dma_wait3A_564 = tpu.memref_slice %arg3[%dma_wait3A_563] : memref<41601024xf32, #tpu.memory_space<hbm>> -> memref<512xf32, #tpu.memory_space<hbm>>
        tpu.wait_dma2 semaphore(%arg8 : memref<!tpu.dma_semaphore, #tpu.memory_space<semaphore_mem>>) src(%dma_wait3A_564 : memref<512xf32, #tpu.memory_space<hbm>>) dst(%dma_wait3A_562 : memref<512xf32, #tpu.memory_space<vmem>>)
        %dma_wait3A_565 = arith.constant 13 : i32
        %dma_wait3A_566 = arith.constant 0 : i32
        %dma_wait3A_567 = tpu.memref_slice %arg7[%sub3A_421, %dma_wait3A_565, %dma_wait3A_566] : memref<2x16x512xf32, #tpu.memory_space<vmem>> -> memref<1x1x512xf32, #tpu.memory_space<vmem>>
        %dma_wait3A_568 = tpu.memref_squeeze %dma_wait3A_567 : memref<1x1x512xf32, #tpu.memory_space<vmem>> -> memref<512xf32, #tpu.memory_space<vmem>>
        %dma_wait3A_569 = arith.constant 0 : i32
        %dma_wait3A_570 = tpu.memref_slice %arg3[%dma_wait3A_569] : memref<41601024xf32, #tpu.memory_space<hbm>> -> memref<512xf32, #tpu.memory_space<hbm>>
        %dma_wait3A_571 = arith.constant 0 : i32
        %dma_wait3A_572 = tpu.memref_slice %arg7[%sub3A_421, %dma_wait3A_565, %dma_wait3A_571] : memref<2x16x512xf32, #tpu.memory_space<vmem>> -> memref<1x1x512xf32, #tpu.memory_space<vmem>>
        %dma_wait3A_573 = tpu.memref_squeeze %dma_wait3A_572 : memref<1x1x512xf32, #tpu.memory_space<vmem>> -> memref<512xf32, #tpu.memory_space<vmem>>
        %dma_wait3A_574 = arith.constant 0 : i32
        %dma_wait3A_575 = tpu.memref_slice %arg3[%dma_wait3A_574] : memref<41601024xf32, #tpu.memory_space<hbm>> -> memref<512xf32, #tpu.memory_space<hbm>>
        tpu.wait_dma2 semaphore(%arg8 : memref<!tpu.dma_semaphore, #tpu.memory_space<semaphore_mem>>) src(%dma_wait3A_575 : memref<512xf32, #tpu.memory_space<hbm>>) dst(%dma_wait3A_573 : memref<512xf32, #tpu.memory_space<vmem>>)
        %dma_wait3A_576 = arith.constant 14 : i32
        %dma_wait3A_577 = arith.constant 0 : i32
        %dma_wait3A_578 = tpu.memref_slice %arg7[%sub3A_421, %dma_wait3A_576, %dma_wait3A_577] : memref<2x16x512xf32, #tpu.memory_space<vmem>> -> memref<1x1x512xf32, #tpu.memory_space<vmem>>
        %dma_wait3A_579 = tpu.memref_squeeze %dma_wait3A_578 : memref<1x1x512xf32, #tpu.memory_space<vmem>> -> memref<512xf32, #tpu.memory_space<vmem>>
        %dma_wait3A_580 = arith.constant 0 : i32
        %dma_wait3A_581 = tpu.memref_slice %arg3[%dma_wait3A_580] : memref<41601024xf32, #tpu.memory_space<hbm>> -> memref<512xf32, #tpu.memory_space<hbm>>
        %dma_wait3A_582 = arith.constant 0 : i32
        %dma_wait3A_583 = tpu.memref_slice %arg7[%sub3A_421, %dma_wait3A_576, %dma_wait3A_582] : memref<2x16x512xf32, #tpu.memory_space<vmem>> -> memref<1x1x512xf32, #tpu.memory_space<vmem>>
        %dma_wait3A_584 = tpu.memref_squeeze %dma_wait3A_583 : memref<1x1x512xf32, #tpu.memory_space<vmem>> -> memref<512xf32, #tpu.memory_space<vmem>>
        %dma_wait3A_585 = arith.constant 0 : i32
        %dma_wait3A_586 = tpu.memref_slice %arg3[%dma_wait3A_585] : memref<41601024xf32, #tpu.memory_space<hbm>> -> memref<512xf32, #tpu.memory_space<hbm>>
        tpu.wait_dma2 semaphore(%arg8 : memref<!tpu.dma_semaphore, #tpu.memory_space<semaphore_mem>>) src(%dma_wait3A_586 : memref<512xf32, #tpu.memory_space<hbm>>) dst(%dma_wait3A_584 : memref<512xf32, #tpu.memory_space<vmem>>)
        %dma_wait3A_587 = arith.constant 15 : i32
        %dma_wait3A_588 = arith.constant 0 : i32
        %dma_wait3A_589 = tpu.memref_slice %arg7[%sub3A_421, %dma_wait3A_587, %dma_wait3A_588] : memref<2x16x512xf32, #tpu.memory_space<vmem>> -> memref<1x1x512xf32, #tpu.memory_space<vmem>>
        %dma_wait3A_590 = tpu.memref_squeeze %dma_wait3A_589 : memref<1x1x512xf32, #tpu.memory_space<vmem>> -> memref<512xf32, #tpu.memory_space<vmem>>
        %dma_wait3A_591 = arith.constant 0 : i32
        %dma_wait3A_592 = tpu.memref_slice %arg3[%dma_wait3A_591] : memref<41601024xf32, #tpu.memory_space<hbm>> -> memref<512xf32, #tpu.memory_space<hbm>>
        %dma_wait3A_593 = arith.constant 0 : i32
        %dma_wait3A_594 = tpu.memref_slice %arg7[%sub3A_421, %dma_wait3A_587, %dma_wait3A_593] : memref<2x16x512xf32, #tpu.memory_space<vmem>> -> memref<1x1x512xf32, #tpu.memory_space<vmem>>
        %dma_wait3A_595 = tpu.memref_squeeze %dma_wait3A_594 : memref<1x1x512xf32, #tpu.memory_space<vmem>> -> memref<512xf32, #tpu.memory_space<vmem>>
        %dma_wait3A_596 = arith.constant 0 : i32
        %dma_wait3A_597 = tpu.memref_slice %arg3[%dma_wait3A_596] : memref<41601024xf32, #tpu.memory_space<hbm>> -> memref<512xf32, #tpu.memory_space<hbm>>
        tpu.wait_dma2 semaphore(%arg8 : memref<!tpu.dma_semaphore, #tpu.memory_space<semaphore_mem>>) src(%dma_wait3A_597 : memref<512xf32, #tpu.memory_space<hbm>>) dst(%dma_wait3A_595 : memref<512xf32, #tpu.memory_space<vmem>>)
        %sub3A_598 = arith.constant 1 : i32
        %sub3A_599 = arith.subi %scan3A_246, %sub3A_598 : i32
        %sub3A_600 = arith.constant 1 : i32
        %sub3A_601 = arith.subi %sub3A_600, %rem3A_247 : i32
        %dma_start3A_602 = arith.constant 0 : i32
        %dma_start3A_603 = arith.constant 0 : i32
        %dma_start3A_604 = tpu.memref_slice %arg7[%sub3A_601, %dma_start3A_602, %dma_start3A_603] : memref<2x16x512xf32, #tpu.memory_space<vmem>> -> memref<1x16x512xf32, #tpu.memory_space<vmem>>
        %dma_start3A_605 = tpu.memref_squeeze %dma_start3A_604 : memref<1x16x512xf32, #tpu.memory_space<vmem>> -> memref<16x512xf32, #tpu.memory_space<vmem>>
        %dma_start3A_606 = arith.constant 0 : i32
        %dma_start3A_607 = tpu.memref_slice %arg4[%sub3A_599, %dma_start3A_606, %mul3A_2] : memref<26x16x16384xf32, #tpu.memory_space<hbm>> -> memref<1x16x512xf32, #tpu.memory_space<hbm>>
        %dma_start3A_608 = tpu.memref_squeeze %dma_start3A_607 : memref<1x16x512xf32, #tpu.memory_space<hbm>> -> memref<16x512xf32, #tpu.memory_space<hbm>>
        %dma_start3A_609 = arith.constant 0 : i32
        %dma_start3A_610 = tpu.memref_slice %arg4[%sub3A_599, %dma_start3A_609, %mul3A_2] : memref<26x16x16384xf32, #tpu.memory_space<hbm>> -> memref<1x16x512xf32, #tpu.memory_space<hbm>>
        %dma_start3A_611 = tpu.memref_squeeze %dma_start3A_610 : memref<1x16x512xf32, #tpu.memory_space<hbm>> -> memref<16x512xf32, #tpu.memory_space<hbm>>
        %dma_start3A_612 = arith.constant 0 : i32
        %dma_start3A_613 = arith.constant 0 : i32
        %dma_start3A_614 = tpu.memref_slice %arg7[%sub3A_601, %dma_start3A_612, %dma_start3A_613] : memref<2x16x512xf32, #tpu.memory_space<vmem>> -> memref<1x16x512xf32, #tpu.memory_space<vmem>>
        %dma_start3A_615 = tpu.memref_squeeze %dma_start3A_614 : memref<1x16x512xf32, #tpu.memory_space<vmem>> -> memref<16x512xf32, #tpu.memory_space<vmem>>
        tpu.enqueue_dma source(%dma_start3A_615 : memref<16x512xf32, #tpu.memory_space<vmem>>) target(%dma_start3A_611 : memref<16x512xf32, #tpu.memory_space<hbm>>) target_semaphore(%arg9 : memref<!tpu.dma_semaphore, #tpu.memory_space<semaphore_mem>>)
      } else {
      }
    }
    %scan3A_7 = arith.constant 26 : i32
    %dma_wait3A = arith.constant 1 : i32
    %dma_wait3A_8 = arith.constant 0 : i32
    %dma_wait3A_9 = arith.constant 0 : i32
    %dma_wait3A_10 = tpu.memref_slice %arg7[%dma_wait3A, %dma_wait3A_8, %dma_wait3A_9] : memref<2x16x512xf32, #tpu.memory_space<vmem>> -> memref<1x1x512xf32, #tpu.memory_space<vmem>>
    %dma_wait3A_11 = tpu.memref_squeeze %dma_wait3A_10 : memref<1x1x512xf32, #tpu.memory_space<vmem>> -> memref<512xf32, #tpu.memory_space<vmem>>
    %dma_wait3A_12 = arith.constant 0 : i32
    %dma_wait3A_13 = tpu.memref_slice %arg3[%dma_wait3A_12] : memref<41601024xf32, #tpu.memory_space<hbm>> -> memref<512xf32, #tpu.memory_space<hbm>>
    %dma_wait3A_14 = arith.constant 0 : i32
    %dma_wait3A_15 = tpu.memref_slice %arg7[%dma_wait3A, %dma_wait3A_8, %dma_wait3A_14] : memref<2x16x512xf32, #tpu.memory_space<vmem>> -> memref<1x1x512xf32, #tpu.memory_space<vmem>>
    %dma_wait3A_16 = tpu.memref_squeeze %dma_wait3A_15 : memref<1x1x512xf32, #tpu.memory_space<vmem>> -> memref<512xf32, #tpu.memory_space<vmem>>
    %dma_wait3A_17 = arith.constant 0 : i32
    %dma_wait3A_18 = tpu.memref_slice %arg3[%dma_wait3A_17] : memref<41601024xf32, #tpu.memory_space<hbm>> -> memref<512xf32, #tpu.memory_space<hbm>>
    tpu.wait_dma2 semaphore(%arg8 : memref<!tpu.dma_semaphore, #tpu.memory_space<semaphore_mem>>) src(%dma_wait3A_18 : memref<512xf32, #tpu.memory_space<hbm>>) dst(%dma_wait3A_16 : memref<512xf32, #tpu.memory_space<vmem>>)
    %dma_wait3A_19 = arith.constant 1 : i32
    %dma_wait3A_20 = arith.constant 1 : i32
    %dma_wait3A_21 = arith.constant 0 : i32
    %dma_wait3A_22 = tpu.memref_slice %arg7[%dma_wait3A_19, %dma_wait3A_20, %dma_wait3A_21] : memref<2x16x512xf32, #tpu.memory_space<vmem>> -> memref<1x1x512xf32, #tpu.memory_space<vmem>>
    %dma_wait3A_23 = tpu.memref_squeeze %dma_wait3A_22 : memref<1x1x512xf32, #tpu.memory_space<vmem>> -> memref<512xf32, #tpu.memory_space<vmem>>
    %dma_wait3A_24 = arith.constant 0 : i32
    %dma_wait3A_25 = tpu.memref_slice %arg3[%dma_wait3A_24] : memref<41601024xf32, #tpu.memory_space<hbm>> -> memref<512xf32, #tpu.memory_space<hbm>>
    %dma_wait3A_26 = arith.constant 0 : i32
    %dma_wait3A_27 = tpu.memref_slice %arg7[%dma_wait3A_19, %dma_wait3A_20, %dma_wait3A_26] : memref<2x16x512xf32, #tpu.memory_space<vmem>> -> memref<1x1x512xf32, #tpu.memory_space<vmem>>
    %dma_wait3A_28 = tpu.memref_squeeze %dma_wait3A_27 : memref<1x1x512xf32, #tpu.memory_space<vmem>> -> memref<512xf32, #tpu.memory_space<vmem>>
    %dma_wait3A_29 = arith.constant 0 : i32
    %dma_wait3A_30 = tpu.memref_slice %arg3[%dma_wait3A_29] : memref<41601024xf32, #tpu.memory_space<hbm>> -> memref<512xf32, #tpu.memory_space<hbm>>
    tpu.wait_dma2 semaphore(%arg8 : memref<!tpu.dma_semaphore, #tpu.memory_space<semaphore_mem>>) src(%dma_wait3A_30 : memref<512xf32, #tpu.memory_space<hbm>>) dst(%dma_wait3A_28 : memref<512xf32, #tpu.memory_space<vmem>>)
    %dma_wait3A_31 = arith.constant 1 : i32
    %dma_wait3A_32 = arith.constant 2 : i32
    %dma_wait3A_33 = arith.constant 0 : i32
    %dma_wait3A_34 = tpu.memref_slice %arg7[%dma_wait3A_31, %dma_wait3A_32, %dma_wait3A_33] : memref<2x16x512xf32, #tpu.memory_space<vmem>> -> memref<1x1x512xf32, #tpu.memory_space<vmem>>
    %dma_wait3A_35 = tpu.memref_squeeze %dma_wait3A_34 : memref<1x1x512xf32, #tpu.memory_space<vmem>> -> memref<512xf32, #tpu.memory_space<vmem>>
    %dma_wait3A_36 = arith.constant 0 : i32
    %dma_wait3A_37 = tpu.memref_slice %arg3[%dma_wait3A_36] : memref<41601024xf32, #tpu.memory_space<hbm>> -> memref<512xf32, #tpu.memory_space<hbm>>
    %dma_wait3A_38 = arith.constant 0 : i32
    %dma_wait3A_39 = tpu.memref_slice %arg7[%dma_wait3A_31, %dma_wait3A_32, %dma_wait3A_38] : memref<2x16x512xf32, #tpu.memory_space<vmem>> -> memref<1x1x512xf32, #tpu.memory_space<vmem>>
    %dma_wait3A_40 = tpu.memref_squeeze %dma_wait3A_39 : memref<1x1x512xf32, #tpu.memory_space<vmem>> -> memref<512xf32, #tpu.memory_space<vmem>>
    %dma_wait3A_41 = arith.constant 0 : i32
    %dma_wait3A_42 = tpu.memref_slice %arg3[%dma_wait3A_41] : memref<41601024xf32, #tpu.memory_space<hbm>> -> memref<512xf32, #tpu.memory_space<hbm>>
    tpu.wait_dma2 semaphore(%arg8 : memref<!tpu.dma_semaphore, #tpu.memory_space<semaphore_mem>>) src(%dma_wait3A_42 : memref<512xf32, #tpu.memory_space<hbm>>) dst(%dma_wait3A_40 : memref<512xf32, #tpu.memory_space<vmem>>)
    %dma_wait3A_43 = arith.constant 1 : i32
    %dma_wait3A_44 = arith.constant 3 : i32
    %dma_wait3A_45 = arith.constant 0 : i32
    %dma_wait3A_46 = tpu.memref_slice %arg7[%dma_wait3A_43, %dma_wait3A_44, %dma_wait3A_45] : memref<2x16x512xf32, #tpu.memory_space<vmem>> -> memref<1x1x512xf32, #tpu.memory_space<vmem>>
    %dma_wait3A_47 = tpu.memref_squeeze %dma_wait3A_46 : memref<1x1x512xf32, #tpu.memory_space<vmem>> -> memref<512xf32, #tpu.memory_space<vmem>>
    %dma_wait3A_48 = arith.constant 0 : i32
    %dma_wait3A_49 = tpu.memref_slice %arg3[%dma_wait3A_48] : memref<41601024xf32, #tpu.memory_space<hbm>> -> memref<512xf32, #tpu.memory_space<hbm>>
    %dma_wait3A_50 = arith.constant 0 : i32
    %dma_wait3A_51 = tpu.memref_slice %arg7[%dma_wait3A_43, %dma_wait3A_44, %dma_wait3A_50] : memref<2x16x512xf32, #tpu.memory_space<vmem>> -> memref<1x1x512xf32, #tpu.memory_space<vmem>>
    %dma_wait3A_52 = tpu.memref_squeeze %dma_wait3A_51 : memref<1x1x512xf32, #tpu.memory_space<vmem>> -> memref<512xf32, #tpu.memory_space<vmem>>
    %dma_wait3A_53 = arith.constant 0 : i32
    %dma_wait3A_54 = tpu.memref_slice %arg3[%dma_wait3A_53] : memref<41601024xf32, #tpu.memory_space<hbm>> -> memref<512xf32, #tpu.memory_space<hbm>>
    tpu.wait_dma2 semaphore(%arg8 : memref<!tpu.dma_semaphore, #tpu.memory_space<semaphore_mem>>) src(%dma_wait3A_54 : memref<512xf32, #tpu.memory_space<hbm>>) dst(%dma_wait3A_52 : memref<512xf32, #tpu.memory_space<vmem>>)
    %dma_wait3A_55 = arith.constant 1 : i32
    %dma_wait3A_56 = arith.constant 4 : i32
    %dma_wait3A_57 = arith.constant 0 : i32
    %dma_wait3A_58 = tpu.memref_slice %arg7[%dma_wait3A_55, %dma_wait3A_56, %dma_wait3A_57] : memref<2x16x512xf32, #tpu.memory_space<vmem>> -> memref<1x1x512xf32, #tpu.memory_space<vmem>>
    %dma_wait3A_59 = tpu.memref_squeeze %dma_wait3A_58 : memref<1x1x512xf32, #tpu.memory_space<vmem>> -> memref<512xf32, #tpu.memory_space<vmem>>
    %dma_wait3A_60 = arith.constant 0 : i32
    %dma_wait3A_61 = tpu.memref_slice %arg3[%dma_wait3A_60] : memref<41601024xf32, #tpu.memory_space<hbm>> -> memref<512xf32, #tpu.memory_space<hbm>>
    %dma_wait3A_62 = arith.constant 0 : i32
    %dma_wait3A_63 = tpu.memref_slice %arg7[%dma_wait3A_55, %dma_wait3A_56, %dma_wait3A_62] : memref<2x16x512xf32, #tpu.memory_space<vmem>> -> memref<1x1x512xf32, #tpu.memory_space<vmem>>
    %dma_wait3A_64 = tpu.memref_squeeze %dma_wait3A_63 : memref<1x1x512xf32, #tpu.memory_space<vmem>> -> memref<512xf32, #tpu.memory_space<vmem>>
    %dma_wait3A_65 = arith.constant 0 : i32
    %dma_wait3A_66 = tpu.memref_slice %arg3[%dma_wait3A_65] : memref<41601024xf32, #tpu.memory_space<hbm>> -> memref<512xf32, #tpu.memory_space<hbm>>
    tpu.wait_dma2 semaphore(%arg8 : memref<!tpu.dma_semaphore, #tpu.memory_space<semaphore_mem>>) src(%dma_wait3A_66 : memref<512xf32, #tpu.memory_space<hbm>>) dst(%dma_wait3A_64 : memref<512xf32, #tpu.memory_space<vmem>>)
    %dma_wait3A_67 = arith.constant 1 : i32
    %dma_wait3A_68 = arith.constant 5 : i32
    %dma_wait3A_69 = arith.constant 0 : i32
    %dma_wait3A_70 = tpu.memref_slice %arg7[%dma_wait3A_67, %dma_wait3A_68, %dma_wait3A_69] : memref<2x16x512xf32, #tpu.memory_space<vmem>> -> memref<1x1x512xf32, #tpu.memory_space<vmem>>
    %dma_wait3A_71 = tpu.memref_squeeze %dma_wait3A_70 : memref<1x1x512xf32, #tpu.memory_space<vmem>> -> memref<512xf32, #tpu.memory_space<vmem>>
    %dma_wait3A_72 = arith.constant 0 : i32
    %dma_wait3A_73 = tpu.memref_slice %arg3[%dma_wait3A_72] : memref<41601024xf32, #tpu.memory_space<hbm>> -> memref<512xf32, #tpu.memory_space<hbm>>
    %dma_wait3A_74 = arith.constant 0 : i32
    %dma_wait3A_75 = tpu.memref_slice %arg7[%dma_wait3A_67, %dma_wait3A_68, %dma_wait3A_74] : memref<2x16x512xf32, #tpu.memory_space<vmem>> -> memref<1x1x512xf32, #tpu.memory_space<vmem>>
    %dma_wait3A_76 = tpu.memref_squeeze %dma_wait3A_75 : memref<1x1x512xf32, #tpu.memory_space<vmem>> -> memref<512xf32, #tpu.memory_space<vmem>>
    %dma_wait3A_77 = arith.constant 0 : i32
    %dma_wait3A_78 = tpu.memref_slice %arg3[%dma_wait3A_77] : memref<41601024xf32, #tpu.memory_space<hbm>> -> memref<512xf32, #tpu.memory_space<hbm>>
    tpu.wait_dma2 semaphore(%arg8 : memref<!tpu.dma_semaphore, #tpu.memory_space<semaphore_mem>>) src(%dma_wait3A_78 : memref<512xf32, #tpu.memory_space<hbm>>) dst(%dma_wait3A_76 : memref<512xf32, #tpu.memory_space<vmem>>)
    %dma_wait3A_79 = arith.constant 1 : i32
    %dma_wait3A_80 = arith.constant 6 : i32
    %dma_wait3A_81 = arith.constant 0 : i32
    %dma_wait3A_82 = tpu.memref_slice %arg7[%dma_wait3A_79, %dma_wait3A_80, %dma_wait3A_81] : memref<2x16x512xf32, #tpu.memory_space<vmem>> -> memref<1x1x512xf32, #tpu.memory_space<vmem>>
    %dma_wait3A_83 = tpu.memref_squeeze %dma_wait3A_82 : memref<1x1x512xf32, #tpu.memory_space<vmem>> -> memref<512xf32, #tpu.memory_space<vmem>>
    %dma_wait3A_84 = arith.constant 0 : i32
    %dma_wait3A_85 = tpu.memref_slice %arg3[%dma_wait3A_84] : memref<41601024xf32, #tpu.memory_space<hbm>> -> memref<512xf32, #tpu.memory_space<hbm>>
    %dma_wait3A_86 = arith.constant 0 : i32
    %dma_wait3A_87 = tpu.memref_slice %arg7[%dma_wait3A_79, %dma_wait3A_80, %dma_wait3A_86] : memref<2x16x512xf32, #tpu.memory_space<vmem>> -> memref<1x1x512xf32, #tpu.memory_space<vmem>>
    %dma_wait3A_88 = tpu.memref_squeeze %dma_wait3A_87 : memref<1x1x512xf32, #tpu.memory_space<vmem>> -> memref<512xf32, #tpu.memory_space<vmem>>
    %dma_wait3A_89 = arith.constant 0 : i32
    %dma_wait3A_90 = tpu.memref_slice %arg3[%dma_wait3A_89] : memref<41601024xf32, #tpu.memory_space<hbm>> -> memref<512xf32, #tpu.memory_space<hbm>>
    tpu.wait_dma2 semaphore(%arg8 : memref<!tpu.dma_semaphore, #tpu.memory_space<semaphore_mem>>) src(%dma_wait3A_90 : memref<512xf32, #tpu.memory_space<hbm>>) dst(%dma_wait3A_88 : memref<512xf32, #tpu.memory_space<vmem>>)
    %dma_wait3A_91 = arith.constant 1 : i32
    %dma_wait3A_92 = arith.constant 7 : i32
    %dma_wait3A_93 = arith.constant 0 : i32
    %dma_wait3A_94 = tpu.memref_slice %arg7[%dma_wait3A_91, %dma_wait3A_92, %dma_wait3A_93] : memref<2x16x512xf32, #tpu.memory_space<vmem>> -> memref<1x1x512xf32, #tpu.memory_space<vmem>>
    %dma_wait3A_95 = tpu.memref_squeeze %dma_wait3A_94 : memref<1x1x512xf32, #tpu.memory_space<vmem>> -> memref<512xf32, #tpu.memory_space<vmem>>
    %dma_wait3A_96 = arith.constant 0 : i32
    %dma_wait3A_97 = tpu.memref_slice %arg3[%dma_wait3A_96] : memref<41601024xf32, #tpu.memory_space<hbm>> -> memref<512xf32, #tpu.memory_space<hbm>>
    %dma_wait3A_98 = arith.constant 0 : i32
    %dma_wait3A_99 = tpu.memref_slice %arg7[%dma_wait3A_91, %dma_wait3A_92, %dma_wait3A_98] : memref<2x16x512xf32, #tpu.memory_space<vmem>> -> memref<1x1x512xf32, #tpu.memory_space<vmem>>
    %dma_wait3A_100 = tpu.memref_squeeze %dma_wait3A_99 : memref<1x1x512xf32, #tpu.memory_space<vmem>> -> memref<512xf32, #tpu.memory_space<vmem>>
    %dma_wait3A_101 = arith.constant 0 : i32
    %dma_wait3A_102 = tpu.memref_slice %arg3[%dma_wait3A_101] : memref<41601024xf32, #tpu.memory_space<hbm>> -> memref<512xf32, #tpu.memory_space<hbm>>
    tpu.wait_dma2 semaphore(%arg8 : memref<!tpu.dma_semaphore, #tpu.memory_space<semaphore_mem>>) src(%dma_wait3A_102 : memref<512xf32, #tpu.memory_space<hbm>>) dst(%dma_wait3A_100 : memref<512xf32, #tpu.memory_space<vmem>>)
    %dma_wait3A_103 = arith.constant 1 : i32
    %dma_wait3A_104 = arith.constant 8 : i32
    %dma_wait3A_105 = arith.constant 0 : i32
    %dma_wait3A_106 = tpu.memref_slice %arg7[%dma_wait3A_103, %dma_wait3A_104, %dma_wait3A_105] : memref<2x16x512xf32, #tpu.memory_space<vmem>> -> memref<1x1x512xf32, #tpu.memory_space<vmem>>
    %dma_wait3A_107 = tpu.memref_squeeze %dma_wait3A_106 : memref<1x1x512xf32, #tpu.memory_space<vmem>> -> memref<512xf32, #tpu.memory_space<vmem>>
    %dma_wait3A_108 = arith.constant 0 : i32
    %dma_wait3A_109 = tpu.memref_slice %arg3[%dma_wait3A_108] : memref<41601024xf32, #tpu.memory_space<hbm>> -> memref<512xf32, #tpu.memory_space<hbm>>
    %dma_wait3A_110 = arith.constant 0 : i32
    %dma_wait3A_111 = tpu.memref_slice %arg7[%dma_wait3A_103, %dma_wait3A_104, %dma_wait3A_110] : memref<2x16x512xf32, #tpu.memory_space<vmem>> -> memref<1x1x512xf32, #tpu.memory_space<vmem>>
    %dma_wait3A_112 = tpu.memref_squeeze %dma_wait3A_111 : memref<1x1x512xf32, #tpu.memory_space<vmem>> -> memref<512xf32, #tpu.memory_space<vmem>>
    %dma_wait3A_113 = arith.constant 0 : i32
    %dma_wait3A_114 = tpu.memref_slice %arg3[%dma_wait3A_113] : memref<41601024xf32, #tpu.memory_space<hbm>> -> memref<512xf32, #tpu.memory_space<hbm>>
    tpu.wait_dma2 semaphore(%arg8 : memref<!tpu.dma_semaphore, #tpu.memory_space<semaphore_mem>>) src(%dma_wait3A_114 : memref<512xf32, #tpu.memory_space<hbm>>) dst(%dma_wait3A_112 : memref<512xf32, #tpu.memory_space<vmem>>)
    %dma_wait3A_115 = arith.constant 1 : i32
    %dma_wait3A_116 = arith.constant 9 : i32
    %dma_wait3A_117 = arith.constant 0 : i32
    %dma_wait3A_118 = tpu.memref_slice %arg7[%dma_wait3A_115, %dma_wait3A_116, %dma_wait3A_117] : memref<2x16x512xf32, #tpu.memory_space<vmem>> -> memref<1x1x512xf32, #tpu.memory_space<vmem>>
    %dma_wait3A_119 = tpu.memref_squeeze %dma_wait3A_118 : memref<1x1x512xf32, #tpu.memory_space<vmem>> -> memref<512xf32, #tpu.memory_space<vmem>>
    %dma_wait3A_120 = arith.constant 0 : i32
    %dma_wait3A_121 = tpu.memref_slice %arg3[%dma_wait3A_120] : memref<41601024xf32, #tpu.memory_space<hbm>> -> memref<512xf32, #tpu.memory_space<hbm>>
    %dma_wait3A_122 = arith.constant 0 : i32
    %dma_wait3A_123 = tpu.memref_slice %arg7[%dma_wait3A_115, %dma_wait3A_116, %dma_wait3A_122] : memref<2x16x512xf32, #tpu.memory_space<vmem>> -> memref<1x1x512xf32, #tpu.memory_space<vmem>>
    %dma_wait3A_124 = tpu.memref_squeeze %dma_wait3A_123 : memref<1x1x512xf32, #tpu.memory_space<vmem>> -> memref<512xf32, #tpu.memory_space<vmem>>
    %dma_wait3A_125 = arith.constant 0 : i32
    %dma_wait3A_126 = tpu.memref_slice %arg3[%dma_wait3A_125] : memref<41601024xf32, #tpu.memory_space<hbm>> -> memref<512xf32, #tpu.memory_space<hbm>>
    tpu.wait_dma2 semaphore(%arg8 : memref<!tpu.dma_semaphore, #tpu.memory_space<semaphore_mem>>) src(%dma_wait3A_126 : memref<512xf32, #tpu.memory_space<hbm>>) dst(%dma_wait3A_124 : memref<512xf32, #tpu.memory_space<vmem>>)
    %dma_wait3A_127 = arith.constant 1 : i32
    %dma_wait3A_128 = arith.constant 10 : i32
    %dma_wait3A_129 = arith.constant 0 : i32
    %dma_wait3A_130 = tpu.memref_slice %arg7[%dma_wait3A_127, %dma_wait3A_128, %dma_wait3A_129] : memref<2x16x512xf32, #tpu.memory_space<vmem>> -> memref<1x1x512xf32, #tpu.memory_space<vmem>>
    %dma_wait3A_131 = tpu.memref_squeeze %dma_wait3A_130 : memref<1x1x512xf32, #tpu.memory_space<vmem>> -> memref<512xf32, #tpu.memory_space<vmem>>
    %dma_wait3A_132 = arith.constant 0 : i32
    %dma_wait3A_133 = tpu.memref_slice %arg3[%dma_wait3A_132] : memref<41601024xf32, #tpu.memory_space<hbm>> -> memref<512xf32, #tpu.memory_space<hbm>>
    %dma_wait3A_134 = arith.constant 0 : i32
    %dma_wait3A_135 = tpu.memref_slice %arg7[%dma_wait3A_127, %dma_wait3A_128, %dma_wait3A_134] : memref<2x16x512xf32, #tpu.memory_space<vmem>> -> memref<1x1x512xf32, #tpu.memory_space<vmem>>
    %dma_wait3A_136 = tpu.memref_squeeze %dma_wait3A_135 : memref<1x1x512xf32, #tpu.memory_space<vmem>> -> memref<512xf32, #tpu.memory_space<vmem>>
    %dma_wait3A_137 = arith.constant 0 : i32
    %dma_wait3A_138 = tpu.memref_slice %arg3[%dma_wait3A_137] : memref<41601024xf32, #tpu.memory_space<hbm>> -> memref<512xf32, #tpu.memory_space<hbm>>
    tpu.wait_dma2 semaphore(%arg8 : memref<!tpu.dma_semaphore, #tpu.memory_space<semaphore_mem>>) src(%dma_wait3A_138 : memref<512xf32, #tpu.memory_space<hbm>>) dst(%dma_wait3A_136 : memref<512xf32, #tpu.memory_space<vmem>>)
    %dma_wait3A_139 = arith.constant 1 : i32
    %dma_wait3A_140 = arith.constant 11 : i32
    %dma_wait3A_141 = arith.constant 0 : i32
    %dma_wait3A_142 = tpu.memref_slice %arg7[%dma_wait3A_139, %dma_wait3A_140, %dma_wait3A_141] : memref<2x16x512xf32, #tpu.memory_space<vmem>> -> memref<1x1x512xf32, #tpu.memory_space<vmem>>
    %dma_wait3A_143 = tpu.memref_squeeze %dma_wait3A_142 : memref<1x1x512xf32, #tpu.memory_space<vmem>> -> memref<512xf32, #tpu.memory_space<vmem>>
    %dma_wait3A_144 = arith.constant 0 : i32
    %dma_wait3A_145 = tpu.memref_slice %arg3[%dma_wait3A_144] : memref<41601024xf32, #tpu.memory_space<hbm>> -> memref<512xf32, #tpu.memory_space<hbm>>
    %dma_wait3A_146 = arith.constant 0 : i32
    %dma_wait3A_147 = tpu.memref_slice %arg7[%dma_wait3A_139, %dma_wait3A_140, %dma_wait3A_146] : memref<2x16x512xf32, #tpu.memory_space<vmem>> -> memref<1x1x512xf32, #tpu.memory_space<vmem>>
    %dma_wait3A_148 = tpu.memref_squeeze %dma_wait3A_147 : memref<1x1x512xf32, #tpu.memory_space<vmem>> -> memref<512xf32, #tpu.memory_space<vmem>>
    %dma_wait3A_149 = arith.constant 0 : i32
    %dma_wait3A_150 = tpu.memref_slice %arg3[%dma_wait3A_149] : memref<41601024xf32, #tpu.memory_space<hbm>> -> memref<512xf32, #tpu.memory_space<hbm>>
    tpu.wait_dma2 semaphore(%arg8 : memref<!tpu.dma_semaphore, #tpu.memory_space<semaphore_mem>>) src(%dma_wait3A_150 : memref<512xf32, #tpu.memory_space<hbm>>) dst(%dma_wait3A_148 : memref<512xf32, #tpu.memory_space<vmem>>)
    %dma_wait3A_151 = arith.constant 1 : i32
    %dma_wait3A_152 = arith.constant 12 : i32
    %dma_wait3A_153 = arith.constant 0 : i32
    %dma_wait3A_154 = tpu.memref_slice %arg7[%dma_wait3A_151, %dma_wait3A_152, %dma_wait3A_153] : memref<2x16x512xf32, #tpu.memory_space<vmem>> -> memref<1x1x512xf32, #tpu.memory_space<vmem>>
    %dma_wait3A_155 = tpu.memref_squeeze %dma_wait3A_154 : memref<1x1x512xf32, #tpu.memory_space<vmem>> -> memref<512xf32, #tpu.memory_space<vmem>>
    %dma_wait3A_156 = arith.constant 0 : i32
    %dma_wait3A_157 = tpu.memref_slice %arg3[%dma_wait3A_156] : memref<41601024xf32, #tpu.memory_space<hbm>> -> memref<512xf32, #tpu.memory_space<hbm>>
    %dma_wait3A_158 = arith.constant 0 : i32
    %dma_wait3A_159 = tpu.memref_slice %arg7[%dma_wait3A_151, %dma_wait3A_152, %dma_wait3A_158] : memref<2x16x512xf32, #tpu.memory_space<vmem>> -> memref<1x1x512xf32, #tpu.memory_space<vmem>>
    %dma_wait3A_160 = tpu.memref_squeeze %dma_wait3A_159 : memref<1x1x512xf32, #tpu.memory_space<vmem>> -> memref<512xf32, #tpu.memory_space<vmem>>
    %dma_wait3A_161 = arith.constant 0 : i32
    %dma_wait3A_162 = tpu.memref_slice %arg3[%dma_wait3A_161] : memref<41601024xf32, #tpu.memory_space<hbm>> -> memref<512xf32, #tpu.memory_space<hbm>>
    tpu.wait_dma2 semaphore(%arg8 : memref<!tpu.dma_semaphore, #tpu.memory_space<semaphore_mem>>) src(%dma_wait3A_162 : memref<512xf32, #tpu.memory_space<hbm>>) dst(%dma_wait3A_160 : memref<512xf32, #tpu.memory_space<vmem>>)
    %dma_wait3A_163 = arith.constant 1 : i32
    %dma_wait3A_164 = arith.constant 13 : i32
    %dma_wait3A_165 = arith.constant 0 : i32
    %dma_wait3A_166 = tpu.memref_slice %arg7[%dma_wait3A_163, %dma_wait3A_164, %dma_wait3A_165] : memref<2x16x512xf32, #tpu.memory_space<vmem>> -> memref<1x1x512xf32, #tpu.memory_space<vmem>>
    %dma_wait3A_167 = tpu.memref_squeeze %dma_wait3A_166 : memref<1x1x512xf32, #tpu.memory_space<vmem>> -> memref<512xf32, #tpu.memory_space<vmem>>
    %dma_wait3A_168 = arith.constant 0 : i32
    %dma_wait3A_169 = tpu.memref_slice %arg3[%dma_wait3A_168] : memref<41601024xf32, #tpu.memory_space<hbm>> -> memref<512xf32, #tpu.memory_space<hbm>>
    %dma_wait3A_170 = arith.constant 0 : i32
    %dma_wait3A_171 = tpu.memref_slice %arg7[%dma_wait3A_163, %dma_wait3A_164, %dma_wait3A_170] : memref<2x16x512xf32, #tpu.memory_space<vmem>> -> memref<1x1x512xf32, #tpu.memory_space<vmem>>
    %dma_wait3A_172 = tpu.memref_squeeze %dma_wait3A_171 : memref<1x1x512xf32, #tpu.memory_space<vmem>> -> memref<512xf32, #tpu.memory_space<vmem>>
    %dma_wait3A_173 = arith.constant 0 : i32
    %dma_wait3A_174 = tpu.memref_slice %arg3[%dma_wait3A_173] : memref<41601024xf32, #tpu.memory_space<hbm>> -> memref<512xf32, #tpu.memory_space<hbm>>
    tpu.wait_dma2 semaphore(%arg8 : memref<!tpu.dma_semaphore, #tpu.memory_space<semaphore_mem>>) src(%dma_wait3A_174 : memref<512xf32, #tpu.memory_space<hbm>>) dst(%dma_wait3A_172 : memref<512xf32, #tpu.memory_space<vmem>>)
    %dma_wait3A_175 = arith.constant 1 : i32
    %dma_wait3A_176 = arith.constant 14 : i32
    %dma_wait3A_177 = arith.constant 0 : i32
    %dma_wait3A_178 = tpu.memref_slice %arg7[%dma_wait3A_175, %dma_wait3A_176, %dma_wait3A_177] : memref<2x16x512xf32, #tpu.memory_space<vmem>> -> memref<1x1x512xf32, #tpu.memory_space<vmem>>
    %dma_wait3A_179 = tpu.memref_squeeze %dma_wait3A_178 : memref<1x1x512xf32, #tpu.memory_space<vmem>> -> memref<512xf32, #tpu.memory_space<vmem>>
    %dma_wait3A_180 = arith.constant 0 : i32
    %dma_wait3A_181 = tpu.memref_slice %arg3[%dma_wait3A_180] : memref<41601024xf32, #tpu.memory_space<hbm>> -> memref<512xf32, #tpu.memory_space<hbm>>
    %dma_wait3A_182 = arith.constant 0 : i32
    %dma_wait3A_183 = tpu.memref_slice %arg7[%dma_wait3A_175, %dma_wait3A_176, %dma_wait3A_182] : memref<2x16x512xf32, #tpu.memory_space<vmem>> -> memref<1x1x512xf32, #tpu.memory_space<vmem>>
    %dma_wait3A_184 = tpu.memref_squeeze %dma_wait3A_183 : memref<1x1x512xf32, #tpu.memory_space<vmem>> -> memref<512xf32, #tpu.memory_space<vmem>>
    %dma_wait3A_185 = arith.constant 0 : i32
    %dma_wait3A_186 = tpu.memref_slice %arg3[%dma_wait3A_185] : memref<41601024xf32, #tpu.memory_space<hbm>> -> memref<512xf32, #tpu.memory_space<hbm>>
    tpu.wait_dma2 semaphore(%arg8 : memref<!tpu.dma_semaphore, #tpu.memory_space<semaphore_mem>>) src(%dma_wait3A_186 : memref<512xf32, #tpu.memory_space<hbm>>) dst(%dma_wait3A_184 : memref<512xf32, #tpu.memory_space<vmem>>)
    %dma_wait3A_187 = arith.constant 1 : i32
    %dma_wait3A_188 = arith.constant 15 : i32
    %dma_wait3A_189 = arith.constant 0 : i32
    %dma_wait3A_190 = tpu.memref_slice %arg7[%dma_wait3A_187, %dma_wait3A_188, %dma_wait3A_189] : memref<2x16x512xf32, #tpu.memory_space<vmem>> -> memref<1x1x512xf32, #tpu.memory_space<vmem>>
    %dma_wait3A_191 = tpu.memref_squeeze %dma_wait3A_190 : memref<1x1x512xf32, #tpu.memory_space<vmem>> -> memref<512xf32, #tpu.memory_space<vmem>>
    %dma_wait3A_192 = arith.constant 0 : i32
    %dma_wait3A_193 = tpu.memref_slice %arg3[%dma_wait3A_192] : memref<41601024xf32, #tpu.memory_space<hbm>> -> memref<512xf32, #tpu.memory_space<hbm>>
    %dma_wait3A_194 = arith.constant 0 : i32
    %dma_wait3A_195 = tpu.memref_slice %arg7[%dma_wait3A_187, %dma_wait3A_188, %dma_wait3A_194] : memref<2x16x512xf32, #tpu.memory_space<vmem>> -> memref<1x1x512xf32, #tpu.memory_space<vmem>>
    %dma_wait3A_196 = tpu.memref_squeeze %dma_wait3A_195 : memref<1x1x512xf32, #tpu.memory_space<vmem>> -> memref<512xf32, #tpu.memory_space<vmem>>
    %dma_wait3A_197 = arith.constant 0 : i32
    %dma_wait3A_198 = tpu.memref_slice %arg3[%dma_wait3A_197] : memref<41601024xf32, #tpu.memory_space<hbm>> -> memref<512xf32, #tpu.memory_space<hbm>>
    tpu.wait_dma2 semaphore(%arg8 : memref<!tpu.dma_semaphore, #tpu.memory_space<semaphore_mem>>) src(%dma_wait3A_198 : memref<512xf32, #tpu.memory_space<hbm>>) dst(%dma_wait3A_196 : memref<512xf32, #tpu.memory_space<vmem>>)
    %dma_start3A = arith.constant 1 : i32
    %dma_start3A_199 = arith.constant 25 : i32
    %dma_start3A_200 = arith.constant 0 : i32
    %dma_start3A_201 = arith.constant 0 : i32
    %dma_start3A_202 = tpu.memref_slice %arg7[%dma_start3A, %dma_start3A_200, %dma_start3A_201] : memref<2x16x512xf32, #tpu.memory_space<vmem>> -> memref<1x16x512xf32, #tpu.memory_space<vmem>>
    %dma_start3A_203 = tpu.memref_squeeze %dma_start3A_202 : memref<1x16x512xf32, #tpu.memory_space<vmem>> -> memref<16x512xf32, #tpu.memory_space<vmem>>
    %dma_start3A_204 = arith.constant 0 : i32
    %dma_start3A_205 = tpu.memref_slice %arg4[%dma_start3A_199, %dma_start3A_204, %mul3A_2] : memref<26x16x16384xf32, #tpu.memory_space<hbm>> -> memref<1x16x512xf32, #tpu.memory_space<hbm>>
    %dma_start3A_206 = tpu.memref_squeeze %dma_start3A_205 : memref<1x16x512xf32, #tpu.memory_space<hbm>> -> memref<16x512xf32, #tpu.memory_space<hbm>>
    %dma_start3A_207 = arith.constant 0 : i32
    %dma_start3A_208 = tpu.memref_slice %arg4[%dma_start3A_199, %dma_start3A_207, %mul3A_2] : memref<26x16x16384xf32, #tpu.memory_space<hbm>> -> memref<1x16x512xf32, #tpu.memory_space<hbm>>
    %dma_start3A_209 = tpu.memref_squeeze %dma_start3A_208 : memref<1x16x512xf32, #tpu.memory_space<hbm>> -> memref<16x512xf32, #tpu.memory_space<hbm>>
    %dma_start3A_210 = arith.constant 0 : i32
    %dma_start3A_211 = arith.constant 0 : i32
    %dma_start3A_212 = tpu.memref_slice %arg7[%dma_start3A, %dma_start3A_210, %dma_start3A_211] : memref<2x16x512xf32, #tpu.memory_space<vmem>> -> memref<1x16x512xf32, #tpu.memory_space<vmem>>
    %dma_start3A_213 = tpu.memref_squeeze %dma_start3A_212 : memref<1x16x512xf32, #tpu.memory_space<vmem>> -> memref<16x512xf32, #tpu.memory_space<vmem>>
    tpu.enqueue_dma source(%dma_start3A_213 : memref<16x512xf32, #tpu.memory_space<vmem>>) target(%dma_start3A_209 : memref<16x512xf32, #tpu.memory_space<hbm>>) target_semaphore(%arg9 : memref<!tpu.dma_semaphore, #tpu.memory_space<semaphore_mem>>)
    %dma_wait3A_214 = arith.constant 0 : i32
    %dma_wait3A_215 = arith.constant 0 : i32
    %dma_wait3A_216 = arith.constant 0 : i32
    %dma_wait3A_217 = arith.constant 0 : i32
    %dma_wait3A_218 = tpu.memref_slice %arg7[%dma_wait3A_214, %dma_wait3A_216, %dma_wait3A_217] : memref<2x16x512xf32, #tpu.memory_space<vmem>> -> memref<1x16x512xf32, #tpu.memory_space<vmem>>
    %dma_wait3A_219 = tpu.memref_squeeze %dma_wait3A_218 : memref<1x16x512xf32, #tpu.memory_space<vmem>> -> memref<16x512xf32, #tpu.memory_space<vmem>>
    %dma_wait3A_220 = arith.constant 0 : i32
    %dma_wait3A_221 = tpu.memref_slice %arg4[%dma_wait3A_215, %dma_wait3A_220, %mul3A_2] : memref<26x16x16384xf32, #tpu.memory_space<hbm>> -> memref<1x16x512xf32, #tpu.memory_space<hbm>>
    %dma_wait3A_222 = tpu.memref_squeeze %dma_wait3A_221 : memref<1x16x512xf32, #tpu.memory_space<hbm>> -> memref<16x512xf32, #tpu.memory_space<hbm>>
    %dma_wait3A_223 = arith.constant 0 : i32
    %dma_wait3A_224 = tpu.memref_slice %arg4[%dma_wait3A_215, %dma_wait3A_223, %mul3A_2] : memref<26x16x16384xf32, #tpu.memory_space<hbm>> -> memref<1x16x512xf32, #tpu.memory_space<hbm>>
    %dma_wait3A_225 = tpu.memref_squeeze %dma_wait3A_224 : memref<1x16x512xf32, #tpu.memory_space<hbm>> -> memref<16x512xf32, #tpu.memory_space<hbm>>
    %dma_wait3A_226 = arith.constant 0 : i32
    %dma_wait3A_227 = arith.constant 0 : i32
    %dma_wait3A_228 = tpu.memref_slice %arg7[%dma_wait3A_214, %dma_wait3A_226, %dma_wait3A_227] : memref<2x16x512xf32, #tpu.memory_space<vmem>> -> memref<1x16x512xf32, #tpu.memory_space<vmem>>
    %dma_wait3A_229 = tpu.memref_squeeze %dma_wait3A_228 : memref<1x16x512xf32, #tpu.memory_space<vmem>> -> memref<16x512xf32, #tpu.memory_space<vmem>>
    tpu.wait_dma2 semaphore(%arg9 : memref<!tpu.dma_semaphore, #tpu.memory_space<semaphore_mem>>) src(%dma_wait3A_229 : memref<16x512xf32, #tpu.memory_space<vmem>>) dst(%dma_wait3A_225 : memref<16x512xf32, #tpu.memory_space<hbm>>)
    %dma_wait3A_230 = arith.constant 1 : i32
    %dma_wait3A_231 = arith.constant 0 : i32
    %dma_wait3A_232 = arith.constant 0 : i32
    %dma_wait3A_233 = arith.constant 0 : i32
    %dma_wait3A_234 = tpu.memref_slice %arg7[%dma_wait3A_230, %dma_wait3A_232, %dma_wait3A_233] : memref<2x16x512xf32, #tpu.memory_space<vmem>> -> memref<1x16x512xf32, #tpu.memory_space<vmem>>
    %dma_wait3A_235 = tpu.memref_squeeze %dma_wait3A_234 : memref<1x16x512xf32, #tpu.memory_space<vmem>> -> memref<16x512xf32, #tpu.memory_space<vmem>>
    %dma_wait3A_236 = arith.constant 0 : i32
    %dma_wait3A_237 = tpu.memref_slice %arg4[%dma_wait3A_231, %dma_wait3A_236, %mul3A_2] : memref<26x16x16384xf32, #tpu.memory_space<hbm>> -> memref<1x16x512xf32, #tpu.memory_space<hbm>>
    %dma_wait3A_238 = tpu.memref_squeeze %dma_wait3A_237 : memref<1x16x512xf32, #tpu.memory_space<hbm>> -> memref<16x512xf32, #tpu.memory_space<hbm>>
    %dma_wait3A_239 = arith.constant 0 : i32
    %dma_wait3A_240 = tpu.memref_slice %arg4[%dma_wait3A_231, %dma_wait3A_239, %mul3A_2] : memref<26x16x16384xf32, #tpu.memory_space<hbm>> -> memref<1x16x512xf32, #tpu.memory_space<hbm>>
    %dma_wait3A_241 = tpu.memref_squeeze %dma_wait3A_240 : memref<1x16x512xf32, #tpu.memory_space<hbm>> -> memref<16x512xf32, #tpu.memory_space<hbm>>
    %dma_wait3A_242 = arith.constant 0 : i32
    %dma_wait3A_243 = arith.constant 0 : i32
    %dma_wait3A_244 = tpu.memref_slice %arg7[%dma_wait3A_230, %dma_wait3A_242, %dma_wait3A_243] : memref<2x16x512xf32, #tpu.memory_space<vmem>> -> memref<1x16x512xf32, #tpu.memory_space<vmem>>
    %dma_wait3A_245 = tpu.memref_squeeze %dma_wait3A_244 : memref<1x16x512xf32, #tpu.memory_space<vmem>> -> memref<16x512xf32, #tpu.memory_space<vmem>>
    tpu.wait_dma2 semaphore(%arg9 : memref<!tpu.dma_semaphore, #tpu.memory_space<semaphore_mem>>) src(%dma_wait3A_245 : memref<16x512xf32, #tpu.memory_space<vmem>>) dst(%dma_wait3A_241 : memref<16x512xf32, #tpu.memory_space<hbm>>)
    return
  }
}

</mosaic_0001>

<sc_bundles>
// kernel: kernel.4.cloned.1.call-start
scs
__scs_entry_jumppad:
0x0: {  	(pc) =	sbr.rel $0x88, $3  }
0x1: {  	(tag) =	ssettag $0x0;
	lr =	simm.s32 $0x1  }
0x2: {  	[smem:$0x3F9F] =	sst lr;
	_ =	strace $0xD0000000  }
0x3: {  	_ = 	snop  }
0x4: {  	_ = 	snop  }
0x5: {  	_ = 	snop  }
0x6: {  	_ = 	snop  }
0x7: {  	_ = 	snop  }
__scs_overlays_trampoline_lowered:
0x8: {  	[smem:$0x3FAE] =	sst s0  }
0x9: {  	[smem:$0x3FAF] =	sst s1  }
0xa: {  	[smem:$0x3FB0] =	sst s2  }
0xb: {  	[smem:$0x3FB1] =	sst s3  }
0xc: {  	[smem:$0x3FB2] =	sst s4  }
0xd: {  	[smem:$0x3FB3] =	sst s5  }
0xe: {  	[smem:$0x3FB4] =	sst s6  }
0xf: {  	[smem:$0x3FB5] =	sst s7  }
0x10: {  	[smem:$0x3FB6] =	sst s8  }
0x11: {  	[smem:$0x3FB7] =	sst s9;
	s0 =	simm.s32 @!p0 $0x0  }
0x12: {  	s1 =	sld [smem:$0x3F9D];
	s0 =	simm.s32 @p0 $0x1  }
0x13: {  	[smem:$0x3FB8] =	sst s0;
	s0 =	simm.s32 @!p1 $0x0  }
0x14: {  	s2 =	sld [smem:$0x3F9C];
	s0 =	simm.s32 @p1 $0x1  }
0x15: {  	[smem:$0x3FB9] =	sst s0;
	s0 =	simm.s32 @!p2 $0x0  }
0x16: {  	s3 =	sld [smem:$0x3FDB];
	s0 =	simm.s32 @p2 $0x1  }
0x17: {  	s4 =	simm.s32 $0x1BF5;
	[smem:$0x3FBB] =	sst s0  }
0x18: {  	s0 =	sld [smem:$0x3F9E];
	_ =	swait.ge [sflag:s4], $0x0  }
0x19: {  	s7 =	sld [smem:$0x3F9F]  }
0x1a: {  	s8 =	sadd.s32 $0xFFFFE003, lr  }
0x1b: {  	s9 =	sadd.s32 $0xFFFFFEF7, lr;
	s5 =	simm.s32 $0xFFFFFFFF;
	p2 =	slt.u32 s8, $0xFFFFF086  }
0x1c: {  	p1 =	slt.u32 s9, $0xF7A;
	s5 =	simm.s32 @!p2 $0x0  }
0x1d: {  	s5 =	simm.s32 @p1 $0x1;
	p0 =	seq.s32 s7, s2  }
0x1e: {  	s7 =	smul.u32 @!p0 $0xF7A, s2;
	p2 =	seq.s32 @!p0 s5, $0x0  }
0x1f: {  	s9 =	smul.u32 $0xF7A, s1;
	s8 =	simm.s32 @!p0 $0x1BF5;
	p2 =	por !p2, p0  }
0x20: {  	[sflag:s8] =	ssyncset.s32 @!p0 $0xFFFFF086;
	s6 =	sadd.s32 @!p0 s3, s7;
	s7 =	simm.s32 @!p0 $0x108  }
0x21: {  	s3 =	sadd.s32 s3, s9;
	s6 =	sadd.s32 @!p0 $0x88, s6;
	s7 =	simm.s32 @p2 $0x1082  }
0x22: {  	[simem:s7], [sflag:s8] =	dma.local @!p0 [hbm:s6], $0xF7A  }
0x23: {  	s9 =	sor.u32 $0xD0000000, s2;
	s6 =	simm.s32 $0x108;
	_ =	swait.ge @!p0 [sflag:s8], $0x0  }
0x24: {  	s3 =	sadd.s32 $0x88, s3;
	s6 =	simm.s32 @!p1 $0x1082;
	[sflag:s4] =	ssyncset.s32 $0xFFFFF086  }
0x25: {  	[simem:s6], [sflag:s4] =	dma.local [hbm:s3], $0xF7A  }
0x26: {  	[smem:$0x3F9F] =	sst s1;
	(tag) =	ssettag s2;
	_ =	strace s9  }
0x27: {  	s1 =	sld [smem:$0x3FAF]  }
0x28: {  	s2 =	sld [smem:$0x3FB0]  }
0x29: {  	s4 =	sld [smem:$0x3FB2]  }
0x2a: {  	p0 =	seq.s32 s5, $0x0;
	s5 =	sld [smem:$0x3FB3]  }
0x2b: {  	s6 =	sld [smem:$0x3FB4]  }
0x2c: {  	s7 =	sld [smem:$0x3FB5]  }
0x2d: {  	s3 =	simm.s32 $0x108;
	s8 =	sld [smem:$0x3FB6]  }
0x2e: {  	s3 =	simm.s32 @!p0 $0x1082;
	s9 =	sld [smem:$0x3FB7]  }
0x2f: {  	lr =	sadd.s32 s0, s3;
	s0 =	sld [smem:$0x3FAE]  }
0x30: {  	s3 =	sld [smem:$0x3FB1]  }
0x31: {  	[smem:$0x3FBA] =	sst s10  }
0x32: {  	s10 =	sld [smem:$0x3FB8];
	_ =	sdelay $0x3  }
0x33: {  	p0 =	seq.s32 s10, $0x1;
	s10 =	sld [smem:$0x3FBA];
	_ =	sdelay $0x3  }
0x34: {  	[smem:$0x3FBA] =	sst s10  }
0x35: {  	s10 =	sld [smem:$0x3FB9];
	_ =	sdelay $0x3  }
0x36: {  	p1 =	seq.s32 s10, $0x1;
	s10 =	sld [smem:$0x3FBA];
	_ =	sdelay $0x3  }
0x37: {  	[smem:$0x3FBA] =	sst s10  }
0x38: {  	s10 =	sld [smem:$0x3FBB]  }
0x39: {  	_ = 	snop;
	(pc) =	sbr.ind lr, $3  }
0x3a: {  	_ = 	snop  }
0x3b: {  	_ = 	snop  }
0x3c: {  	p2 =	seq.s32 s10, $0x1;
	s10 =	sld [smem:$0x3FBA]  }
0x3d: {  	_ =	shalt  }
0x3e: {  	_ =	shalt  }
0x3f: {  	_ =	shalt  }
0x40: {  	_ =	shalt  }
0x41: {  	_ =	shalt  }
0x42: {  	_ =	shalt  }
0x43: {  	_ =	shalt  }
0x44: {  	_ =	shalt  }
0x45: {  	_ =	shalt  }
0x46: {  	_ =	shalt  }
0x47: {  	_ =	shalt  }
0x48: {  	_ =	shalt  }
0x49: {  	_ =	shalt  }
0x4a: {  	_ =	shalt  }
0x4b: {  	_ =	shalt  }
0x4c: {  	_ =	shalt  }
0x4d: {  	_ =	shalt  }
0x4e: {  	_ =	shalt  }
0x4f: {  	_ =	shalt  }
0x50: {  	_ =	shalt  }
0x51: {  	_ =	shalt  }
0x52: {  	_ =	shalt  }
0x53: {  	_ =	shalt  }
0x54: {  	_ =	shalt  }
0x55: {  	_ =	shalt  }
0x56: {  	_ =	shalt  }
0x57: {  	_ =	shalt  }
0x58: {  	_ =	shalt  }
0x59: {  	_ =	shalt  }
0x5a: {  	_ =	shalt  }
0x5b: {  	_ =	shalt  }
0x5c: {  	_ =	shalt  }
0x5d: {  	_ =	shalt  }
0x5e: {  	_ =	shalt  }
0x5f: {  	_ =	shalt  }
0x60: {  	_ =	shalt  }
0x61: {  	_ =	shalt  }
0x62: {  	_ =	shalt  }
0x63: {  	_ =	shalt  }
0x64: {  	_ =	shalt  }
0x65: {  	_ =	shalt  }
0x66: {  	_ =	shalt  }
0x67: {  	_ =	shalt  }
0x68: {  	_ =	shalt  }
0x69: {  	_ =	shalt  }
0x6a: {  	_ =	shalt  }
0x6b: {  	_ =	shalt  }
0x6c: {  	_ =	shalt  }
0x6d: {  	_ =	shalt  }
0x6e: {  	_ =	shalt  }
0x6f: {  	_ =	shalt  }
0x70: {  	_ =	shalt  }
0x71: {  	_ =	shalt  }
0x72: {  	_ =	shalt  }
0x73: {  	_ =	shalt  }
0x74: {  	_ =	shalt  }
0x75: {  	_ =	shalt  }
0x76: {  	_ =	shalt  }
0x77: {  	_ =	shalt  }
0x78: {  	_ =	shalt  }
0x79: {  	_ =	shalt  }
0x7a: {  	_ =	shalt  }
0x7b: {  	_ =	shalt  }
0x7c: {  	_ =	shalt  }
0x7d: {  	_ =	shalt  }
0x7e: {  	_ =	shalt  }
0x7f: {  	_ =	shalt  }
0x80: {  	_ =	shalt  }
0x81: {  	_ =	shalt  }
0x82: {  	_ =	shalt  }
0x83: {  	_ =	shalt  }
0x84: {  	_ =	shalt  }
0x85: {  	_ =	shalt  }
0x86: {  	_ =	shalt  }
0x87: {  	_ =	shalt  }
.Lfunc_end0:
.L_simem_size_0:
called_computation_lowered:
.L_overlay_start_0:
0x88: {  	s2 =	sld [smem:$0x3FD9]  }
0x89: {  	s3 =	sld [smem:$0x3FFE];
	_ =	sdelay $0x1  }
0x8a: {  	s1 =	srdreg.scid  }
0x8b: {  	s0 =	sand.u32 $0x1, s1  }
0x8c: {  	s17 =	sshll.u32 s0, $0xA;
	s2 =	sadd.s32 s3, s2  }
0x8d: {  	s2 =	sadd.s32 s2, s17  }
0x8e: {  	[smem:$0x3FC6] =	sst s2  }
0x8f: {  	_ = 	snop  }
0x90: {  	s2 =	sld [smem:$0x3FC8];
	(tm) =	ssettm $0x1  }
0x91: {  	s18 =	sld [smem:$0x3FFB];
	_ =	sdelay $0x3  }
0x92: {  	_ =	strace s18  }
0x93: {  	s3 =	sld [smem:$0x3FFC];
	_ =	sdelay $0x3  }
0x94: {  	_ =	strace s3  }
0x95: {  	s3 =	sld [smem:$0x3FFD];
	_ =	sdelay $0x3  }
0x96: {  	_ =	strace s3  }
0x97: {  	_ =	strace $0x8FFFFFFF  }
0x98: {  	s19 =	sld [smem:$0x3FDB];
	_ =	sdelay $0x1  }
0x99: {  	s4 =	simm.s32 $_scs_section_size  }
0x9a: {  	s5 =	simm.s32 $_size__tile_overlayer_lowered;
	s6 =	simm.s32 $_tile_overlayer_lowered  }
0x9b: {  	s22 =	simm.s32 $0x1BFF;
	s21 =	sshll.u32 s6, $0x1;
	s3 =	sadd.s32 s4, s19  }
0x9c: {  	s7 =	simm.s32 $0x0;
	s20 =	sshll.u32 s5, $0x1;
	s5 =	sadd.s32 s21, s3  }
0x9d: {  	[timem:s7], [sflag:s22] =	dma.local [hbm:s5], s20  }
0x9e: {  	_ =	swait.ge [sflag:s22], s20  }
0x9f: {  	s4 =	ssub.s32 $0x0, s20;
	[sflag:s22] =	ssyncset.done $0x0  }
0xa0: {  	[sflag:s22] =	ssyncadd.s32 s4;
	_ =	sdelay $0x1  }
0xa1: {  	s23 =	simm.s32 $0x1B8B  }
0xa2: {  	_ =	swait.ge [sflag:s23], $0x1  }
0xa3: {  	[sflag:s23] =	ssyncset.done $0x0  }
0xa4: {  	s25 =	simm.s32 $0x1B8E;
	s24 =	sld [smem:$0x3FFE];
	[sflag:s23] =	ssyncadd.s32 $0xFFFFFFFF  }
0xa5: {  	s26 =	simm.s32 $execute0_lowered;
	[smem:$0x3FD2] =	sst s25  }
0xa6: {  	s5 =	sshll.u32 s26, $0x1;
	_ =	strace $0x80000046;
	[dreg:$0x1] =	wrdreg $0xFFFFFFFF  }
0xa7: {  	s28 =	simm.s32 $_size_execute0_lowered;
	s3 =	sadd.s32 s3, s5;
	[dreg:$0x0] =	wrdreg $0x0  }
0xa8: {  	s5 =	sshll.u32 s28, $0x1;
	[dreg:$0x2] =	wrdreg s3  }
0xa9: {  	[dreg:$0x3] =	wrdreg s5  }
0xaa: {  	[dreg:$0x4] =	wrdreg $0xC0  }
0xab: {  	_ =	task [dreg:s7], $0x5FFFF  }
0xac: {  	[dreg:$0x1] =	wrdreg $0xFFFFFFFF  }
0xad: {  	[dreg:$0x0] =	wrdreg $0x60  }
0xae: {  	[dreg:$0x2] =	wrdreg s2  }
0xaf: {  	[dreg:$0x3] =	wrdreg s24  }
0xb0: {  	[dreg:$0x4] =	wrdreg $0x9  }
0xb1: {  	_ =	task.clear_ibuf [dreg:s7], $0x5FFFF;
	_ =	strace $0x90000046  }
0xb2: {  	s29 =	simm.s32 $0x9;
	_ =	strace $0x80000048  }
0xb3: {  	_ =	swait.ge [sflag:s29], $0x1  }
0xb4: {  	[sflag:s29] =	ssyncadd.s32 $0xFFFFFFFF  }
0xb5: {  	_ =	strace $0x90000048  }
0xb6: {  	_ =	sfence  }
0xb7: {  	s30 =	sld [smem:$0x0];
	_ =	sdelay $0x2  }
0xb8: {  	s31 =	sshll.u32 s1, $0xD;
	s1 =	sshrl.u32 s1, $0x2  }
0xb9: {  	s3 =	sand.u32 $0x4000, s31;
	s1 =	sadd.s32 s1, s30  }
0xba: {  	s0 =	sor.u32 s3, s0;
	s1 =	sshll.u32 s1, $0x11  }
0xbb: {  	s0 =	sor.u32 s1, s0  }
0xbc: {  	s0 =	sadd.s32 $0x8F2B, s0  }
0xbd: {  	[sflag:s0] =	ssyncadd.remote.s32 $0x1  }
0xbe: {  	_ =	sfence.sel $0xFFFF  }
0xbf: {  	[dreg:$0x0] =	wrdreg $0xFFFFFFFF;
	(pc) =	sbr.abs _section_cstart, $3  }
0xc0: {  	[dreg:$0x1] =	wrdreg $0xFFFFFFFF  }
0xc1: {  	_ =	task.clear_ibuf [dreg:s7], $0x2FFFF;
	_ =	strace $0x9FFFFFFF  }
0xc2: {  	(tm) =	ssettm $0x7FFFFFFF  }
0xc3: {  	_ =	shalt  }
tec
execute0_lowered:
.L_overlay_start_1:
0x0: {  	(tag) =	ssettag $0x1  }
0x1: {  	s0 =	rddreg [dreg:$0x0];
	s1 =	srdreg.scid  }
0x2: {  	s6 =	stileid.u32;
	s4 =	rddreg [dreg:$0x1]  }
0x3: {  	s2 =	simm.s32 $0x0;
	s18 =	simm.s32 $0x1;
	s19 =	simm.s32 $0x2  }
0x4: {  	s20 =	simm.s32 $0x3;
	s21 =	simm.s32 $0x0;
	s1 =	sand.u32 $0x1, s1  }
0x5: {  	s3 =	sshll.u32 s6, $0x1;
	[smem:$0x7FF] =	sst s2;
	p0 =	sne.s32 s6, $0x0  }
0x6: {  	p1 =	slt.u32 s6, $0x8;
	s3 =	sor.u32 s1, s3;
	_ =	strace $0x80000047  }
0x7: {  	s1 =	ssub.s32 $0x2, s1;
	s8 =	sadd.s32 $0xFFFFFFF0, s3;
	s7 =	smul.u32 $0x13D6400, s3  }
0x8: {  	s28 =	sshrl.u32 s1, $0x1;
	s29 =	sshll.u32 s3, $0xC;
	s5 =	sshll.u32 s8, $0x3  }
0x9: {  	s1 =	ssub.s32 s1, s28;
	s13 =	smul.u32 $0x27AC80, s8;
	s5 =	sand.u32 $0x1FFFFFF8, s5  }
0xa: {  	s7 =	sshrl.u32 s7, $0x3;
	s17 =	smax.u32 s1, $0x1;
	s15 =	sadd.s32 s5, s4  }
0xb: {  	s4 =	sadd.s32 $0xC00, s4;
	s5 =	sadd.s32 s0, s29;
	s9 =	sadd.s32 s0, s7  }
0xc: {  	s16 =	sshrl.u32 s13, $0x3;
	s14 =	sadd.s32 s4, s7;
	s30 =	sadd.s32 $0x27A000, s9  }
.Ltmp0:
0xd: {  	s16 =	sadd.s32 s4, s16;
	s15 =	sadd.s32 $0xA00, s15;
	(pc) =	sbr.rel .LBB2_1-.Ltmp0, $4  }
0xe: {  	s7 =	sadd.s32 $0x4F400, s14;
	s8 =	sadd.s32 $0x9E990, s14;
	s9 =	sadd.s32 $0xEDF20, s14  }
0xf: {  	[dreg:$0x3] =	wrdreg s30;
	s10 =	sadd.s32 $0x13D4B0, s14;
	s11 =	sadd.s32 $0x18CA40, s14  }
0x10: {  	s12 =	sadd.s32 $0x1DBFD0, s14;
	[dreg:$0x4] =	wrdreg s15;
	s31 =	sadd.s32 $0x4F580, s16  }
0x11: {  	s13 =	sadd.s32 $0x22B560, s14;
	s14 =	sadd.s32 $0x27AAF0, s14;
	[dreg:$0x5] =	wrdreg s31  }
.LBB2_37:
0x12: {  	s1 =	simm.s32 @!p1 $0x0;
	s6 =	simm.s32 @!p1 $0x10000;
	s15 =	rddreg [dreg:$0x4]  }
0x13: {  	[tilespmem:s6], [sflag:$0x3] =	stream.linear.gather @!p1 [hbm4b:s15+s1], $0x40, $0x38;
	[tilespmem:$0x10080] =	vst v63  }
0x14: {  	s15 =	simm.s32 @!p1 $0x3  }
0x15: {  	_ =	swait.ge @!p1 [sflag:s15], $0x40  }
0x16: {  	[sflag:s15] =	ssyncset.done @!p1 $0x0  }
0x17: {  	s16 =	rddreg [dreg:$0x5];
	[sflag:s15] =	ssyncadd.s32 @!p1 $0xFFFFFFC0  }
0x18: {  	[hbm4b:s16+s1] =	stream.linear.scatter @!p1 [tilespmem:s6], [sflag:$0x3], $0x40, $0x38;
	[tilespmem:$0x10080] =	vst v63  }
0x19: {  	_ =	swait.ge @!p1 [sflag:s15], $0x40  }
0x1a: {  	[sflag:s15] =	ssyncset.done @!p1 $0x0  }
0x1b: {  	[sflag:s15] =	ssyncadd.s32 @!p1 $0xFFFFFFC0  }
.LBB2_38:
0x1c: {  	s21 =	sadd.s32 $0x1, s21  }
0x1d: {  	p2 =	sne.s32 s21, s17  }
.Ltmp1:
0x1e: {  	_ = 	snop;
	(pc) =	sbr.rel @!p2 .LBB2_39-.Ltmp1, $1  }
0x1f: {  	_ =	sdelay $0x3  }
.LBB2_1:
0x20: {  	[tilespmem:s2], [sflag:$0x1] =	stream.linear.gather [hbm4b:s5+s2], $0x8000, $0x38;
	[tilespmem:$0x10080] =	vst v63  }
0x21: {  	p2 =	por $0x0, $0x0;
	s22 =	simm.s32 $0x0  }
.LBB2_2:
0x22: {  	s1 =	smov.u32 s22;
	s22 =	sadd.s32 $0x1, s22  }
0x23: {  	s6 =	sshll.u32 s22, $0x5  }
0x24: {  	s6 =	sor.u32 s3, s6  }
0x25: {  	s15 =	smulhi.u32 $0x33AF3E2F, s6;
	_ =	sdelay $0x1  }
0x26: {  	s15 =	sshrl.u32 s15, $0x8  }
0x27: {  	s16 =	simm.s32 $0x1;
	s24 =	sshll.u32 s1, $0x5;
	s15 =	smul.u32 $0x4F4, s15  }
0x28: {  	_ =	swait.ge [sflag:s18], $0x8000;
	s25 =	simm.s32 $0x0;
	s24 =	sor.u32 s3, s24  }
0x29: {  	[sflag:s18] =	ssyncset.done $0x0;
	s26 =	smulhi.u32 $0x33AF3E2F, s24;
	s6 =	ssub.s32 s6, s15  }
0x2a: {  	s15 =	simm.s32 $0x13D6400;
	p3 =	sgt.u32 s6, $0x279;
	s23 =	sshll.u32 s6, $0xF  }
0x2b: {  	s15 =	simm.s32 @!p3 $0x0;
	p3 =	slt.u32 s6, $0x27A;
	s6 =	sadd.s32 $0xFEC30000, s23  }
0x2c: {  	s1 =	sxor.u32 $0xFFFFFFFF, s1;
	s6 =	smov.u32 @p3 s23;
	s23 =	sshrl.u32 s26, $0x8  }
0x2d: {  	s16 =	simm.s32 @!p2 $0x0;
	s6 =	sadd.s32 s15, s6;
	s15 =	smul.u32 $0x4F4, s23  }
0x2e: {  	[sflag:s18] =	ssyncadd.s32 $0xFFFF8000;
	s1 =	sshll.u32 s1, $0xF;
	s6 =	sshrl.u32 s6, $0x3  }
0x2f: {  	s1 =	sand.u32 $0x8000, s1;
	s6 =	sadd.s32 s0, s6;
	s26 =	ssub.s32 s24, s15  }
0x30: {  	[tilespmem:s1], [sflag:$0x1] =	stream.linear.gather [hbm4b:s6+s25], $0x8000, $0x38;
	[tilespmem:$0x10080] =	vst v63  }
0x31: {  	s1 =	sshll.u32 s16, $0xF;
	p3 =	sgt.u32 s26, $0x279;
	s15 =	sshll.u32 s26, $0xC  }
0x32: {  	p4 =	slt.u32 s26, $0x27A;
	s16 =	simm.s32 $0x13D6400;
	s6 =	sadd.s32 $0xFFD86000, s15  }
0x33: {  	s23 =	sor.u32 $0x380, s1;
	s16 =	simm.s32 @!p3 $0x0;
	s6 =	smov.u32 @p4 s15  }
0x34: {  	s24 =	sor.u32 $0x300, s1;
	s26 =	sor.u32 $0x280, s1;
	s6 =	sadd.s32 s16, s6  }
0x35: {  	s28 =	sor.u32 $0x200, s1;
	s29 =	sor.u32 $0x180, s1;
	s6 =	sshrl.u32 s6, $0x3  }
0x36: {  	s30 =	sor.u32 $0x100, s1;
	s31 =	sor.u32 $0x80, s1;
	s25 =	sadd.s32 s4, s6  }
0x37: {  	s15 =	sadd.s32 $0x400, s1;
	s6 =	simm.s32 $0x10;
	s16 =	sadd.s32 $0x0, s25  }
.LBB2_3:
0x38: {  	[hbm4b:s16+s2] =	stream.linear.scatter [tilespmem:s1], [sflag:$0x2], $0x80, $0x38;
	[tilespmem:$0x10080] =	vst v63  }
0x39: {  	s16 =	smov.u32 s6;
	s1 =	smov.u32 s15;
	p3 =	sne.s32 s6, $0x1F0  }
.Ltmp2:
0x3a: {  	s6 =	sadd.s32 $0x10, s6;
	(pc) =	sbr.rel @p3 .LBB2_3-.Ltmp2, $2  }
0x3b: {  	_ =	sdelay $0x2  }
0x3c: {  	s15 =	sadd.s32 $0x400, s15;
	s16 =	sadd.s32 s16, s25  }
0x3d: {  	[hbm4b:s16+s2] =	stream.linear.scatter [tilespmem:s1], [sflag:$0x2], $0x80, $0x38;
	[tilespmem:$0x10080] =	vst v63  }
0x3e: {  	s1 =	sadd.s32 $0x4F590, s25  }
0x3f: {  	s6 =	simm.s32 $0x10;
	s15 =	sadd.s32 $0x400, s31;
	s16 =	sadd.s32 $0x0, s1  }
.LBB2_5:
0x40: {  	[hbm4b:s16+s2] =	stream.linear.scatter [tilespmem:s31], [sflag:$0x2], $0x80, $0x38;
	[tilespmem:$0x10080] =	vst v63  }
0x41: {  	s16 =	smov.u32 s6;
	s31 =	smov.u32 s15;
	p3 =	sne.s32 s6, $0x1F0  }
.Ltmp3:
0x42: {  	s6 =	sadd.s32 $0x10, s6;
	(pc) =	sbr.rel @p3 .LBB2_5-.Ltmp3, $2  }
0x43: {  	_ =	sdelay $0x2  }
0x44: {  	s15 =	sadd.s32 $0x400, s15;
	s16 =	sadd.s32 s16, s1  }
0x45: {  	[hbm4b:s16+s2] =	stream.linear.scatter [tilespmem:s31], [sflag:$0x2], $0x80, $0x38;
	[tilespmem:$0x10080] =	vst v63  }
0x46: {  	s1 =	sadd.s32 $0x9EB20, s25  }
0x47: {  	s6 =	simm.s32 $0x10;
	s15 =	sadd.s32 $0x400, s30;
	s16 =	sadd.s32 $0x0, s1  }
.LBB2_7:
0x48: {  	[hbm4b:s16+s2] =	stream.linear.scatter [tilespmem:s30], [sflag:$0x2], $0x80, $0x38;
	[tilespmem:$0x10080] =	vst v63  }
0x49: {  	s16 =	smov.u32 s6;
	s30 =	smov.u32 s15;
	p3 =	sne.s32 s6, $0x1F0  }
.Ltmp4:
0x4a: {  	s6 =	sadd.s32 $0x10, s6;
	(pc) =	sbr.rel @p3 .LBB2_7-.Ltmp4, $2  }
0x4b: {  	_ =	sdelay $0x2  }
0x4c: {  	s15 =	sadd.s32 $0x400, s15;
	s16 =	sadd.s32 s16, s1  }
0x4d: {  	[hbm4b:s16+s2] =	stream.linear.scatter [tilespmem:s30], [sflag:$0x2], $0x80, $0x38;
	[tilespmem:$0x10080] =	vst v63  }
0x4e: {  	s1 =	sadd.s32 $0xEE0B0, s25  }
0x4f: {  	s6 =	simm.s32 $0x10;
	s15 =	sadd.s32 $0x400, s29;
	s16 =	sadd.s32 $0x0, s1  }
.LBB2_9:
0x50: {  	[hbm4b:s16+s2] =	stream.linear.scatter [tilespmem:s29], [sflag:$0x2], $0x80, $0x38;
	[tilespmem:$0x10080] =	vst v63  }
0x51: {  	s16 =	smov.u32 s6;
	s29 =	smov.u32 s15;
	p3 =	sne.s32 s6, $0x1F0  }
.Ltmp5:
0x52: {  	s6 =	sadd.s32 $0x10, s6;
	(pc) =	sbr.rel @p3 .LBB2_9-.Ltmp5, $2  }
0x53: {  	_ =	sdelay $0x2  }
0x54: {  	s15 =	sadd.s32 $0x400, s15;
	s16 =	sadd.s32 s16, s1  }
0x55: {  	[hbm4b:s16+s2] =	stream.linear.scatter [tilespmem:s29], [sflag:$0x2], $0x80, $0x38;
	[tilespmem:$0x10080] =	vst v63  }
0x56: {  	s1 =	sadd.s32 $0x13D640, s25  }
0x57: {  	s6 =	simm.s32 $0x10;
	s15 =	sadd.s32 $0x400, s28;
	s16 =	sadd.s32 $0x0, s1  }
.LBB2_11:
0x58: {  	[hbm4b:s16+s2] =	stream.linear.scatter [tilespmem:s28], [sflag:$0x2], $0x80, $0x38;
	[tilespmem:$0x10080] =	vst v63  }
0x59: {  	s16 =	smov.u32 s6;
	s28 =	smov.u32 s15;
	p3 =	sne.s32 s6, $0x1F0  }
.Ltmp6:
0x5a: {  	s6 =	sadd.s32 $0x10, s6;
	(pc) =	sbr.rel @p3 .LBB2_11-.Ltmp6, $2  }
0x5b: {  	_ =	sdelay $0x2  }
0x5c: {  	s15 =	sadd.s32 $0x400, s15;
	s16 =	sadd.s32 s16, s1  }
0x5d: {  	[hbm4b:s16+s2] =	stream.linear.scatter [tilespmem:s28], [sflag:$0x2], $0x80, $0x38;
	[tilespmem:$0x10080] =	vst v63  }
0x5e: {  	s1 =	sadd.s32 $0x18CBD0, s25  }
0x5f: {  	s6 =	simm.s32 $0x10;
	s15 =	sadd.s32 $0x400, s26;
	s16 =	sadd.s32 $0x0, s1  }
.LBB2_13:
0x60: {  	[hbm4b:s16+s2] =	stream.linear.scatter [tilespmem:s26], [sflag:$0x2], $0x80, $0x38;
	[tilespmem:$0x10080] =	vst v63  }
0x61: {  	s16 =	smov.u32 s6;
	s26 =	smov.u32 s15;
	p3 =	sne.s32 s6, $0x1F0  }
.Ltmp7:
0x62: {  	s6 =	sadd.s32 $0x10, s6;
	(pc) =	sbr.rel @p3 .LBB2_13-.Ltmp7, $2  }
0x63: {  	_ =	sdelay $0x2  }
0x64: {  	s15 =	sadd.s32 $0x400, s15;
	s16 =	sadd.s32 s16, s1  }
0x65: {  	[hbm4b:s16+s2] =	stream.linear.scatter [tilespmem:s26], [sflag:$0x2], $0x80, $0x38;
	[tilespmem:$0x10080] =	vst v63  }
0x66: {  	s1 =	sadd.s32 $0x1DC160, s25  }
0x67: {  	s6 =	simm.s32 $0x10;
	s15 =	sadd.s32 $0x400, s24;
	s16 =	sadd.s32 $0x0, s1  }
.LBB2_15:
0x68: {  	[hbm4b:s16+s2] =	stream.linear.scatter [tilespmem:s24], [sflag:$0x2], $0x80, $0x38;
	[tilespmem:$0x10080] =	vst v63  }
0x69: {  	s16 =	smov.u32 s6;
	s24 =	smov.u32 s15;
	p3 =	sne.s32 s6, $0x1F0  }
.Ltmp8:
0x6a: {  	s6 =	sadd.s32 $0x10, s6;
	(pc) =	sbr.rel @p3 .LBB2_15-.Ltmp8, $2  }
0x6b: {  	_ =	sdelay $0x2  }
0x6c: {  	s15 =	sadd.s32 $0x400, s15;
	s16 =	sadd.s32 s16, s1  }
0x6d: {  	[hbm4b:s16+s2] =	stream.linear.scatter [tilespmem:s24], [sflag:$0x2], $0x80, $0x38;
	[tilespmem:$0x10080] =	vst v63  }
0x6e: {  	s1 =	sadd.s32 $0x22B6F0, s25  }
0x6f: {  	s6 =	simm.s32 $0x10;
	s15 =	sadd.s32 $0x400, s23;
	s16 =	sadd.s32 $0x0, s1  }
.LBB2_17:
0x70: {  	[hbm4b:s16+s2] =	stream.linear.scatter [tilespmem:s23], [sflag:$0x2], $0x80, $0x38;
	[tilespmem:$0x10080] =	vst v63  }
0x71: {  	s16 =	smov.u32 s6;
	s23 =	smov.u32 s15;
	p3 =	sne.s32 s6, $0x1F0  }
.Ltmp9:
0x72: {  	s6 =	sadd.s32 $0x10, s6;
	(pc) =	sbr.rel @p3 .LBB2_17-.Ltmp9, $2  }
0x73: {  	_ =	sdelay $0x2  }
0x74: {  	s15 =	sadd.s32 $0x400, s15;
	s16 =	sadd.s32 s16, s1  }
0x75: {  	[hbm4b:s16+s2] =	stream.linear.scatter [tilespmem:s23], [sflag:$0x2], $0x80, $0x38;
	[tilespmem:$0x10080] =	vst v63  }
0x76: {  	_ =	swait.ge [sflag:s19], $0x1000  }
0x77: {  	[sflag:s19] =	ssyncset.done $0x0  }
0x78: {  	[sflag:s19] =	ssyncadd.s32 $0xFFFFF000  }
0x79: {  	_ =	swait.ge [sflag:s19], $0x1000  }
0x7a: {  	[sflag:s19] =	ssyncset.done $0x0  }
0x7b: {  	[sflag:s19] =	ssyncadd.s32 $0xFFFFF000  }
0x7c: {  	_ =	swait.ge [sflag:s19], $0x1000  }
0x7d: {  	[sflag:s19] =	ssyncset.done $0x0  }
0x7e: {  	[sflag:s19] =	ssyncadd.s32 $0xFFFFF000  }
0x7f: {  	_ =	swait.ge [sflag:s19], $0x1000  }
0x80: {  	[sflag:s19] =	ssyncset.done $0x0  }
0x81: {  	[sflag:s19] =	ssyncadd.s32 $0xFFFFF000  }
0x82: {  	_ =	swait.ge [sflag:s19], $0x1000  }
0x83: {  	[sflag:s19] =	ssyncset.done $0x0  }
0x84: {  	[sflag:s19] =	ssyncadd.s32 $0xFFFFF000  }
0x85: {  	_ =	swait.ge [sflag:s19], $0x1000  }
0x86: {  	[sflag:s19] =	ssyncset.done $0x0  }
0x87: {  	[sflag:s19] =	ssyncadd.s32 $0xFFFFF000  }
0x88: {  	p3 =	sne.s32 s22, $0x28;
	_ =	swait.ge [sflag:s19], $0x1000  }
.Ltmp10:
0x89: {  	[sflag:s19] =	ssyncset.done $0x0;
	(pc) =	sbr.rel @p3 .LBB2_2-.Ltmp10, $4  }
0x8a: {  	[sflag:s19] =	ssyncadd.s32 $0xFFFFF000  }
0x8b: {  	_ =	swait.ge [sflag:s19], $0x1000  }
0x8c: {  	[sflag:s19] =	ssyncset.done $0x0  }
0x8d: {  	p2 =	por !p2, !p2;
	[sflag:s19] =	ssyncadd.s32 $0xFFFFF000  }
.Ltmp11:
0x8e: {  	(pc) =	sbr.rel @p0 .LBB2_37-.Ltmp11, $4  }
0x8f: {  	_ = 	snop  }
0x90: {  	_ =	swait.ge [sflag:s18], $0x8000  }
0x91: {  	[sflag:s18] =	ssyncset.done $0x0  }
0x92: {  	[sflag:s18] =	ssyncadd.s32 $0xFFFF8000  }
0x93: {  	s1 =	simm.s32 $0x0;
	s6 =	rddreg [dreg:$0x3]  }
0x94: {  	[tilespmem:s1], [sflag:$0x3] =	stream.linear.gather [hbm4b:s6+s1], $0x6000, $0x38;
	[tilespmem:$0x10080] =	vst v63  }
0x95: {  	_ =	swait.ge [sflag:s20], $0x6000  }
0x96: {  	s16 =	sadd.s32 $0x0, s7;
	[sflag:s20] =	ssyncset.done $0x0  }
0x97: {  	s15 =	simm.s32 $0x400;
	s6 =	simm.s32 $0x10;
	[sflag:s20] =	ssyncadd.s32 $0xFFFFA000  }
.LBB2_21:
0x98: {  	[hbm4b:s16+s2] =	stream.linear.scatter [tilespmem:s1], [sflag:$0x3], $0x80, $0x38;
	[tilespmem:$0x10080] =	vst v63  }
0x99: {  	s16 =	smov.u32 s6;
	s1 =	smov.u32 s15;
	p2 =	sne.s32 s6, $0x170  }
.Ltmp12:
0x9a: {  	s6 =	sadd.s32 $0x10, s6;
	(pc) =	sbr.rel @p2 .LBB2_21-.Ltmp12, $2  }
0x9b: {  	_ =	sdelay $0x2  }
0x9c: {  	s15 =	sadd.s32 $0x400, s15;
	s16 =	sadd.s32 s16, s7  }
0x9d: {  	[hbm4b:s16+s2] =	stream.linear.scatter [tilespmem:s1], [sflag:$0x3], $0x80, $0x38;
	[tilespmem:$0x10080] =	vst v63  }
0x9e: {  	_ =	swait.ge [sflag:s20], $0xC00  }
0x9f: {  	s1 =	simm.s32 $0x80;
	s6 =	simm.s32 $0x10;
	[sflag:s20] =	ssyncset.done $0x0  }
0xa0: {  	s16 =	sadd.s32 $0x0, s8;
	s15 =	simm.s32 $0x480;
	[sflag:s20] =	ssyncadd.s32 $0xFFFFF400  }
.LBB2_23:
0xa1: {  	[hbm4b:s16+s2] =	stream.linear.scatter [tilespmem:s1], [sflag:$0x3], $0x80, $0x38;
	[tilespmem:$0x10080] =	vst v63  }
0xa2: {  	s16 =	smov.u32 s6;
	s1 =	smov.u32 s15;
	p2 =	sne.s32 s6, $0x170  }
.Ltmp13:
0xa3: {  	s6 =	sadd.s32 $0x10, s6;
	(pc) =	sbr.rel @p2 .LBB2_23-.Ltmp13, $2  }
0xa4: {  	_ =	sdelay $0x2  }
0xa5: {  	s15 =	sadd.s32 $0x400, s15;
	s16 =	sadd.s32 s16, s8  }
0xa6: {  	[hbm4b:s16+s2] =	stream.linear.scatter [tilespmem:s1], [sflag:$0x3], $0x80, $0x38;
	[tilespmem:$0x10080] =	vst v63  }
0xa7: {  	_ =	swait.ge [sflag:s20], $0xC00  }
0xa8: {  	s1 =	simm.s32 $0x100;
	s6 =	simm.s32 $0x10;
	[sflag:s20] =	ssyncset.done $0x0  }
0xa9: {  	s16 =	sadd.s32 $0x0, s9;
	s15 =	simm.s32 $0x500;
	[sflag:s20] =	ssyncadd.s32 $0xFFFFF400  }
.LBB2_25:
0xaa: {  	[hbm4b:s16+s2] =	stream.linear.scatter [tilespmem:s1], [sflag:$0x3], $0x80, $0x38;
	[tilespmem:$0x10080] =	vst v63  }
0xab: {  	s16 =	smov.u32 s6;
	s1 =	smov.u32 s15;
	p2 =	sne.s32 s6, $0x170  }
.Ltmp14:
0xac: {  	s6 =	sadd.s32 $0x10, s6;
	(pc) =	sbr.rel @p2 .LBB2_25-.Ltmp14, $2  }
0xad: {  	_ =	sdelay $0x2  }
0xae: {  	s15 =	sadd.s32 $0x400, s15;
	s16 =	sadd.s32 s16, s9  }
0xaf: {  	[hbm4b:s16+s2] =	stream.linear.scatter [tilespmem:s1], [sflag:$0x3], $0x80, $0x38;
	[tilespmem:$0x10080] =	vst v63  }
0xb0: {  	_ =	swait.ge [sflag:s20], $0xC00  }
0xb1: {  	s1 =	simm.s32 $0x180;
	s6 =	simm.s32 $0x10;
	[sflag:s20] =	ssyncset.done $0x0  }
0xb2: {  	s16 =	sadd.s32 $0x0, s10;
	s15 =	simm.s32 $0x580;
	[sflag:s20] =	ssyncadd.s32 $0xFFFFF400  }
.LBB2_27:
0xb3: {  	[hbm4b:s16+s2] =	stream.linear.scatter [tilespmem:s1], [sflag:$0x3], $0x80, $0x38;
	[tilespmem:$0x10080] =	vst v63  }
0xb4: {  	s16 =	smov.u32 s6;
	s1 =	smov.u32 s15;
	p2 =	sne.s32 s6, $0x170  }
.Ltmp15:
0xb5: {  	s6 =	sadd.s32 $0x10, s6;
	(pc) =	sbr.rel @p2 .LBB2_27-.Ltmp15, $2  }
0xb6: {  	_ =	sdelay $0x2  }
0xb7: {  	s15 =	sadd.s32 $0x400, s15;
	s16 =	sadd.s32 s16, s10  }
0xb8: {  	[hbm4b:s16+s2] =	stream.linear.scatter [tilespmem:s1], [sflag:$0x3], $0x80, $0x38;
	[tilespmem:$0x10080] =	vst v63  }
0xb9: {  	_ =	swait.ge [sflag:s20], $0xC00  }
0xba: {  	s1 =	simm.s32 $0x200;
	s6 =	simm.s32 $0x10;
	[sflag:s20] =	ssyncset.done $0x0  }
0xbb: {  	s16 =	sadd.s32 $0x0, s11;
	s15 =	simm.s32 $0x600;
	[sflag:s20] =	ssyncadd.s32 $0xFFFFF400  }
.LBB2_29:
0xbc: {  	[hbm4b:s16+s2] =	stream.linear.scatter [tilespmem:s1], [sflag:$0x3], $0x80, $0x38;
	[tilespmem:$0x10080] =	vst v63  }
0xbd: {  	s16 =	smov.u32 s6;
	s1 =	smov.u32 s15;
	p2 =	sne.s32 s6, $0x170  }
.Ltmp16:
0xbe: {  	s6 =	sadd.s32 $0x10, s6;
	(pc) =	sbr.rel @p2 .LBB2_29-.Ltmp16, $2  }
0xbf: {  	_ =	sdelay $0x2  }
0xc0: {  	s15 =	sadd.s32 $0x400, s15;
	s16 =	sadd.s32 s16, s11  }
0xc1: {  	[hbm4b:s16+s2] =	stream.linear.scatter [tilespmem:s1], [sflag:$0x3], $0x80, $0x38;
	[tilespmem:$0x10080] =	vst v63  }
0xc2: {  	_ =	swait.ge [sflag:s20], $0xC00  }
0xc3: {  	s1 =	simm.s32 $0x280;
	s6 =	simm.s32 $0x10;
	[sflag:s20] =	ssyncset.done $0x0  }
0xc4: {  	s16 =	sadd.s32 $0x0, s12;
	s15 =	simm.s32 $0x680;
	[sflag:s20] =	ssyncadd.s32 $0xFFFFF400  }
.LBB2_31:
0xc5: {  	[hbm4b:s16+s2] =	stream.linear.scatter [tilespmem:s1], [sflag:$0x3], $0x80, $0x38;
	[tilespmem:$0x10080] =	vst v63  }
0xc6: {  	s16 =	smov.u32 s6;
	s1 =	smov.u32 s15;
	p2 =	sne.s32 s6, $0x170  }
.Ltmp17:
0xc7: {  	s6 =	sadd.s32 $0x10, s6;
	(pc) =	sbr.rel @p2 .LBB2_31-.Ltmp17, $2  }
0xc8: {  	_ =	sdelay $0x2  }
0xc9: {  	s15 =	sadd.s32 $0x400, s15;
	s16 =	sadd.s32 s16, s12  }
0xca: {  	[hbm4b:s16+s2] =	stream.linear.scatter [tilespmem:s1], [sflag:$0x3], $0x80, $0x38;
	[tilespmem:$0x10080] =	vst v63  }
0xcb: {  	_ =	swait.ge [sflag:s20], $0xC00  }
0xcc: {  	s1 =	simm.s32 $0x300;
	s6 =	simm.s32 $0x10;
	[sflag:s20] =	ssyncset.done $0x0  }
0xcd: {  	s16 =	sadd.s32 $0x0, s13;
	s15 =	simm.s32 $0x700;
	[sflag:s20] =	ssyncadd.s32 $0xFFFFF400  }
.LBB2_33:
0xce: {  	[hbm4b:s16+s2] =	stream.linear.scatter [tilespmem:s1], [sflag:$0x3], $0x80, $0x38;
	[tilespmem:$0x10080] =	vst v63  }
0xcf: {  	s16 =	smov.u32 s6;
	s1 =	smov.u32 s15;
	p2 =	sne.s32 s6, $0x170  }
.Ltmp18:
0xd0: {  	s6 =	sadd.s32 $0x10, s6;
	(pc) =	sbr.rel @p2 .LBB2_33-.Ltmp18, $2  }
0xd1: {  	_ =	sdelay $0x2  }
0xd2: {  	s15 =	sadd.s32 $0x400, s15;
	s16 =	sadd.s32 s16, s13  }
0xd3: {  	[hbm4b:s16+s2] =	stream.linear.scatter [tilespmem:s1], [sflag:$0x3], $0x80, $0x38;
	[tilespmem:$0x10080] =	vst v63  }
0xd4: {  	_ =	swait.ge [sflag:s20], $0xC00  }
0xd5: {  	s1 =	simm.s32 $0x380;
	s6 =	simm.s32 $0x10;
	[sflag:s20] =	ssyncset.done $0x0  }
0xd6: {  	s16 =	sadd.s32 $0x0, s14;
	s15 =	simm.s32 $0x780;
	[sflag:s20] =	ssyncadd.s32 $0xFFFFF400  }
.LBB2_35:
0xd7: {  	[hbm4b:s16+s2] =	stream.linear.scatter [tilespmem:s1], [sflag:$0x3], $0x80, $0x38;
	[tilespmem:$0x10080] =	vst v63  }
0xd8: {  	s16 =	smov.u32 s6;
	s1 =	smov.u32 s15;
	p2 =	sne.s32 s6, $0x170  }
.Ltmp19:
0xd9: {  	s6 =	sadd.s32 $0x10, s6;
	(pc) =	sbr.rel @p2 .LBB2_35-.Ltmp19, $2  }
0xda: {  	_ =	sdelay $0x2  }
0xdb: {  	s15 =	sadd.s32 $0x400, s15;
	s16 =	sadd.s32 s16, s14  }
.Ltmp20:
0xdc: {  	(pc) =	sbr.rel .LBB2_38-.Ltmp20, $4  }
0xdd: {  	[hbm4b:s16+s2] =	stream.linear.scatter [tilespmem:s1], [sflag:$0x3], $0x80, $0x38;
	[tilespmem:$0x10080] =	vst v63  }
0xde: {  	_ =	swait.ge [sflag:s20], $0xC00  }
0xdf: {  	[sflag:s20] =	ssyncset.done $0x0  }
0xe0: {  	[sflag:s20] =	ssyncadd.s32 $0xFFFFF400  }
.LBB2_39:
0xe1: {  	_ =	sfence.sel $0x180000  }
0xe2: {  	[bflag:$0x0] =	sbarrier.arrive $0xFFFF  }
0xe3: {  	_ =	strace $0x90000047  }
0xe4: {  	[bflag:$0x2] =	sbarrier.arrive $0xFFFF  }
0xe5: {  	s0 =	rddreg [dreg:$0x2]  }
0xe6: {  	s0 =	sadd.s32 @!p0 $0x100000, s0  }
0xe7: {  	[sflag:s0] =	ssyncadd.tile.s32 @!p0 $0x1;
	_ =	shalt  }
.Lfunc_end2:
_tile_overlayer_lowered:
.L_overlay_start_2:
0xe8: {  	(tag) =	ssettag $0x2  }
0xe9: {  	s0 =	rddreg [dreg:$0x0];
	s2 =	stileid.u32  }
0xea: {  	s1 =	rddreg [dreg:$0x1];
	p0 =	sne.s32 s2, $0x0  }
0xeb: {  	s3 =	rddreg [dreg:$0x2];
	[bflag:$0x3] =	sbarrier.arrive $0xFFFF;
	s2 =	simm.s32 @!p0 $0x1C03  }
0xec: {  	[timem:s3], [sflag:s2] =	dma.local @!p0 [hbm:s0], s1  }
0xed: {  	s0 =	simm.s32 @!p0 $0x3  }
0xee: {  	_ =	swait.ge @!p0 [sflag:s0], s1  }
0xef: {  	s1 =	ssub.s32 @!p0 $0x0, s1;
	[sflag:s0] =	ssyncset.done @!p0 $0x0  }
0xf0: {  	[sflag:s0] =	ssyncadd.s32 @!p0 s1  }
0xf1: {  	[bflag:$0x3] =	sbarrier.arrive $0xFFFF  }
0xf2: {  	_ =	shalt  }

// kernel: kernel.7.cloned.1.call-start
scs
__scs_entry_jumppad:
0x0: {  	(pc) =	sbr.rel $0x88, $3  }
0x1: {  	(tag) =	ssettag $0x0;
	lr =	simm.s32 $0x1  }
0x2: {  	[smem:$0x3F9F] =	sst lr;
	_ =	strace $0xD0000000  }
0x3: {  	_ = 	snop  }
0x4: {  	_ = 	snop  }
0x5: {  	_ = 	snop  }
0x6: {  	_ = 	snop  }
0x7: {  	_ = 	snop  }
__scs_overlays_trampoline_lowered:
0x8: {  	[smem:$0x3FAE] =	sst s0  }
0x9: {  	[smem:$0x3FAF] =	sst s1  }
0xa: {  	[smem:$0x3FB0] =	sst s2  }
0xb: {  	[smem:$0x3FB1] =	sst s3  }
0xc: {  	[smem:$0x3FB2] =	sst s4  }
0xd: {  	[smem:$0x3FB3] =	sst s5  }
0xe: {  	[smem:$0x3FB4] =	sst s6  }
0xf: {  	[smem:$0x3FB5] =	sst s7  }
0x10: {  	[smem:$0x3FB6] =	sst s8  }
0x11: {  	[smem:$0x3FB7] =	sst s9;
	s0 =	simm.s32 @!p0 $0x0  }
0x12: {  	s1 =	sld [smem:$0x3F9D];
	s0 =	simm.s32 @p0 $0x1  }
0x13: {  	[smem:$0x3FB8] =	sst s0;
	s0 =	simm.s32 @!p1 $0x0  }
0x14: {  	s2 =	sld [smem:$0x3F9C];
	s0 =	simm.s32 @p1 $0x1  }
0x15: {  	[smem:$0x3FB9] =	sst s0;
	s0 =	simm.s32 @!p2 $0x0  }
0x16: {  	s3 =	sld [smem:$0x3FDB];
	s0 =	simm.s32 @p2 $0x1  }
0x17: {  	s4 =	simm.s32 $0x1BF5;
	[smem:$0x3FBB] =	sst s0  }
0x18: {  	s0 =	sld [smem:$0x3F9E];
	_ =	swait.ge [sflag:s4], $0x0  }
0x19: {  	s7 =	sld [smem:$0x3F9F]  }
0x1a: {  	s8 =	sadd.s32 $0xFFFFE003, lr  }
0x1b: {  	s9 =	sadd.s32 $0xFFFFFEF7, lr;
	s5 =	simm.s32 $0xFFFFFFFF;
	p2 =	slt.u32 s8, $0xFFFFF086  }
0x1c: {  	p1 =	slt.u32 s9, $0xF7A;
	s5 =	simm.s32 @!p2 $0x0  }
0x1d: {  	s5 =	simm.s32 @p1 $0x1;
	p0 =	seq.s32 s7, s2  }
0x1e: {  	s7 =	smul.u32 @!p0 $0xF7A, s2;
	p2 =	seq.s32 @!p0 s5, $0x0  }
0x1f: {  	s9 =	smul.u32 $0xF7A, s1;
	s8 =	simm.s32 @!p0 $0x1BF5;
	p2 =	por !p2, p0  }
0x20: {  	[sflag:s8] =	ssyncset.s32 @!p0 $0xFFFFF086;
	s6 =	sadd.s32 @!p0 s3, s7;
	s7 =	simm.s32 @!p0 $0x108  }
0x21: {  	s3 =	sadd.s32 s3, s9;
	s6 =	sadd.s32 @!p0 $0x88, s6;
	s7 =	simm.s32 @p2 $0x1082  }
0x22: {  	[simem:s7], [sflag:s8] =	dma.local @!p0 [hbm:s6], $0xF7A  }
0x23: {  	s9 =	sor.u32 $0xD0000000, s2;
	s6 =	simm.s32 $0x108;
	_ =	swait.ge @!p0 [sflag:s8], $0x0  }
0x24: {  	s3 =	sadd.s32 $0x88, s3;
	s6 =	simm.s32 @!p1 $0x1082;
	[sflag:s4] =	ssyncset.s32 $0xFFFFF086  }
0x25: {  	[simem:s6], [sflag:s4] =	dma.local [hbm:s3], $0xF7A  }
0x26: {  	[smem:$0x3F9F] =	sst s1;
	(tag) =	ssettag s2;
	_ =	strace s9  }
0x27: {  	s1 =	sld [smem:$0x3FAF]  }
0x28: {  	s2 =	sld [smem:$0x3FB0]  }
0x29: {  	s4 =	sld [smem:$0x3FB2]  }
0x2a: {  	p0 =	seq.s32 s5, $0x0;
	s5 =	sld [smem:$0x3FB3]  }
0x2b: {  	s6 =	sld [smem:$0x3FB4]  }
0x2c: {  	s7 =	sld [smem:$0x3FB5]  }
0x2d: {  	s3 =	simm.s32 $0x108;
	s8 =	sld [smem:$0x3FB6]  }
0x2e: {  	s3 =	simm.s32 @!p0 $0x1082;
	s9 =	sld [smem:$0x3FB7]  }
0x2f: {  	lr =	sadd.s32 s0, s3;
	s0 =	sld [smem:$0x3FAE]  }
0x30: {  	s3 =	sld [smem:$0x3FB1]  }
0x31: {  	[smem:$0x3FBA] =	sst s10  }
0x32: {  	s10 =	sld [smem:$0x3FB8];
	_ =	sdelay $0x3  }
0x33: {  	p0 =	seq.s32 s10, $0x1;
	s10 =	sld [smem:$0x3FBA];
	_ =	sdelay $0x3  }
0x34: {  	[smem:$0x3FBA] =	sst s10  }
0x35: {  	s10 =	sld [smem:$0x3FB9];
	_ =	sdelay $0x3  }
0x36: {  	p1 =	seq.s32 s10, $0x1;
	s10 =	sld [smem:$0x3FBA];
	_ =	sdelay $0x3  }
0x37: {  	[smem:$0x3FBA] =	sst s10  }
0x38: {  	s10 =	sld [smem:$0x3FBB]  }
0x39: {  	_ = 	snop;
	(pc) =	sbr.ind lr, $3  }
0x3a: {  	_ = 	snop  }
0x3b: {  	_ = 	snop  }
0x3c: {  	p2 =	seq.s32 s10, $0x1;
	s10 =	sld [smem:$0x3FBA]  }
0x3d: {  	_ =	shalt  }
0x3e: {  	_ =	shalt  }
0x3f: {  	_ =	shalt  }
0x40: {  	_ =	shalt  }
0x41: {  	_ =	shalt  }
0x42: {  	_ =	shalt  }
0x43: {  	_ =	shalt  }
0x44: {  	_ =	shalt  }
0x45: {  	_ =	shalt  }
0x46: {  	_ =	shalt  }
0x47: {  	_ =	shalt  }
0x48: {  	_ =	shalt  }
0x49: {  	_ =	shalt  }
0x4a: {  	_ =	shalt  }
0x4b: {  	_ =	shalt  }
0x4c: {  	_ =	shalt  }
0x4d: {  	_ =	shalt  }
0x4e: {  	_ =	shalt  }
0x4f: {  	_ =	shalt  }
0x50: {  	_ =	shalt  }
0x51: {  	_ =	shalt  }
0x52: {  	_ =	shalt  }
0x53: {  	_ =	shalt  }
0x54: {  	_ =	shalt  }
0x55: {  	_ =	shalt  }
0x56: {  	_ =	shalt  }
0x57: {  	_ =	shalt  }
0x58: {  	_ =	shalt  }
0x59: {  	_ =	shalt  }
0x5a: {  	_ =	shalt  }
0x5b: {  	_ =	shalt  }
0x5c: {  	_ =	shalt  }
0x5d: {  	_ =	shalt  }
0x5e: {  	_ =	shalt  }
0x5f: {  	_ =	shalt  }
0x60: {  	_ =	shalt  }
0x61: {  	_ =	shalt  }
0x62: {  	_ =	shalt  }
0x63: {  	_ =	shalt  }
0x64: {  	_ =	shalt  }
0x65: {  	_ =	shalt  }
0x66: {  	_ =	shalt  }
0x67: {  	_ =	shalt  }
0x68: {  	_ =	shalt  }
0x69: {  	_ =	shalt  }
0x6a: {  	_ =	shalt  }
0x6b: {  	_ =	shalt  }
0x6c: {  	_ =	shalt  }
0x6d: {  	_ =	shalt  }
0x6e: {  	_ =	shalt  }
0x6f: {  	_ =	shalt  }
0x70: {  	_ =	shalt  }
0x71: {  	_ =	shalt  }
0x72: {  	_ =	shalt  }
0x73: {  	_ =	shalt  }
0x74: {  	_ =	shalt  }
0x75: {  	_ =	shalt  }
0x76: {  	_ =	shalt  }
0x77: {  	_ =	shalt  }
0x78: {  	_ =	shalt  }
0x79: {  	_ =	shalt  }
0x7a: {  	_ =	shalt  }
0x7b: {  	_ =	shalt  }
0x7c: {  	_ =	shalt  }
0x7d: {  	_ =	shalt  }
0x7e: {  	_ =	shalt  }
0x7f: {  	_ =	shalt  }
0x80: {  	_ =	shalt  }
0x81: {  	_ =	shalt  }
0x82: {  	_ =	shalt  }
0x83: {  	_ =	shalt  }
0x84: {  	_ =	shalt  }
0x85: {  	_ =	shalt  }
0x86: {  	_ =	shalt  }
0x87: {  	_ =	shalt  }
.Lfunc_end0:
.L_simem_size_0:
called_computation.1_lowered:
.L_overlay_start_0:
0x88: {  	s2 =	sld [smem:$0x3FD9]  }
0x89: {  	s3 =	sld [smem:$0x3FFE];
	_ =	sdelay $0x1  }
0x8a: {  	s1 =	srdreg.scid  }
0x8b: {  	s0 =	sand.u32 $0x1, s1  }
0x8c: {  	s17 =	sshll.u32 s0, $0xA;
	s2 =	sadd.s32 s3, s2  }
0x8d: {  	s2 =	sadd.s32 s2, s17  }
0x8e: {  	[smem:$0x3FC6] =	sst s2  }
0x8f: {  	_ = 	snop  }
0x90: {  	s2 =	sld [smem:$0x3FD0];
	(tm) =	ssettm $0x1  }
0x91: {  	s18 =	sld [smem:$0x3FFB];
	_ =	sdelay $0x3  }
0x92: {  	_ =	strace s18  }
0x93: {  	s3 =	sld [smem:$0x3FFC];
	_ =	sdelay $0x3  }
0x94: {  	_ =	strace s3  }
0x95: {  	s3 =	sld [smem:$0x3FFD];
	_ =	sdelay $0x3  }
0x96: {  	_ =	strace s3  }
0x97: {  	_ =	strace $0x8FFFFFFF  }
0x98: {  	s19 =	sld [smem:$0x3FDB];
	_ =	sdelay $0x1  }
0x99: {  	s4 =	simm.s32 $_scs_section_size  }
0x9a: {  	s5 =	simm.s32 $_size__tile_overlayer_lowered;
	s6 =	simm.s32 $_tile_overlayer_lowered  }
0x9b: {  	s22 =	simm.s32 $0x1BFF;
	s21 =	sshll.u32 s6, $0x1;
	s3 =	sadd.s32 s4, s19  }
0x9c: {  	s7 =	simm.s32 $0x0;
	s20 =	sshll.u32 s5, $0x1;
	s5 =	sadd.s32 s21, s3  }
0x9d: {  	[timem:s7], [sflag:s22] =	dma.local [hbm:s5], s20  }
0x9e: {  	_ =	swait.ge [sflag:s22], s20  }
0x9f: {  	s4 =	ssub.s32 $0x0, s20;
	[sflag:s22] =	ssyncset.done $0x0  }
0xa0: {  	[sflag:s22] =	ssyncadd.s32 s4;
	_ =	sdelay $0x1  }
0xa1: {  	s23 =	simm.s32 $0x1B8B  }
0xa2: {  	_ =	swait.ge [sflag:s23], $0x1  }
0xa3: {  	[sflag:s23] =	ssyncset.done $0x0  }
0xa4: {  	s25 =	simm.s32 $0x1B8E;
	s24 =	sld [smem:$0x3FFE];
	[sflag:s23] =	ssyncadd.s32 $0xFFFFFFFF  }
0xa5: {  	s26 =	simm.s32 $execute0_lowered;
	[smem:$0x3FD2] =	sst s25  }
0xa6: {  	s5 =	sshll.u32 s26, $0x1;
	_ =	strace $0x80000049;
	[dreg:$0x1] =	wrdreg $0xFFFFFFFF  }
0xa7: {  	s28 =	simm.s32 $_size_execute0_lowered;
	s3 =	sadd.s32 s3, s5;
	[dreg:$0x0] =	wrdreg $0x0  }
0xa8: {  	s5 =	sshll.u32 s28, $0x1;
	[dreg:$0x2] =	wrdreg s3  }
0xa9: {  	[dreg:$0x3] =	wrdreg s5  }
0xaa: {  	[dreg:$0x4] =	wrdreg $0xC0  }
0xab: {  	_ =	task [dreg:s7], $0x5FFFF  }
0xac: {  	[dreg:$0x1] =	wrdreg $0xFFFFFFFF  }
0xad: {  	[dreg:$0x0] =	wrdreg $0x60  }
0xae: {  	[dreg:$0x2] =	wrdreg s2  }
0xaf: {  	[dreg:$0x3] =	wrdreg s24  }
0xb0: {  	[dreg:$0x4] =	wrdreg $0x9  }
0xb1: {  	_ =	task.clear_ibuf [dreg:s7], $0x5FFFF;
	_ =	strace $0x90000049  }
0xb2: {  	s29 =	simm.s32 $0x9;
	_ =	strace $0x8000004B  }
0xb3: {  	_ =	swait.ge [sflag:s29], $0x1  }
0xb4: {  	[sflag:s29] =	ssyncadd.s32 $0xFFFFFFFF  }
0xb5: {  	_ =	strace $0x9000004B  }
0xb6: {  	_ =	sfence  }
0xb7: {  	s30 =	sld [smem:$0x0];
	_ =	sdelay $0x2  }
0xb8: {  	s31 =	sshll.u32 s1, $0xD;
	s1 =	sshrl.u32 s1, $0x2  }
0xb9: {  	s3 =	sand.u32 $0x4000, s31;
	s1 =	sadd.s32 s1, s30  }
0xba: {  	s0 =	sor.u32 s3, s0;
	s1 =	sshll.u32 s1, $0x11  }
0xbb: {  	s0 =	sor.u32 s1, s0  }
0xbc: {  	s0 =	sadd.s32 $0x8F2B, s0  }
0xbd: {  	[sflag:s0] =	ssyncadd.remote.s32 $0x1  }
0xbe: {  	_ =	sfence.sel $0xFFFF  }
0xbf: {  	[dreg:$0x0] =	wrdreg $0xFFFFFFFF;
	(pc) =	sbr.abs _section_cstart, $3  }
0xc0: {  	[dreg:$0x1] =	wrdreg $0xFFFFFFFF  }
0xc1: {  	_ =	task.clear_ibuf [dreg:s7], $0x2FFFF;
	_ =	strace $0x9FFFFFFF  }
0xc2: {  	(tm) =	ssettm $0x7FFFFFFF  }
0xc3: {  	_ =	shalt  }
tec
execute0_lowered:
.L_overlay_start_1:
0x0: {  	(tag) =	ssettag $0x1  }
0x1: {  	s1 =	rddreg [dreg:$0x0]  }
0x2: {  	s6 =	rddreg [dreg:$0x1]  }
0x3: {  	s0 =	rddreg [dreg:$0x2];
	s3 =	simm.s32 $0x0;
	s4 =	srdreg.scid  }
0x4: {  	s2 =	stileid.u32;
	s10 =	simm.s32 $0x1;
	s11 =	simm.s32 $0x3  }
0x5: {  	s12 =	simm.s32 $0x200;
	s13 =	simm.s32 $0x4000;
	s14 =	simm.s32 $0x6200  }
0x6: {  	s15 =	simm.s32 $0x2;
	s16 =	simm.s32 $0x0;
	s5 =	sand.u32 $0x1, s4  }
0x7: {  	[smem:$0x7FF] =	sst s3;
	s7 =	sshll.u32 s2, $0xA;
	s8 =	sshll.u32 s5, $0x9  }
0x8: {  	s4 =	sadd.s32 $0xC00, s6;
	s9 =	ssub.s32 $0x2, s5;
	s5 =	sor.u32 s8, s7  }
0x9: {  	s6 =	sadd.s32 $0x4F6600, s6;
	s31 =	sshrl.u32 s9, $0x1;
	s8 =	sshrl.u32 s5, $0x3  }
0xa: {  	_ =	strace $0x8000004A;
	s9 =	ssub.s32 s9, s31;
	s8 =	sadd.s32 s8, s6  }
0xb: {  	s7 =	sor.u32 $0xFFFC0000, s5;
	s9 =	smax.u32 s9, $0x1;
	s8 =	sadd.s32 $0xC8000, s8  }
.LBB2_1:
0xc: {  	p0 =	por $0x0, $0x0;
	s17 =	simm.s32 $0x0  }
.LBB2_2:
0xd: {  	s18 =	sshll.u32 s17, $0xE  }
0xe: {  	s18 =	sor.u32 s5, s18  }
0xf: {  	s18 =	sshrl.u32 s18, $0x3  }
0x10: {  	s18 =	sadd.s32 s1, s18  }
0x11: {  	[tilespmem:s3], [sflag:$0x3] =	stream.linear.gather [hbm4b:s18+s3], $0x200, $0x38;
	[tilespmem:$0x8200] =	vst v63  }
0x12: {  	_ =	swait.ge [sflag:s11], $0x200  }
0x13: {  	[sflag:s11] =	ssyncset.done $0x0  }
0x14: {  	s21 =	simm.s32 $0x10;
	[sflag:s11] =	ssyncadd.s32 $0xFFFFFE00  }
0x15: {  	v1 =	vld [tilespmem:s21+$0xFFFFFFF0];
	_ =	sdelay $0x1  }
0x16: {  	s19 =	smul.u32 $0x186A0, s17;
	s18 =	simm.s32 $0x1  }
0x17: {  	s18 =	simm.s32 @!p0 $0x0  }
0x18: {  	v0 =	vmov s19;
	s18 =	sshll.u32 s18, $0xD  }
0x19: {  	s31 =	sshll.u32 s17, $0xD;
	s19 =	sor.u32 $0x1200, s18;
	v7 =	vadd.s32 v0, v1  }
0x1a: {  	s18 =	sand.u32 $0x2000, s31;
	[tilespmem:s19+$0xFFFFF000] =	vst v7;
	v1 =	vadd.s32 $0x27AC80, v7  }
0x1b: {  	v2 =	vadd.s32 $0x4F5900, v7;
	v4 =	vadd.s32 $0x770580, v7;
	[tilespmem:s19+$0xFFFFF200] =	vst v1  }
0x1c: {  	v9 =	vadd.s32 $0x9EB200, v7;
	v5 =	vadd.s32 $0x1651080, v7;
	[tilespmem:s19+$0xFFFFF400] =	vst v2  }
0x1d: {  	v3 =	vadd.s32 $0x13D6400, v7;
	v6 =	vadd.s32 $0xEE0B00, v7;
	[tilespmem:s19+$0x200] =	vst v5  }
0x1e: {  	v10 =	vadd.s32 $0x18CBD00, v7;
	v8 =	vadd.s32 $0x1DC1600, v7;
	[tilespmem:s19+$0xFFFFF600] =	vst v4  }
0x1f: {  	v1 =	vadd.s32 $0x2531B80, v7;
	v2 =	vadd.s32 $0xC65E80, v7;
	[tilespmem:s19+$0x400] =	vst v10  }
0x20: {  	s23 =	simm.s32 $0x0;
	v5 =	vadd.s32 $0x1B46980, v7;
	v4 =	vadd.s32 $0x203C280, v7;
	[tilespmem:s19+$0xFFFFF800] =	vst v9  }
0x21: {  	s22 =	simm.s32 $0x10;
	s20 =	sor.u32 $0x200, s18;
	s24 =	smov.u32 s19;
	[tilespmem:s19+$0xE00] =	vst v1;
	v1 =	vadd.s32 $0x115B780, v7;
	v7 =	vadd.s32 $0x22B6F00, v7  }
.LBB2_3:
0x22: {  	s23 =	sadd.s32 $0x2, s23;
	[tilespmem:s19+$0xFFFFFC00] =	vst v6;
	s24 =	sadd.s32 $0x20, s24;
	s21 =	sadd.s32 $0x20, s21  }
0x23: {  	p1 =	slt.u32 s23, $0x1E;
	[tilespmem:s19+$0x800] =	vst v8  }
0x24: {  	[tilespmem:s19+$0x600] =	vst v5  }
0x25: {  	[tilespmem:s19+$0xFFFFFA00] =	vst v2  }
0x26: {  	[tilespmem:s19+$0xC00] =	vst v7  }
0x27: {  	[tilespmem:s19+$0x0] =	vst v3  }
0x28: {  	[tilespmem:s19+$0xA00] =	vst v4  }
0x29: {  	[tilespmem:s19+$0xFFFFFE00] =	vst v1  }
0x2a: {  	v1 =	vld [tilespmem:s22+$0x0];
	s22 =	smov.u32 s21;
	_ =	sdelay $0x4  }
0x2b: {  	v1 =	vadd.s32 v0, v1  }
0x2c: {  	[tilespmem:s19+$0xFFFFF010] =	vst v1;
	v2 =	vadd.s32 $0x27AC80, v1;
	v3 =	vadd.s32 $0x4F5900, v1  }
0x2d: {  	v4 =	vadd.s32 $0xC65E80, v1;
	[tilespmem:s19+$0xFFFFF410] =	vst v3;
	v3 =	vadd.s32 $0x9EB200, v1  }
0x2e: {  	v5 =	vadd.s32 $0x13D6400, v1;
	[tilespmem:s19+$0xFFFFF210] =	vst v2;
	v2 =	vadd.s32 $0x115B780, v1  }
0x2f: {  	v6 =	vadd.s32 $0x18CBD00, v1;
	[tilespmem:s19+$0xFFFFF810] =	vst v3;
	v3 =	vadd.s32 $0x1651080, v1  }
0x30: {  	v7 =	vadd.s32 $0x1DC1600, v1;
	[tilespmem:s19+$0xFFFFFA10] =	vst v4;
	v4 =	vadd.s32 $0x1B46980, v1  }
0x31: {  	v8 =	vadd.s32 $0x22B6F00, v1;
	[tilespmem:s19+$0x610] =	vst v4;
	v4 =	vadd.s32 $0x203C280, v1  }
0x32: {  	[tilespmem:s19+$0x810] =	vst v7;
	v7 =	vadd.s32 $0x2531B80, v1  }
0x33: {  	[tilespmem:s19+$0x10] =	vst v5  }
0x34: {  	[tilespmem:s19+$0xFFFFFE10] =	vst v2  }
0x35: {  	[tilespmem:s19+$0xC10] =	vst v8  }
0x36: {  	v2 =	vadd.s32 $0x770580, v1;
	[tilespmem:s19+$0xE10] =	vst v7  }
0x37: {  	[tilespmem:s19+$0xFFFFF610] =	vst v2  }
0x38: {  	v1 =	vadd.s32 $0xEE0B00, v1;
	[tilespmem:s19+$0x210] =	vst v3  }
0x39: {  	[tilespmem:s19+$0xFFFFFC10] =	vst v1  }
0x3a: {  	[tilespmem:s19+$0x410] =	vst v6  }
0x3b: {  	[tilespmem:s19+$0xA10] =	vst v4;
	s19 =	smov.u32 s24  }
0x3c: {  	v1 =	vld [tilespmem:s21+$0xFFFFFFF0];
	_ =	sdelay $0x4  }
0x3d: {  	v7 =	vadd.s32 v0, v1  }
0x3e: {  	[tilespmem:s24+$0xFFFFF000] =	vst v7  }
0x3f: {  	v1 =	vadd.s32 $0x27AC80, v7;
	v2 =	vadd.s32 $0x4F5900, v7;
	v4 =	vadd.s32 $0x770580, v7  }
0x40: {  	v9 =	vadd.s32 $0x9EB200, v7;
	v5 =	vadd.s32 $0x2531B80, v7;
	[tilespmem:s24+$0xFFFFF200] =	vst v1  }
0x41: {  	v3 =	vadd.s32 $0x13D6400, v7;
	[tilespmem:s24+$0xFFFFF400] =	vst v2;
	v2 =	vadd.s32 $0xC65E80, v7  }
0x42: {  	v8 =	vadd.s32 $0x1651080, v7;
	v6 =	vadd.s32 $0xEE0B00, v7;
	v1 =	vadd.s32 $0x115B780, v7  }
.Ltmp0:
0x43: {  	v10 =	vadd.s32 $0x18CBD00, v7;
	[tilespmem:s24+$0xE00] =	vst v5;
	(pc) =	sbr.rel @p1 .LBB2_3-.Ltmp0, $4  }
0x44: {  	v5 =	vadd.s32 $0x1B46980, v7;
	[tilespmem:s24+$0x200] =	vst v8;
	v8 =	vadd.s32 $0x1DC1600, v7  }
0x45: {  	[tilespmem:s24+$0xFFFFF600] =	vst v4;
	v4 =	vadd.s32 $0x203C280, v7;
	v7 =	vadd.s32 $0x22B6F00, v7  }
0x46: {  	[tilespmem:s24+$0x400] =	vst v10  }
0x47: {  	[tilespmem:s24+$0xFFFFF800] =	vst v9  }
0x48: {  	[tilespmem:s19+$0xFFFFFC00] =	vst v6  }
0x49: {  	[tilespmem:s19+$0x800] =	vst v8  }
0x4a: {  	[tilespmem:s19+$0x600] =	vst v5  }
0x4b: {  	[tilespmem:s19+$0xFFFFFA00] =	vst v2  }
0x4c: {  	[tilespmem:s19+$0xC00] =	vst v7  }
0x4d: {  	[tilespmem:s19+$0x0] =	vst v3  }
0x4e: {  	[tilespmem:s19+$0xA00] =	vst v4  }
0x4f: {  	[tilespmem:s19+$0xFFFFFE00] =	vst v1  }
0x50: {  	v1 =	vld [tilespmem:s22+$0x0];
	_ =	sdelay $0x4  }
0x51: {  	v0 =	vadd.s32 v0, v1  }
0x52: {  	[tilespmem:s19+$0xFFFFF010] =	vst v0;
	v1 =	vadd.s32 $0x4F5900, v0  }
0x53: {  	v51 =	vadd.s32 $0x27AC80, v0;
	[tilespmem:s19+$0xFFFFF410] =	vst v1  }
0x54: {  	v52 =	vadd.s32 $0x9EB200, v0;
	[tilespmem:s19+$0xFFFFF210] =	vst v51  }
0x55: {  	v53 =	vadd.s32 $0xC65E80, v0;
	[tilespmem:s19+$0xFFFFF810] =	vst v52  }
0x56: {  	v54 =	vadd.s32 $0x1B46980, v0;
	[tilespmem:s19+$0xFFFFFA10] =	vst v53  }
0x57: {  	v55 =	vadd.s32 $0x1DC1600, v0;
	[tilespmem:s19+$0x610] =	vst v54  }
0x58: {  	v56 =	vadd.s32 $0x13D6400, v0;
	[tilespmem:s19+$0x810] =	vst v55  }
0x59: {  	v57 =	vadd.s32 $0x115B780, v0;
	[tilespmem:s19+$0x10] =	vst v56  }
0x5a: {  	v58 =	vadd.s32 $0x22B6F00, v0;
	[tilespmem:s19+$0xFFFFFE10] =	vst v57  }
0x5b: {  	v59 =	vadd.s32 $0x2531B80, v0;
	[tilespmem:s19+$0xC10] =	vst v58  }
0x5c: {  	v60 =	vadd.s32 $0x770580, v0;
	[tilespmem:s19+$0xE10] =	vst v59  }
0x5d: {  	v61 =	vadd.s32 $0x1651080, v0;
	[tilespmem:s19+$0xFFFFF610] =	vst v60  }
0x5e: {  	v62 =	vadd.s32 $0xEE0B00, v0;
	[tilespmem:s19+$0x210] =	vst v61  }
0x5f: {  	v63 =	vadd.s32 $0x18CBD00, v0;
	[tilespmem:s19+$0xFFFFFC10] =	vst v62  }
0x60: {  	p1 =	slt.u32 s17, $0x2;
	v0 =	vadd.s32 $0x203C280, v0;
	[tilespmem:s19+$0x410] =	vst v63  }
0x61: {  	[tilespmem:s19+$0xA10] =	vst v0;
	s19 =	simm.s32 @!p1 $0x2  }
0x62: {  	_ =	swait.ge @!p1 [sflag:s19], $0x2000  }
0x63: {  	[sflag:s19] =	ssyncset.done @!p1 $0x0  }
0x64: {  	s31 =	sadd.s32 $0x4200, s18;
	[sflag:s19] =	ssyncadd.s32 @!p1 $0xFFFFE000  }
0x65: {  	[tilespmem:s31], [sflag:$0x1] =	stream.indirect.gather [hbm4b:s4+s12], $0x1, s20, s12, $0xb8;
	[tilespmem:$0x8200] =	vst v63  }
0x66: {  	s21 =	sadd.s32 $0x4400, s18;
	s22 =	sadd.s32 $0x400, s18  }
0x67: {  	[tilespmem:s21], [sflag:$0x1] =	stream.indirect.gather [hbm4b:s4+s12], $0x1, s22, s12, $0xb8;
	[tilespmem:$0x8200] =	vst v63  }
0x68: {  	s23 =	sadd.s32 $0x4600, s18;
	s24 =	sadd.s32 $0x600, s18  }
0x69: {  	[tilespmem:s23], [sflag:$0x1] =	stream.indirect.gather [hbm4b:s4+s12], $0x1, s24, s12, $0xb8;
	[tilespmem:$0x8200] =	vst v63  }
0x6a: {  	s25 =	sadd.s32 $0x4800, s18;
	s26 =	sadd.s32 $0x800, s18  }
0x6b: {  	[tilespmem:s25], [sflag:$0x1] =	stream.indirect.gather [hbm4b:s4+s12], $0x1, s26, s12, $0xb8;
	[tilespmem:$0x8200] =	vst v63  }
0x6c: {  	s28 =	sadd.s32 $0x4A00, s18;
	s29 =	sadd.s32 $0xA00, s18  }
0x6d: {  	[tilespmem:s28], [sflag:$0x1] =	stream.indirect.gather [hbm4b:s4+s12], $0x1, s29, s12, $0xb8;
	[tilespmem:$0x8200] =	vst v63  }
0x6e: {  	s30 =	sadd.s32 $0x4C00, s18;
	s31 =	sadd.s32 $0xC00, s18  }
0x6f: {  	[tilespmem:s30], [sflag:$0x1] =	stream.indirect.gather [hbm4b:s4+s12], $0x1, s31, s12, $0xb8;
	[tilespmem:$0x8200] =	vst v63  }
0x70: {  	s21 =	sadd.s32 $0x4E00, s18;
	s22 =	sadd.s32 $0xE00, s18  }
0x71: {  	[tilespmem:s21], [sflag:$0x1] =	stream.indirect.gather [hbm4b:s4+s12], $0x1, s22, s12, $0xb8;
	[tilespmem:$0x8200] =	vst v63  }
0x72: {  	s23 =	sadd.s32 $0x5000, s18;
	s24 =	sadd.s32 $0x1000, s18  }
0x73: {  	[tilespmem:s23], [sflag:$0x1] =	stream.indirect.gather [hbm4b:s4+s12], $0x1, s24, s12, $0xb8;
	[tilespmem:$0x8200] =	vst v63  }
0x74: {  	s25 =	sadd.s32 $0x5200, s18;
	s26 =	sadd.s32 $0x1200, s18  }
0x75: {  	[tilespmem:s25], [sflag:$0x1] =	stream.indirect.gather [hbm4b:s4+s12], $0x1, s26, s12, $0xb8;
	[tilespmem:$0x8200] =	vst v63  }
0x76: {  	s28 =	sadd.s32 $0x5400, s18;
	s29 =	sadd.s32 $0x1400, s18  }
0x77: {  	[tilespmem:s28], [sflag:$0x1] =	stream.indirect.gather [hbm4b:s4+s12], $0x1, s29, s12, $0xb8;
	[tilespmem:$0x8200] =	vst v63  }
0x78: {  	s30 =	sadd.s32 $0x5600, s18;
	s31 =	sadd.s32 $0x1600, s18  }
0x79: {  	[tilespmem:s30], [sflag:$0x1] =	stream.indirect.gather [hbm4b:s4+s12], $0x1, s31, s12, $0xb8;
	[tilespmem:$0x8200] =	vst v63  }
0x7a: {  	s21 =	sadd.s32 $0x5800, s18;
	s22 =	sadd.s32 $0x1800, s18  }
0x7b: {  	[tilespmem:s21], [sflag:$0x1] =	stream.indirect.gather [hbm4b:s4+s12], $0x1, s22, s12, $0xb8;
	[tilespmem:$0x8200] =	vst v63  }
0x7c: {  	s23 =	sadd.s32 $0x5A00, s18;
	s24 =	sadd.s32 $0x1A00, s18  }
0x7d: {  	[tilespmem:s23], [sflag:$0x1] =	stream.indirect.gather [hbm4b:s4+s12], $0x1, s24, s12, $0xb8;
	[tilespmem:$0x8200] =	vst v63  }
0x7e: {  	s25 =	sadd.s32 $0x5C00, s18;
	s26 =	sadd.s32 $0x1C00, s18  }
0x7f: {  	[tilespmem:s25], [sflag:$0x1] =	stream.indirect.gather [hbm4b:s4+s12], $0x1, s26, s12, $0xb8;
	[tilespmem:$0x8200] =	vst v63  }
0x80: {  	p1 =	seq.s32 s17, $0x0;
	s28 =	sadd.s32 $0x5E00, s18;
	s29 =	sadd.s32 $0x1E00, s18  }
0x81: {  	[tilespmem:s28], [sflag:$0x1] =	stream.indirect.gather [hbm4b:s4+s12], $0x1, s29, s12, $0xb8;
	[tilespmem:$0x8200] =	vst v63  }
0x82: {  	s19 =	simm.s32 @!p1 $0x1;
	s30 =	sadd.s32 $0x6000, s18;
	s31 =	sadd.s32 $0x2000, s18  }
0x83: {  	[tilespmem:s30], [sflag:$0x1] =	stream.indirect.gather [hbm4b:s4+s12], $0x1, s31, s12, $0xb8;
	[tilespmem:$0x8200] =	vst v63  }
0x84: {  	_ =	swait.ge @!p1 [sflag:s19], $0x200  }
0x85: {  	[sflag:s19] =	ssyncset.done @!p1 $0x0  }
0x86: {  	[sflag:s19] =	ssyncadd.s32 @!p1 $0xFFFFFE00  }
0x87: {  	_ =	swait.ge @!p1 [sflag:s19], $0x200  }
0x88: {  	[sflag:s19] =	ssyncset.done @!p1 $0x0  }
0x89: {  	[sflag:s19] =	ssyncadd.s32 @!p1 $0xFFFFFE00  }
0x8a: {  	_ =	swait.ge @!p1 [sflag:s19], $0x200  }
0x8b: {  	[sflag:s19] =	ssyncset.done @!p1 $0x0  }
0x8c: {  	[sflag:s19] =	ssyncadd.s32 @!p1 $0xFFFFFE00  }
0x8d: {  	_ =	swait.ge @!p1 [sflag:s19], $0x200  }
0x8e: {  	[sflag:s19] =	ssyncset.done @!p1 $0x0  }
0x8f: {  	[sflag:s19] =	ssyncadd.s32 @!p1 $0xFFFFFE00  }
0x90: {  	_ =	swait.ge @!p1 [sflag:s19], $0x200  }
0x91: {  	[sflag:s19] =	ssyncset.done @!p1 $0x0  }
0x92: {  	[sflag:s19] =	ssyncadd.s32 @!p1 $0xFFFFFE00  }
0x93: {  	_ =	swait.ge @!p1 [sflag:s19], $0x200  }
0x94: {  	[sflag:s19] =	ssyncset.done @!p1 $0x0  }
0x95: {  	[sflag:s19] =	ssyncadd.s32 @!p1 $0xFFFFFE00  }
0x96: {  	_ =	swait.ge @!p1 [sflag:s19], $0x200  }
0x97: {  	[sflag:s19] =	ssyncset.done @!p1 $0x0  }
0x98: {  	[sflag:s19] =	ssyncadd.s32 @!p1 $0xFFFFFE00  }
0x99: {  	_ =	swait.ge @!p1 [sflag:s19], $0x200  }
0x9a: {  	[sflag:s19] =	ssyncset.done @!p1 $0x0  }
0x9b: {  	[sflag:s19] =	ssyncadd.s32 @!p1 $0xFFFFFE00  }
0x9c: {  	_ =	swait.ge @!p1 [sflag:s19], $0x200  }
0x9d: {  	[sflag:s19] =	ssyncset.done @!p1 $0x0  }
0x9e: {  	[sflag:s19] =	ssyncadd.s32 @!p1 $0xFFFFFE00  }
0x9f: {  	_ =	swait.ge @!p1 [sflag:s19], $0x200  }
0xa0: {  	[sflag:s19] =	ssyncset.done @!p1 $0x0  }
0xa1: {  	[sflag:s19] =	ssyncadd.s32 @!p1 $0xFFFFFE00  }
0xa2: {  	_ =	swait.ge @!p1 [sflag:s19], $0x200  }
0xa3: {  	[sflag:s19] =	ssyncset.done @!p1 $0x0  }
0xa4: {  	[sflag:s19] =	ssyncadd.s32 @!p1 $0xFFFFFE00  }
0xa5: {  	_ =	swait.ge @!p1 [sflag:s19], $0x200  }
0xa6: {  	[sflag:s19] =	ssyncset.done @!p1 $0x0  }
0xa7: {  	[sflag:s19] =	ssyncadd.s32 @!p1 $0xFFFFFE00  }
0xa8: {  	_ =	swait.ge @!p1 [sflag:s19], $0x200  }
0xa9: {  	[sflag:s19] =	ssyncset.done @!p1 $0x0  }
0xaa: {  	[sflag:s19] =	ssyncadd.s32 @!p1 $0xFFFFFE00  }
0xab: {  	_ =	swait.ge @!p1 [sflag:s19], $0x200  }
0xac: {  	[sflag:s19] =	ssyncset.done @!p1 $0x0  }
0xad: {  	[sflag:s19] =	ssyncadd.s32 @!p1 $0xFFFFFE00  }
0xae: {  	_ =	swait.ge @!p1 [sflag:s19], $0x200  }
0xaf: {  	s20 =	sshll.u32 @!p1 s17, $0x12;
	[sflag:s19] =	ssyncset.done @!p1 $0x0  }
0xb0: {  	s20 =	sadd.s32 @!p1 s7, s20;
	[sflag:s19] =	ssyncadd.s32 @!p1 $0xFFFFFE00  }
0xb1: {  	s17 =	sadd.s32 $0x1, s17;
	s20 =	sshrl.u32 @!p1 s20, $0x3;
	_ =	swait.ge @!p1 [sflag:s19], $0x200  }
0xb2: {  	s18 =	ssub.s32 @!p1 $0x6200, s18;
	s21 =	simm.s32 @!p1 $0x4000;
	[sflag:s19] =	ssyncset.done @!p1 $0x0  }
0xb3: {  	[sflag:s19] =	ssyncadd.s32 @!p1 $0xFFFFFE00;
	s19 =	sadd.s32 @!p1 s6, s20;
	s20 =	simm.s32 @!p1 $0x200  }
0xb4: {  	[hbm4b:s19+s20] =	stream.strided.scatter @!p1 [tilespmem:s18], [sflag:$0x2], $0x2000, s21, s20, $0x38;
	[tilespmem:$0x8200] =	vst v63  }
0xb5: {  	p1 =	sne.s32 s17, $0x1A  }
.Ltmp1:
0xb6: {  	_ = 	snop;
	(pc) =	sbr.rel @p1 .LBB2_2-.Ltmp1, $2  }
0xb7: {  	_ =	sdelay $0x2  }
0xb8: {  	p0 =	por !p0, !p0  }
0xb9: {  	_ =	swait.ge [sflag:s10], $0x200  }
0xba: {  	[sflag:s10] =	ssyncset.done $0x0  }
0xbb: {  	[sflag:s10] =	ssyncadd.s32 $0xFFFFFE00  }
0xbc: {  	_ =	swait.ge [sflag:s10], $0x200  }
0xbd: {  	[sflag:s10] =	ssyncset.done $0x0  }
0xbe: {  	[sflag:s10] =	ssyncadd.s32 $0xFFFFFE00  }
0xbf: {  	_ =	swait.ge [sflag:s10], $0x200  }
0xc0: {  	[sflag:s10] =	ssyncset.done $0x0  }
0xc1: {  	[sflag:s10] =	ssyncadd.s32 $0xFFFFFE00  }
0xc2: {  	_ =	swait.ge [sflag:s10], $0x200  }
0xc3: {  	[sflag:s10] =	ssyncset.done $0x0  }
0xc4: {  	[sflag:s10] =	ssyncadd.s32 $0xFFFFFE00  }
0xc5: {  	_ =	swait.ge [sflag:s10], $0x200  }
0xc6: {  	[sflag:s10] =	ssyncset.done $0x0  }
0xc7: {  	[sflag:s10] =	ssyncadd.s32 $0xFFFFFE00  }
0xc8: {  	_ =	swait.ge [sflag:s10], $0x200  }
0xc9: {  	[sflag:s10] =	ssyncset.done $0x0  }
0xca: {  	[sflag:s10] =	ssyncadd.s32 $0xFFFFFE00  }
0xcb: {  	_ =	swait.ge [sflag:s10], $0x200  }
0xcc: {  	[sflag:s10] =	ssyncset.done $0x0  }
0xcd: {  	[sflag:s10] =	ssyncadd.s32 $0xFFFFFE00  }
0xce: {  	_ =	swait.ge [sflag:s10], $0x200  }
0xcf: {  	[sflag:s10] =	ssyncset.done $0x0  }
0xd0: {  	[sflag:s10] =	ssyncadd.s32 $0xFFFFFE00  }
0xd1: {  	_ =	swait.ge [sflag:s10], $0x200  }
0xd2: {  	[sflag:s10] =	ssyncset.done $0x0  }
0xd3: {  	[sflag:s10] =	ssyncadd.s32 $0xFFFFFE00  }
0xd4: {  	_ =	swait.ge [sflag:s10], $0x200  }
0xd5: {  	[sflag:s10] =	ssyncset.done $0x0  }
0xd6: {  	[sflag:s10] =	ssyncadd.s32 $0xFFFFFE00  }
0xd7: {  	_ =	swait.ge [sflag:s10], $0x200  }
0xd8: {  	[sflag:s10] =	ssyncset.done $0x0  }
0xd9: {  	[sflag:s10] =	ssyncadd.s32 $0xFFFFFE00  }
0xda: {  	_ =	swait.ge [sflag:s10], $0x200  }
0xdb: {  	[sflag:s10] =	ssyncset.done $0x0  }
0xdc: {  	[sflag:s10] =	ssyncadd.s32 $0xFFFFFE00  }
0xdd: {  	_ =	swait.ge [sflag:s10], $0x200  }
0xde: {  	[sflag:s10] =	ssyncset.done $0x0  }
0xdf: {  	[sflag:s10] =	ssyncadd.s32 $0xFFFFFE00  }
0xe0: {  	_ =	swait.ge [sflag:s10], $0x200  }
0xe1: {  	[sflag:s10] =	ssyncset.done $0x0  }
0xe2: {  	[sflag:s10] =	ssyncadd.s32 $0xFFFFFE00  }
0xe3: {  	_ =	swait.ge [sflag:s10], $0x200  }
0xe4: {  	[sflag:s10] =	ssyncset.done $0x0  }
0xe5: {  	[sflag:s10] =	ssyncadd.s32 $0xFFFFFE00  }
0xe6: {  	_ =	swait.ge [sflag:s10], $0x200  }
0xe7: {  	[sflag:s10] =	ssyncset.done $0x0  }
0xe8: {  	s16 =	sadd.s32 $0x1, s16;
	[sflag:s10] =	ssyncadd.s32 $0xFFFFFE00  }
0xe9: {  	[hbm4b:s8+s12] =	stream.strided.scatter [tilespmem:s14], [sflag:$0x2], $0x2000, s13, s12, $0x38;
	[tilespmem:$0x8200] =	vst v63  }
0xea: {  	p0 =	sne.s32 s16, s9;
	_ =	swait.ge [sflag:s15], $0x2000  }
.Ltmp2:
0xeb: {  	[sflag:s15] =	ssyncset.done $0x0;
	(pc) =	sbr.rel @p0 .LBB2_1-.Ltmp2, $4  }
0xec: {  	[sflag:s15] =	ssyncadd.s32 $0xFFFFE000  }
0xed: {  	_ =	swait.ge [sflag:s15], $0x2000  }
0xee: {  	[sflag:s15] =	ssyncset.done $0x0  }
0xef: {  	[sflag:s15] =	ssyncadd.s32 $0xFFFFE000  }
0xf0: {  	_ =	sfence.sel $0x180000  }
0xf1: {  	[bflag:$0x0] =	sbarrier.arrive $0xFFFF  }
0xf2: {  	p0 =	sne.s32 s2, $0x0;
	_ =	strace $0x9000004A  }
0xf3: {  	s0 =	sadd.s32 @!p0 $0x100000, s0;
	[bflag:$0x2] =	sbarrier.arrive $0xFFFF  }
0xf4: {  	[sflag:s0] =	ssyncadd.tile.s32 @!p0 $0x1;
	_ =	shalt  }
.Lfunc_end2:
_tile_overlayer_lowered:
.L_overlay_start_2:
0xf5: {  	(tag) =	ssettag $0x2  }
0xf6: {  	s0 =	rddreg [dreg:$0x0];
	s2 =	stileid.u32  }
0xf7: {  	s1 =	rddreg [dreg:$0x1];
	p0 =	sne.s32 s2, $0x0  }
0xf8: {  	s3 =	rddreg [dreg:$0x2];
	[bflag:$0x3] =	sbarrier.arrive $0xFFFF;
	s2 =	simm.s32 @!p0 $0x1C03  }
0xf9: {  	[timem:s3], [sflag:s2] =	dma.local @!p0 [hbm:s0], s1  }
0xfa: {  	s0 =	simm.s32 @!p0 $0x3  }
0xfb: {  	_ =	swait.ge @!p0 [sflag:s0], s1  }
0xfc: {  	s1 =	ssub.s32 @!p0 $0x0, s1;
	[sflag:s0] =	ssyncset.done @!p0 $0x0  }
0xfd: {  	[sflag:s0] =	ssyncadd.s32 @!p0 s1  }
0xfe: {  	[bflag:$0x3] =	sbarrier.arrive $0xFFFF  }
0xff: {  	_ =	shalt  }

</sc_bundles>
